<compile_context>
chip_gen: v7x
topology: tpu7x:2x2x1
jax: 0.10.2.dev20260603
libtpu: 0.0.44.dev20260713+nightly
codegen_flags: <defaults>
</compile_context>

<pallas_src>
import functools

import jax
import jax.numpy as jnp
from jax import lax
from jax.experimental import pallas as pl
from jax.experimental.pallas import tpu as pltpu
from jax.experimental.pallas import tpu_sc as plsc


def _sc_gather(table2, idx, num_cores, num_subcores, nbuf):
    n = idx.shape[0]
    nw = num_cores * num_subcores
    nb_blocks = 16384 // 128
    units = n // 128
    per_w = units // nw
    mesh = plsc.VectorSubcoreMesh(core_axis_name="c", subcore_axis_name="s")

    @functools.partial(
        pl.kernel,
        mesh=mesh,
        out_type=jax.ShapeDtypeStruct((50, 8, 128, 8, 128), jnp.float32),
        scratch_types=[
            pltpu.VMEM((per_w * 128,), jnp.int32),
            [pltpu.VMEM((128, 64), jnp.float32) for _ in range(nbuf)],
            [pltpu.VMEM((8, 8, 137), jnp.float32) for _ in range(nbuf)],
            [pltpu.SemaphoreType.DMA for _ in range(nbuf)],
            [pltpu.SemaphoreType.DMA for _ in range(nbuf)],
        ],
        compiler_params=pltpu.CompilerParams(
            use_tc_tiling_on_sc=False, needs_layout_passes=False
        ),
    )
    def k(idx_hbm, table_hbm, out_hbm, idx_v, rows_v, outt_v, sem_g, sem_s):
        wid = lax.axis_index("s") * num_cores + lax.axis_index("c")
        base_u = wid * per_w
        pltpu.sync_copy(idx_hbm.at[pl.ds(base_u * 128, per_w * 128)], idx_v)

        def gather(b, u):
            uc = jnp.minimum(u, per_w - 1)
            return pltpu.make_async_copy(
                table_hbm.at[idx_v.at[pl.ds(uc * 128, 128)]],
                rows_v[b],
                sem_g[b],
            )

        def store(b, u):
            gu = base_u + jnp.minimum(u, per_w - 1)
            h = gu // nb_blocks
            j = gu % nb_blocks
            return pltpu.make_async_copy(
                outt_v[b].at[:, :, pl.ds(0, 128)], out_hbm.at[h, :, j], sem_s[b]
            )

        lane = lax.iota(jnp.int32, 16)
        ci_q = [(lane + 16 * q) // 8 for q in range(4)]
        cs_q = [(lane + 16 * q) % 8 for q in range(4)]

        def transpose(b):
            @plsc.parallel_loop(0, 128, unroll=4)
            def _(t):
                tb = jnp.full((16,), t, jnp.int32)
                for q in range(4):
                    v = rows_v[b][t, pl.ds(16 * q, 16)]
                    plsc.store_scatter(outt_v[b], [ci_q[q], cs_q[q], tb], v)

        for b in range(nbuf):
            gather(b, b).start()

        @pl.loop(0, per_w, step=nbuf)
        def _(u0):
            for b in range(nbuf):
                u = u0 + b

                @pl.when(u0 > 0)
                def _():
                    store(b, 0).wait()

                gather(b, u).wait()
                transpose(b)
                store(b, u).start()
                gather(b, u + nbuf).start()

        for b in range(nbuf):
            gather(b, 0).wait()
            store(b, 0).wait()

    return k(idx, table2)


def kernel(tokens, table):
    bsz, h = tokens.shape
    d = table.shape[1]
    idx = tokens.T.reshape(bsz * h).astype(jnp.int32)
    info = plsc.get_sparse_core_info()
    out5 = _sc_gather(table, idx, info.num_cores, info.num_subcores, 5)
    return out5.transpose(2, 4, 0, 1, 3).reshape(bsz, h, d)

# --- scband reference (transcript-rebuilt; emitter-appended) ---
"""Pipeline reference for scband-embedding-trtmodule-55027120996627 (READ-ONLY COPY).

The authoritative reference and input builder live on the scoring server;
editing this copy changes nothing except your own understanding.
"""

import jax, jax.numpy as jnp
import numpy as np

NUM_EMBEDDINGS = 1000000
EMBEDDING_DIM = 64
BATCH = 16384
HIST = 50

def setup_inputs(seed: int = 0) -> dict:
    key = jax.random.key(seed)
    k_tok, k_tab = jax.random.split(key)
    tokens = jax.random.randint(k_tok, (BATCH, HIST), 0, NUM_EMBEDDINGS, dtype=jnp.int64 if jax.config.jax_enable_x64 else jnp.int32)
    table = jax.random.normal(k_tab, (NUM_EMBEDDINGS, EMBEDDING_DIM), dtype=jnp.float32)
    return {"tokens": tokens, "table": table}

def reference(tokens, table):
    # EmbeddingTRTModule.forward: self.tok_embeddings(tokens) -> table[tokens]
    return jnp.take(table, tokens, axis=0)

if __name__ == "__main__":
    import jax
    _d = setup_inputs()
    print(jax.jit(kernel)(*tuple(_d.values())))

</pallas_src>

<mosaic_0001>
#map = affine_map<(d0, d1) -> (0)>
#map1 = affine_map<(d0, d1) -> (0, 0)>
#map2 = affine_map<(d0, d1) -> (0, 0, 0, 0, 0)>
module attributes {stable_mosaic.version = 14 : i64} {
  func.func @k(%arg0: i32, %arg1: i32, %arg2: memref<819200xi32, #tpu.memory_space<hbm>>, %arg3: memref<1000000x64xf32, #tpu.memory_space<hbm>>, %arg4: memref<50x8x128x8x128xf32, #tpu.memory_space<hbm>>, %arg5: memref<25600xi32, #tpu.memory_space<vmem>>, %arg6: memref<128x64xf32, #tpu.memory_space<vmem>>, %arg7: memref<128x64xf32, #tpu.memory_space<vmem>>, %arg8: memref<128x64xf32, #tpu.memory_space<vmem>>, %arg9: memref<128x64xf32, #tpu.memory_space<vmem>>, %arg10: memref<128x64xf32, #tpu.memory_space<vmem>>, %arg11: memref<8x8x137xf32, #tpu.memory_space<vmem>>, %arg12: memref<8x8x137xf32, #tpu.memory_space<vmem>>, %arg13: memref<8x8x137xf32, #tpu.memory_space<vmem>>, %arg14: memref<8x8x137xf32, #tpu.memory_space<vmem>>, %arg15: memref<8x8x137xf32, #tpu.memory_space<vmem>>, %arg16: memref<!tpu.dma_semaphore, #tpu.memory_space<semaphore_mem>>, %arg17: memref<!tpu.dma_semaphore, #tpu.memory_space<semaphore_mem>>, %arg18: memref<!tpu.dma_semaphore, #tpu.memory_space<semaphore_mem>>, %arg19: memref<!tpu.dma_semaphore, #tpu.memory_space<semaphore_mem>>, %arg20: memref<!tpu.dma_semaphore, #tpu.memory_space<semaphore_mem>>, %arg21: memref<!tpu.dma_semaphore, #tpu.memory_space<semaphore_mem>>, %arg22: memref<!tpu.dma_semaphore, #tpu.memory_space<semaphore_mem>>, %arg23: memref<!tpu.dma_semaphore, #tpu.memory_space<semaphore_mem>>, %arg24: memref<!tpu.dma_semaphore, #tpu.memory_space<semaphore_mem>>, %arg25: memref<!tpu.dma_semaphore, #tpu.memory_space<semaphore_mem>>) attributes {dimension_semantics = [#tpu.dimension_semantics<core_parallel>, #tpu.dimension_semantics<subcore_parallel>], iteration_bounds = array<i64: 2, 16>, scalar_prefetch = 0 : i64, scratch_operands = 21 : i64, tpu.core_type = #tpu.core_type<sc_vector_subcore>, window_params = [{transform_indices = #map}, {transform_indices = #map1}, {transform_indices = #map2}]} {
    %mul3A = arith.constant 2 : i32
    %mul3A_0 = arith.muli %arg1, %mul3A : i32
    %add3A = arith.addi %mul3A_0, %arg0 : i32
    %mul3A_1 = arith.constant 200 : i32
    %mul3A_2 = arith.muli %add3A, %mul3A_1 : i32
    %mul3A_3 = arith.constant 128 : i32
    %mul3A_4 = arith.muli %mul3A_2, %mul3A_3 : i32
    "tpu.region"() ({
      %run_scoped3A = tpu.sem_alloc : memref<!tpu.dma_semaphore, #tpu.memory_space<semaphore_mem>>
      %dma_start3A_632 = tpu.memref_slice %arg2[%mul3A_4] : memref<819200xi32, #tpu.memory_space<hbm>> -> memref<25600xi32, #tpu.memory_space<hbm>>
      %dma_start3A_633 = tpu.memref_slice %arg2[%mul3A_4] : memref<819200xi32, #tpu.memory_space<hbm>> -> memref<25600xi32, #tpu.memory_space<hbm>>
      tpu.enqueue_dma source(%dma_start3A_633 : memref<25600xi32, #tpu.memory_space<hbm>>) target(%arg5 : memref<25600xi32, #tpu.memory_space<vmem>>) target_semaphore(%run_scoped3A : memref<!tpu.dma_semaphore, #tpu.memory_space<semaphore_mem>>)
      %dma_wait3A_634 = tpu.memref_slice %arg2[%mul3A_4] : memref<819200xi32, #tpu.memory_space<hbm>> -> memref<25600xi32, #tpu.memory_space<hbm>>
      %dma_wait3A_635 = tpu.memref_slice %arg2[%mul3A_4] : memref<819200xi32, #tpu.memory_space<hbm>> -> memref<25600xi32, #tpu.memory_space<hbm>>
      tpu.wait_dma2 semaphore(%run_scoped3A : memref<!tpu.dma_semaphore, #tpu.memory_space<semaphore_mem>>) src(%dma_wait3A_635 : memref<25600xi32, #tpu.memory_space<hbm>>) dst(%arg5 : memref<25600xi32, #tpu.memory_space<vmem>>)
      tpu.yield
    }) : () -> ()
    %iota3A = tpu.iota {dimensions = array<i32: 0>} : vector<16xi32>
    %add3A_5 = arith.constant 0 : i32
    %add3A_6 = vector.broadcast %add3A_5 : i32 to vector<16xi32>
    %add3A_7 = arith.addi %iota3A, %add3A_6 : vector<16xi32>
    %jit3A = arith.constant 8 : i32
    %div3A = vector.broadcast %jit3A : i32 to vector<16xi32>
    %div3A_8 = arith.divsi %add3A_7, %div3A : vector<16xi32>
    %sign3A = arith.constant 0 : i32
    %sign3A_9 = vector.broadcast %sign3A : i32 to vector<16xi32>
    %sign3A_10 = arith.cmpi sgt, %add3A_7, %sign3A_9 : vector<16xi32>
    %sign3A_11 = arith.extui %sign3A_10 : vector<16xi1> to vector<16xi32>
    %sign3A_12 = arith.constant 0 : i32
    %sign3A_13 = vector.broadcast %sign3A_12 : i32 to vector<16xi32>
    %sign3A_14 = arith.cmpi slt, %add3A_7, %sign3A_13 : vector<16xi32>
    %sign3A_15 = arith.extui %sign3A_14 : vector<16xi1> to vector<16xi32>
    %sign3A_16 = arith.subi %sign3A_11, %sign3A_15 : vector<16xi32>
    %sign3A_17 = arith.constant 0 : i32
    %sign3A_18 = arith.cmpi sgt, %jit3A, %sign3A_17 : i32
    %sign3A_19 = arith.extui %sign3A_18 : i1 to i32
    %sign3A_20 = arith.constant 0 : i32
    %sign3A_21 = arith.cmpi slt, %jit3A, %sign3A_20 : i32
    %sign3A_22 = arith.extui %sign3A_21 : i1 to i32
    %sign3A_23 = arith.subi %sign3A_19, %sign3A_22 : i32
    %ne3A = vector.broadcast %sign3A_23 : i32 to vector<16xi32>
    %ne3A_24 = arith.cmpi ne, %sign3A_16, %ne3A : vector<16xi32>
    %rem3A = vector.broadcast %jit3A : i32 to vector<16xi32>
    %rem3A_25 = arith.remsi %add3A_7, %rem3A : vector<16xi32>
    %ne3A_26 = arith.constant 0 : i32
    %ne3A_27 = vector.broadcast %ne3A_26 : i32 to vector<16xi32>
    %ne3A_28 = arith.cmpi ne, %rem3A_25, %ne3A_27 : vector<16xi32>
    %and3A = arith.andi %ne3A_24, %ne3A_28 : vector<16xi1>
    %sub3A = arith.constant 1 : i32
    %sub3A_29 = vector.broadcast %sub3A : i32 to vector<16xi32>
    %sub3A_30 = arith.subi %div3A_8, %sub3A_29 : vector<16xi32>
    %select_n3A = arith.select %and3A, %sub3A_30, %div3A_8 : vector<16xi1>, vector<16xi32>
    %add3A_31 = arith.constant 16 : i32
    %add3A_32 = vector.broadcast %add3A_31 : i32 to vector<16xi32>
    %add3A_33 = arith.addi %iota3A, %add3A_32 : vector<16xi32>
    %jit3A_34 = arith.constant 8 : i32
    %div3A_35 = vector.broadcast %jit3A_34 : i32 to vector<16xi32>
    %div3A_36 = arith.divsi %add3A_33, %div3A_35 : vector<16xi32>
    %sign3A_37 = arith.constant 0 : i32
    %sign3A_38 = vector.broadcast %sign3A_37 : i32 to vector<16xi32>
    %sign3A_39 = arith.cmpi sgt, %add3A_33, %sign3A_38 : vector<16xi32>
    %sign3A_40 = arith.extui %sign3A_39 : vector<16xi1> to vector<16xi32>
    %sign3A_41 = arith.constant 0 : i32
    %sign3A_42 = vector.broadcast %sign3A_41 : i32 to vector<16xi32>
    %sign3A_43 = arith.cmpi slt, %add3A_33, %sign3A_42 : vector<16xi32>
    %sign3A_44 = arith.extui %sign3A_43 : vector<16xi1> to vector<16xi32>
    %sign3A_45 = arith.subi %sign3A_40, %sign3A_44 : vector<16xi32>
    %sign3A_46 = arith.constant 0 : i32
    %sign3A_47 = arith.cmpi sgt, %jit3A_34, %sign3A_46 : i32
    %sign3A_48 = arith.extui %sign3A_47 : i1 to i32
    %sign3A_49 = arith.constant 0 : i32
    %sign3A_50 = arith.cmpi slt, %jit3A_34, %sign3A_49 : i32
    %sign3A_51 = arith.extui %sign3A_50 : i1 to i32
    %sign3A_52 = arith.subi %sign3A_48, %sign3A_51 : i32
    %ne3A_53 = vector.broadcast %sign3A_52 : i32 to vector<16xi32>
    %ne3A_54 = arith.cmpi ne, %sign3A_45, %ne3A_53 : vector<16xi32>
    %rem3A_55 = vector.broadcast %jit3A_34 : i32 to vector<16xi32>
    %rem3A_56 = arith.remsi %add3A_33, %rem3A_55 : vector<16xi32>
    %ne3A_57 = arith.constant 0 : i32
    %ne3A_58 = vector.broadcast %ne3A_57 : i32 to vector<16xi32>
    %ne3A_59 = arith.cmpi ne, %rem3A_56, %ne3A_58 : vector<16xi32>
    %and3A_60 = arith.andi %ne3A_54, %ne3A_59 : vector<16xi1>
    %sub3A_61 = arith.constant 1 : i32
    %sub3A_62 = vector.broadcast %sub3A_61 : i32 to vector<16xi32>
    %sub3A_63 = arith.subi %div3A_36, %sub3A_62 : vector<16xi32>
    %select_n3A_64 = arith.select %and3A_60, %sub3A_63, %div3A_36 : vector<16xi1>, vector<16xi32>
    %add3A_65 = arith.constant 32 : i32
    %add3A_66 = vector.broadcast %add3A_65 : i32 to vector<16xi32>
    %add3A_67 = arith.addi %iota3A, %add3A_66 : vector<16xi32>
    %jit3A_68 = arith.constant 8 : i32
    %div3A_69 = vector.broadcast %jit3A_68 : i32 to vector<16xi32>
    %div3A_70 = arith.divsi %add3A_67, %div3A_69 : vector<16xi32>
    %sign3A_71 = arith.constant 0 : i32
    %sign3A_72 = vector.broadcast %sign3A_71 : i32 to vector<16xi32>
    %sign3A_73 = arith.cmpi sgt, %add3A_67, %sign3A_72 : vector<16xi32>
    %sign3A_74 = arith.extui %sign3A_73 : vector<16xi1> to vector<16xi32>
    %sign3A_75 = arith.constant 0 : i32
    %sign3A_76 = vector.broadcast %sign3A_75 : i32 to vector<16xi32>
    %sign3A_77 = arith.cmpi slt, %add3A_67, %sign3A_76 : vector<16xi32>
    %sign3A_78 = arith.extui %sign3A_77 : vector<16xi1> to vector<16xi32>
    %sign3A_79 = arith.subi %sign3A_74, %sign3A_78 : vector<16xi32>
    %sign3A_80 = arith.constant 0 : i32
    %sign3A_81 = arith.cmpi sgt, %jit3A_68, %sign3A_80 : i32
    %sign3A_82 = arith.extui %sign3A_81 : i1 to i32
    %sign3A_83 = arith.constant 0 : i32
    %sign3A_84 = arith.cmpi slt, %jit3A_68, %sign3A_83 : i32
    %sign3A_85 = arith.extui %sign3A_84 : i1 to i32
    %sign3A_86 = arith.subi %sign3A_82, %sign3A_85 : i32
    %ne3A_87 = vector.broadcast %sign3A_86 : i32 to vector<16xi32>
    %ne3A_88 = arith.cmpi ne, %sign3A_79, %ne3A_87 : vector<16xi32>
    %rem3A_89 = vector.broadcast %jit3A_68 : i32 to vector<16xi32>
    %rem3A_90 = arith.remsi %add3A_67, %rem3A_89 : vector<16xi32>
    %ne3A_91 = arith.constant 0 : i32
    %ne3A_92 = vector.broadcast %ne3A_91 : i32 to vector<16xi32>
    %ne3A_93 = arith.cmpi ne, %rem3A_90, %ne3A_92 : vector<16xi32>
    %and3A_94 = arith.andi %ne3A_88, %ne3A_93 : vector<16xi1>
    %sub3A_95 = arith.constant 1 : i32
    %sub3A_96 = vector.broadcast %sub3A_95 : i32 to vector<16xi32>
    %sub3A_97 = arith.subi %div3A_70, %sub3A_96 : vector<16xi32>
    %select_n3A_98 = arith.select %and3A_94, %sub3A_97, %div3A_70 : vector<16xi1>, vector<16xi32>
    %add3A_99 = arith.constant 48 : i32
    %add3A_100 = vector.broadcast %add3A_99 : i32 to vector<16xi32>
    %add3A_101 = arith.addi %iota3A, %add3A_100 : vector<16xi32>
    %jit3A_102 = arith.constant 8 : i32
    %div3A_103 = vector.broadcast %jit3A_102 : i32 to vector<16xi32>
    %div3A_104 = arith.divsi %add3A_101, %div3A_103 : vector<16xi32>
    %sign3A_105 = arith.constant 0 : i32
    %sign3A_106 = vector.broadcast %sign3A_105 : i32 to vector<16xi32>
    %sign3A_107 = arith.cmpi sgt, %add3A_101, %sign3A_106 : vector<16xi32>
    %sign3A_108 = arith.extui %sign3A_107 : vector<16xi1> to vector<16xi32>
    %sign3A_109 = arith.constant 0 : i32
    %sign3A_110 = vector.broadcast %sign3A_109 : i32 to vector<16xi32>
    %sign3A_111 = arith.cmpi slt, %add3A_101, %sign3A_110 : vector<16xi32>
    %sign3A_112 = arith.extui %sign3A_111 : vector<16xi1> to vector<16xi32>
    %sign3A_113 = arith.subi %sign3A_108, %sign3A_112 : vector<16xi32>
    %sign3A_114 = arith.constant 0 : i32
    %sign3A_115 = arith.cmpi sgt, %jit3A_102, %sign3A_114 : i32
    %sign3A_116 = arith.extui %sign3A_115 : i1 to i32
    %sign3A_117 = arith.constant 0 : i32
    %sign3A_118 = arith.cmpi slt, %jit3A_102, %sign3A_117 : i32
    %sign3A_119 = arith.extui %sign3A_118 : i1 to i32
    %sign3A_120 = arith.subi %sign3A_116, %sign3A_119 : i32
    %ne3A_121 = vector.broadcast %sign3A_120 : i32 to vector<16xi32>
    %ne3A_122 = arith.cmpi ne, %sign3A_113, %ne3A_121 : vector<16xi32>
    %rem3A_123 = vector.broadcast %jit3A_102 : i32 to vector<16xi32>
    %rem3A_124 = arith.remsi %add3A_101, %rem3A_123 : vector<16xi32>
    %ne3A_125 = arith.constant 0 : i32
    %ne3A_126 = vector.broadcast %ne3A_125 : i32 to vector<16xi32>
    %ne3A_127 = arith.cmpi ne, %rem3A_124, %ne3A_126 : vector<16xi32>
    %and3A_128 = arith.andi %ne3A_122, %ne3A_127 : vector<16xi1>
    %sub3A_129 = arith.constant 1 : i32
    %sub3A_130 = vector.broadcast %sub3A_129 : i32 to vector<16xi32>
    %sub3A_131 = arith.subi %div3A_104, %sub3A_130 : vector<16xi32>
    %select_n3A_132 = arith.select %and3A_128, %sub3A_131, %div3A_104 : vector<16xi1>, vector<16xi32>
    %add3A_133 = arith.constant 0 : i32
    %add3A_134 = vector.broadcast %add3A_133 : i32 to vector<16xi32>
    %add3A_135 = arith.addi %iota3A, %add3A_134 : vector<16xi32>
    %jit3A_136 = arith.constant 8 : i32
    %eq3A = arith.constant 0 : i32
    %eq3A_137 = arith.cmpi eq, %jit3A_136, %eq3A : i32
    %jit3A_138 = arith.constant 1 : i32
    %select_n3A_139 = arith.select %eq3A_137, %jit3A_138, %jit3A_136 : i32
    %rem3A_140 = vector.broadcast %select_n3A_139 : i32 to vector<16xi32>
    %rem3A_141 = arith.remsi %add3A_135, %rem3A_140 : vector<16xi32>
    %ne3A_142 = arith.constant 0 : i32
    %ne3A_143 = vector.broadcast %ne3A_142 : i32 to vector<16xi32>
    %ne3A_144 = arith.cmpi ne, %rem3A_141, %ne3A_143 : vector<16xi32>
    %lt3A = arith.constant 0 : i32
    %lt3A_145 = vector.broadcast %lt3A : i32 to vector<16xi32>
    %lt3A_146 = arith.cmpi slt, %rem3A_141, %lt3A_145 : vector<16xi32>
    %lt3A_147 = arith.constant 0 : i32
    %lt3A_148 = arith.cmpi slt, %select_n3A_139, %lt3A_147 : i32
    %ne3A_149 = vector.broadcast %lt3A_148 : i1 to vector<16xi1>
    %ne3A_150 = vector.broadcast %ne3A_149 : vector<16xi1> to vector<16xi1>
    %ne3A_151 = arith.xori %lt3A_146, %ne3A_150 : vector<16xi1>
    %and3A_152 = arith.andi %ne3A_151, %ne3A_144 : vector<16xi1>
    %add3A_153 = vector.broadcast %select_n3A_139 : i32 to vector<16xi32>
    %add3A_154 = arith.addi %rem3A_141, %add3A_153 : vector<16xi32>
    %select_n3A_155 = arith.select %and3A_152, %add3A_154, %rem3A_141 : vector<16xi1>, vector<16xi32>
    %add3A_156 = arith.constant 16 : i32
    %add3A_157 = vector.broadcast %add3A_156 : i32 to vector<16xi32>
    %add3A_158 = arith.addi %iota3A, %add3A_157 : vector<16xi32>
    %jit3A_159 = arith.constant 8 : i32
    %eq3A_160 = arith.constant 0 : i32
    %eq3A_161 = arith.cmpi eq, %jit3A_159, %eq3A_160 : i32
    %jit3A_162 = arith.constant 1 : i32
    %select_n3A_163 = arith.select %eq3A_161, %jit3A_162, %jit3A_159 : i32
    %rem3A_164 = vector.broadcast %select_n3A_163 : i32 to vector<16xi32>
    %rem3A_165 = arith.remsi %add3A_158, %rem3A_164 : vector<16xi32>
    %ne3A_166 = arith.constant 0 : i32
    %ne3A_167 = vector.broadcast %ne3A_166 : i32 to vector<16xi32>
    %ne3A_168 = arith.cmpi ne, %rem3A_165, %ne3A_167 : vector<16xi32>
    %lt3A_169 = arith.constant 0 : i32
    %lt3A_170 = vector.broadcast %lt3A_169 : i32 to vector<16xi32>
    %lt3A_171 = arith.cmpi slt, %rem3A_165, %lt3A_170 : vector<16xi32>
    %lt3A_172 = arith.constant 0 : i32
    %lt3A_173 = arith.cmpi slt, %select_n3A_163, %lt3A_172 : i32
    %ne3A_174 = vector.broadcast %lt3A_173 : i1 to vector<16xi1>
    %ne3A_175 = vector.broadcast %ne3A_174 : vector<16xi1> to vector<16xi1>
    %ne3A_176 = arith.xori %lt3A_171, %ne3A_175 : vector<16xi1>
    %and3A_177 = arith.andi %ne3A_176, %ne3A_168 : vector<16xi1>
    %add3A_178 = vector.broadcast %select_n3A_163 : i32 to vector<16xi32>
    %add3A_179 = arith.addi %rem3A_165, %add3A_178 : vector<16xi32>
    %select_n3A_180 = arith.select %and3A_177, %add3A_179, %rem3A_165 : vector<16xi1>, vector<16xi32>
    %add3A_181 = arith.constant 32 : i32
    %add3A_182 = vector.broadcast %add3A_181 : i32 to vector<16xi32>
    %add3A_183 = arith.addi %iota3A, %add3A_182 : vector<16xi32>
    %jit3A_184 = arith.constant 8 : i32
    %eq3A_185 = arith.constant 0 : i32
    %eq3A_186 = arith.cmpi eq, %jit3A_184, %eq3A_185 : i32
    %jit3A_187 = arith.constant 1 : i32
    %select_n3A_188 = arith.select %eq3A_186, %jit3A_187, %jit3A_184 : i32
    %rem3A_189 = vector.broadcast %select_n3A_188 : i32 to vector<16xi32>
    %rem3A_190 = arith.remsi %add3A_183, %rem3A_189 : vector<16xi32>
    %ne3A_191 = arith.constant 0 : i32
    %ne3A_192 = vector.broadcast %ne3A_191 : i32 to vector<16xi32>
    %ne3A_193 = arith.cmpi ne, %rem3A_190, %ne3A_192 : vector<16xi32>
    %lt3A_194 = arith.constant 0 : i32
    %lt3A_195 = vector.broadcast %lt3A_194 : i32 to vector<16xi32>
    %lt3A_196 = arith.cmpi slt, %rem3A_190, %lt3A_195 : vector<16xi32>
    %lt3A_197 = arith.constant 0 : i32
    %lt3A_198 = arith.cmpi slt, %select_n3A_188, %lt3A_197 : i32
    %ne3A_199 = vector.broadcast %lt3A_198 : i1 to vector<16xi1>
    %ne3A_200 = vector.broadcast %ne3A_199 : vector<16xi1> to vector<16xi1>
    %ne3A_201 = arith.xori %lt3A_196, %ne3A_200 : vector<16xi1>
    %and3A_202 = arith.andi %ne3A_201, %ne3A_193 : vector<16xi1>
    %add3A_203 = vector.broadcast %select_n3A_188 : i32 to vector<16xi32>
    %add3A_204 = arith.addi %rem3A_190, %add3A_203 : vector<16xi32>
    %select_n3A_205 = arith.select %and3A_202, %add3A_204, %rem3A_190 : vector<16xi1>, vector<16xi32>
    %add3A_206 = arith.constant 48 : i32
    %add3A_207 = vector.broadcast %add3A_206 : i32 to vector<16xi32>
    %add3A_208 = arith.addi %iota3A, %add3A_207 : vector<16xi32>
    %jit3A_209 = arith.constant 8 : i32
    %eq3A_210 = arith.constant 0 : i32
    %eq3A_211 = arith.cmpi eq, %jit3A_209, %eq3A_210 : i32
    %jit3A_212 = arith.constant 1 : i32
    %select_n3A_213 = arith.select %eq3A_211, %jit3A_212, %jit3A_209 : i32
    %rem3A_214 = vector.broadcast %select_n3A_213 : i32 to vector<16xi32>
    %rem3A_215 = arith.remsi %add3A_208, %rem3A_214 : vector<16xi32>
    %ne3A_216 = arith.constant 0 : i32
    %ne3A_217 = vector.broadcast %ne3A_216 : i32 to vector<16xi32>
    %ne3A_218 = arith.cmpi ne, %rem3A_215, %ne3A_217 : vector<16xi32>
    %lt3A_219 = arith.constant 0 : i32
    %lt3A_220 = vector.broadcast %lt3A_219 : i32 to vector<16xi32>
    %lt3A_221 = arith.cmpi slt, %rem3A_215, %lt3A_220 : vector<16xi32>
    %lt3A_222 = arith.constant 0 : i32
    %lt3A_223 = arith.cmpi slt, %select_n3A_213, %lt3A_222 : i32
    %ne3A_224 = vector.broadcast %lt3A_223 : i1 to vector<16xi1>
    %ne3A_225 = vector.broadcast %ne3A_224 : vector<16xi1> to vector<16xi1>
    %ne3A_226 = arith.xori %lt3A_221, %ne3A_225 : vector<16xi1>
    %and3A_227 = arith.andi %ne3A_226, %ne3A_218 : vector<16xi1>
    %add3A_228 = vector.broadcast %select_n3A_213 : i32 to vector<16xi32>
    %add3A_229 = arith.addi %rem3A_215, %add3A_228 : vector<16xi32>
    %select_n3A_230 = arith.select %and3A_227, %add3A_229, %rem3A_215 : vector<16xi1>, vector<16xi32>
    %min3A = arith.constant 0 : i32
    %min3A_231 = arith.constant 199 : i32
    %min3A_232 = arith.minsi %min3A, %min3A_231 : i32
    %mul3A_233 = arith.constant 128 : i32
    %mul3A_234 = arith.muli %min3A_232, %mul3A_233 : i32
    %dma_start3A = tpu.memref_slice %arg5[%mul3A_234] : memref<25600xi32, #tpu.memory_space<vmem>> -> memref<128xi32, #tpu.memory_space<vmem>>
    %dma_start3A_235 = arith.constant 0 : i32
    %dma_start3A_236 = arith.constant 0 : i32
    %dma_start3A_237 = tpu.memref_slice %arg3[%dma_start3A_235, %dma_start3A_236] : memref<1000000x64xf32, #tpu.memory_space<hbm>> -> memref<1000000x64xf32, #tpu.memory_space<hbm>>
    tpu.enqueue_indirect_dma source(%dma_start3A_237 : memref<1000000x64xf32, #tpu.memory_space<hbm>>) target(%arg6 : memref<128x64xf32, #tpu.memory_space<vmem>>) offsets(%dma_start3A : memref<128xi32, #tpu.memory_space<vmem>>) semaphore(%arg16 : memref<!tpu.dma_semaphore, #tpu.memory_space<semaphore_mem>>)
    %min3A_238 = arith.constant 1 : i32
    %min3A_239 = arith.constant 199 : i32
    %min3A_240 = arith.minsi %min3A_238, %min3A_239 : i32
    %mul3A_241 = arith.constant 128 : i32
    %mul3A_242 = arith.muli %min3A_240, %mul3A_241 : i32
    %dma_start3A_243 = tpu.memref_slice %arg5[%mul3A_242] : memref<25600xi32, #tpu.memory_space<vmem>> -> memref<128xi32, #tpu.memory_space<vmem>>
    %dma_start3A_244 = arith.constant 0 : i32
    %dma_start3A_245 = arith.constant 0 : i32
    %dma_start3A_246 = tpu.memref_slice %arg3[%dma_start3A_244, %dma_start3A_245] : memref<1000000x64xf32, #tpu.memory_space<hbm>> -> memref<1000000x64xf32, #tpu.memory_space<hbm>>
    tpu.enqueue_indirect_dma source(%dma_start3A_246 : memref<1000000x64xf32, #tpu.memory_space<hbm>>) target(%arg7 : memref<128x64xf32, #tpu.memory_space<vmem>>) offsets(%dma_start3A_243 : memref<128xi32, #tpu.memory_space<vmem>>) semaphore(%arg17 : memref<!tpu.dma_semaphore, #tpu.memory_space<semaphore_mem>>)
    %min3A_247 = arith.constant 2 : i32
    %min3A_248 = arith.constant 199 : i32
    %min3A_249 = arith.minsi %min3A_247, %min3A_248 : i32
    %mul3A_250 = arith.constant 128 : i32
    %mul3A_251 = arith.muli %min3A_249, %mul3A_250 : i32
    %dma_start3A_252 = tpu.memref_slice %arg5[%mul3A_251] : memref<25600xi32, #tpu.memory_space<vmem>> -> memref<128xi32, #tpu.memory_space<vmem>>
    %dma_start3A_253 = arith.constant 0 : i32
    %dma_start3A_254 = arith.constant 0 : i32
    %dma_start3A_255 = tpu.memref_slice %arg3[%dma_start3A_253, %dma_start3A_254] : memref<1000000x64xf32, #tpu.memory_space<hbm>> -> memref<1000000x64xf32, #tpu.memory_space<hbm>>
    tpu.enqueue_indirect_dma source(%dma_start3A_255 : memref<1000000x64xf32, #tpu.memory_space<hbm>>) target(%arg8 : memref<128x64xf32, #tpu.memory_space<vmem>>) offsets(%dma_start3A_252 : memref<128xi32, #tpu.memory_space<vmem>>) semaphore(%arg18 : memref<!tpu.dma_semaphore, #tpu.memory_space<semaphore_mem>>)
    %min3A_256 = arith.constant 3 : i32
    %min3A_257 = arith.constant 199 : i32
    %min3A_258 = arith.minsi %min3A_256, %min3A_257 : i32
    %mul3A_259 = arith.constant 128 : i32
    %mul3A_260 = arith.muli %min3A_258, %mul3A_259 : i32
    %dma_start3A_261 = tpu.memref_slice %arg5[%mul3A_260] : memref<25600xi32, #tpu.memory_space<vmem>> -> memref<128xi32, #tpu.memory_space<vmem>>
    %dma_start3A_262 = arith.constant 0 : i32
    %dma_start3A_263 = arith.constant 0 : i32
    %dma_start3A_264 = tpu.memref_slice %arg3[%dma_start3A_262, %dma_start3A_263] : memref<1000000x64xf32, #tpu.memory_space<hbm>> -> memref<1000000x64xf32, #tpu.memory_space<hbm>>
    tpu.enqueue_indirect_dma source(%dma_start3A_264 : memref<1000000x64xf32, #tpu.memory_space<hbm>>) target(%arg9 : memref<128x64xf32, #tpu.memory_space<vmem>>) offsets(%dma_start3A_261 : memref<128xi32, #tpu.memory_space<vmem>>) semaphore(%arg19 : memref<!tpu.dma_semaphore, #tpu.memory_space<semaphore_mem>>)
    %min3A_265 = arith.constant 4 : i32
    %min3A_266 = arith.constant 199 : i32
    %min3A_267 = arith.minsi %min3A_265, %min3A_266 : i32
    %mul3A_268 = arith.constant 128 : i32
    %mul3A_269 = arith.muli %min3A_267, %mul3A_268 : i32
    %dma_start3A_270 = tpu.memref_slice %arg5[%mul3A_269] : memref<25600xi32, #tpu.memory_space<vmem>> -> memref<128xi32, #tpu.memory_space<vmem>>
    %dma_start3A_271 = arith.constant 0 : i32
    %dma_start3A_272 = arith.constant 0 : i32
    %dma_start3A_273 = tpu.memref_slice %arg3[%dma_start3A_271, %dma_start3A_272] : memref<1000000x64xf32, #tpu.memory_space<hbm>> -> memref<1000000x64xf32, #tpu.memory_space<hbm>>
    tpu.enqueue_indirect_dma source(%dma_start3A_273 : memref<1000000x64xf32, #tpu.memory_space<hbm>>) target(%arg10 : memref<128x64xf32, #tpu.memory_space<vmem>>) offsets(%dma_start3A_270 : memref<128xi32, #tpu.memory_space<vmem>>) semaphore(%arg20 : memref<!tpu.dma_semaphore, #tpu.memory_space<semaphore_mem>>)
    %scan3A = arith.constant 0 : i32
    %scan3A_274 = arith.constant 40 : i32
    %scan3A_275 = arith.addi %scan3A, %scan3A_274 : i32
    %scan3A_276 = arith.constant 1 : i32
    scf.for %scan3A_632 = %scan3A to %scan3A_275 step %scan3A_276  : i32 {
      %mul3A_633 = arith.constant 5 : i32
      %mul3A_634 = arith.muli %scan3A_632, %mul3A_633 : i32
      %add3A_635 = arith.constant 0 : i32
      %add3A_636 = arith.addi %add3A_635, %mul3A_634 : i32
      %add3A_637 = arith.constant 0 : i32
      %add3A_638 = arith.addi %add3A_636, %add3A_637 : i32
      %gt3A = arith.constant 0 : i32
      %gt3A_639 = arith.cmpi sgt, %add3A_636, %gt3A : i32
      %convert_element_type3A = arith.extui %gt3A_639 : i1 to i32
      %cond3A = arith.constant 0 : i32
      %cond3A_640 = arith.cmpi ne, %convert_element_type3A, %cond3A : i32
      scf.if %cond3A_640 {
        %min3A_1078 = arith.constant 0 : i32
        %min3A_1079 = arith.constant 199 : i32
        %min3A_1080 = arith.minsi %min3A_1078, %min3A_1079 : i32
        %add3A_1081 = arith.addi %mul3A_2, %min3A_1080 : i32
        %jit3A_1082 = arith.constant 128 : i32
        %div3A_1083 = arith.divsi %add3A_1081, %jit3A_1082 : i32
        %sign3A_1084 = arith.constant 0 : i32
        %sign3A_1085 = arith.cmpi sgt, %add3A_1081, %sign3A_1084 : i32
        %sign3A_1086 = arith.extui %sign3A_1085 : i1 to i32
        %sign3A_1087 = arith.constant 0 : i32
        %sign3A_1088 = arith.cmpi slt, %add3A_1081, %sign3A_1087 : i32
        %sign3A_1089 = arith.extui %sign3A_1088 : i1 to i32
        %sign3A_1090 = arith.subi %sign3A_1086, %sign3A_1089 : i32
        %sign3A_1091 = arith.constant 0 : i32
        %sign3A_1092 = arith.cmpi sgt, %jit3A_1082, %sign3A_1091 : i32
        %sign3A_1093 = arith.extui %sign3A_1092 : i1 to i32
        %sign3A_1094 = arith.constant 0 : i32
        %sign3A_1095 = arith.cmpi slt, %jit3A_1082, %sign3A_1094 : i32
        %sign3A_1096 = arith.extui %sign3A_1095 : i1 to i32
        %sign3A_1097 = arith.subi %sign3A_1093, %sign3A_1096 : i32
        %ne3A_1098 = arith.cmpi ne, %sign3A_1090, %sign3A_1097 : i32
        %rem3A_1099 = arith.remsi %add3A_1081, %jit3A_1082 : i32
        %ne3A_1100 = arith.constant 0 : i32
        %ne3A_1101 = arith.cmpi ne, %rem3A_1099, %ne3A_1100 : i32
        %and3A_1102 = arith.andi %ne3A_1098, %ne3A_1101 : i1
        %sub3A_1103 = arith.constant 1 : i32
        %sub3A_1104 = arith.subi %div3A_1083, %sub3A_1103 : i32
        %select_n3A_1105 = arith.select %and3A_1102, %sub3A_1104, %div3A_1083 : i32
        %jit3A_1106 = arith.constant 128 : i32
        %eq3A_1107 = arith.constant 0 : i32
        %eq3A_1108 = arith.cmpi eq, %jit3A_1106, %eq3A_1107 : i32
        %jit3A_1109 = arith.constant 1 : i32
        %select_n3A_1110 = arith.select %eq3A_1108, %jit3A_1109, %jit3A_1106 : i32
        %rem3A_1111 = arith.remsi %add3A_1081, %select_n3A_1110 : i32
        %ne3A_1112 = arith.constant 0 : i32
        %ne3A_1113 = arith.cmpi ne, %rem3A_1111, %ne3A_1112 : i32
        %lt3A_1114 = arith.constant 0 : i32
        %lt3A_1115 = arith.cmpi slt, %rem3A_1111, %lt3A_1114 : i32
        %lt3A_1116 = arith.constant 0 : i32
        %lt3A_1117 = arith.cmpi slt, %select_n3A_1110, %lt3A_1116 : i32
        %ne3A_1118 = arith.xori %lt3A_1115, %lt3A_1117 : i1
        %and3A_1119 = arith.andi %ne3A_1118, %ne3A_1113 : i1
        %add3A_1120 = arith.addi %rem3A_1111, %select_n3A_1110 : i32
        %select_n3A_1121 = arith.select %and3A_1119, %add3A_1120, %rem3A_1111 : i32
        %dma_wait3A_1122 = arith.constant 0 : i32
        %dma_wait3A_1123 = arith.constant 0 : i32
        %dma_wait3A_1124 = arith.constant 0 : i32
        %dma_wait3A_1125 = tpu.memref_slice %arg11[%dma_wait3A_1122, %dma_wait3A_1123, %dma_wait3A_1124] : memref<8x8x137xf32, #tpu.memory_space<vmem>> -> memref<8x8x128xf32, #tpu.memory_space<vmem>>
        %dma_wait3A_1126 = arith.constant 0 : i32
        %dma_wait3A_1127 = arith.constant 0 : i32
        %dma_wait3A_1128 = arith.constant 0 : i32
        %dma_wait3A_1129 = tpu.memref_slice %arg4[%select_n3A_1105, %dma_wait3A_1126, %select_n3A_1121, %dma_wait3A_1127, %dma_wait3A_1128] : memref<50x8x128x8x128xf32, #tpu.memory_space<hbm>> -> memref<1x8x1x8x128xf32, #tpu.memory_space<hbm>>
        %dma_wait3A_1130 = tpu.memref_squeeze %dma_wait3A_1129 : memref<1x8x1x8x128xf32, #tpu.memory_space<hbm>> -> memref<8x8x128xf32, #tpu.memory_space<hbm>>
        %dma_wait3A_1131 = arith.constant 0 : i32
        %dma_wait3A_1132 = arith.constant 0 : i32
        %dma_wait3A_1133 = arith.constant 0 : i32
        %dma_wait3A_1134 = tpu.memref_slice %arg4[%select_n3A_1105, %dma_wait3A_1131, %select_n3A_1121, %dma_wait3A_1132, %dma_wait3A_1133] : memref<50x8x128x8x128xf32, #tpu.memory_space<hbm>> -> memref<1x8x1x8x128xf32, #tpu.memory_space<hbm>>
        %dma_wait3A_1135 = tpu.memref_squeeze %dma_wait3A_1134 : memref<1x8x1x8x128xf32, #tpu.memory_space<hbm>> -> memref<8x8x128xf32, #tpu.memory_space<hbm>>
        %dma_wait3A_1136 = arith.constant 0 : i32
        %dma_wait3A_1137 = arith.constant 0 : i32
        %dma_wait3A_1138 = arith.constant 0 : i32
        %dma_wait3A_1139 = tpu.memref_slice %arg11[%dma_wait3A_1136, %dma_wait3A_1137, %dma_wait3A_1138] : memref<8x8x137xf32, #tpu.memory_space<vmem>> -> memref<8x8x128xf32, #tpu.memory_space<vmem>>
        tpu.wait_dma2 semaphore(%arg21 : memref<!tpu.dma_semaphore, #tpu.memory_space<semaphore_mem>>) src(%dma_wait3A_1139 : memref<8x8x128xf32, #tpu.memory_space<vmem>>) dst(%dma_wait3A_1135 : memref<8x8x128xf32, #tpu.memory_space<hbm>>)
      } else {
      }
      %min3A_641 = arith.constant 199 : i32
      %min3A_642 = arith.minsi %add3A_638, %min3A_641 : i32
      %mul3A_643 = arith.constant 128 : i32
      %mul3A_644 = arith.muli %min3A_642, %mul3A_643 : i32
      %dma_wait3A_645 = tpu.memref_slice %arg5[%mul3A_644] : memref<25600xi32, #tpu.memory_space<vmem>> -> memref<128xi32, #tpu.memory_space<vmem>>
      %dma_wait3A_646 = arith.constant 0 : i32
      %dma_wait3A_647 = arith.constant 0 : i32
      %dma_wait3A_648 = tpu.memref_slice %arg3[%dma_wait3A_646, %dma_wait3A_647] : memref<1000000x64xf32, #tpu.memory_space<hbm>> -> memref<1000000x64xf32, #tpu.memory_space<hbm>>
      tpu.wait_indirect_dma semaphore(%arg16 : memref<!tpu.dma_semaphore, #tpu.memory_space<semaphore_mem>>) src(%dma_wait3A_648 : memref<1000000x64xf32, #tpu.memory_space<hbm>>) dst(%arg6 : memref<128x64xf32, #tpu.memory_space<vmem>>)
      %parallel_loop3A = arith.constant 0 : i32
      %parallel_loop3A_649 = arith.constant 128 : i32
      %parallel_loop3A_650 = arith.constant 1 : i32
      scf.for %parallel_loop3A_1078 = %parallel_loop3A to %parallel_loop3A_649 step %parallel_loop3A_650  : i32 {
        %parallel_loop3A_1079 = vector.broadcast %parallel_loop3A_1078 : i32 to vector<16xi32>
        %parallel_loop3A_1080 = arith.index_cast %parallel_loop3A_1078 : i32 to index
        %parallel_loop3A_1081 = arith.constant 0 : index
        %parallel_loop3A_1082 = tpu.vector_load %arg6[%parallel_loop3A_1080, %parallel_loop3A_1081] {strides = array<i32>} : memref<128x64xf32, #tpu.memory_space<vmem>>, vector<16xf32>,
        tpu.vector_store_idx %arg11[%select_n3A, %select_n3A_155, %parallel_loop3A_1079], %parallel_loop3A_1082 : memref<8x8x137xf32, #tpu.memory_space<vmem>>[vector<16xi32>, vector<16xi32>, vector<16xi32>], vector<16xf32>,
        %parallel_loop3A_1083 = arith.index_cast %parallel_loop3A_1078 : i32 to index
        %parallel_loop3A_1084 = arith.constant 16 : index
        %parallel_loop3A_1085 = tpu.vector_load %arg6[%parallel_loop3A_1083, %parallel_loop3A_1084] {strides = array<i32>} : memref<128x64xf32, #tpu.memory_space<vmem>>, vector<16xf32>,
        tpu.vector_store_idx %arg11[%select_n3A_64, %select_n3A_180, %parallel_loop3A_1079], %parallel_loop3A_1085 : memref<8x8x137xf32, #tpu.memory_space<vmem>>[vector<16xi32>, vector<16xi32>, vector<16xi32>], vector<16xf32>,
        %parallel_loop3A_1086 = arith.index_cast %parallel_loop3A_1078 : i32 to index
        %parallel_loop3A_1087 = arith.constant 32 : index
        %parallel_loop3A_1088 = tpu.vector_load %arg6[%parallel_loop3A_1086, %parallel_loop3A_1087] {strides = array<i32>} : memref<128x64xf32, #tpu.memory_space<vmem>>, vector<16xf32>,
        tpu.vector_store_idx %arg11[%select_n3A_98, %select_n3A_205, %parallel_loop3A_1079], %parallel_loop3A_1088 : memref<8x8x137xf32, #tpu.memory_space<vmem>>[vector<16xi32>, vector<16xi32>, vector<16xi32>], vector<16xf32>,
        %parallel_loop3A_1089 = arith.index_cast %parallel_loop3A_1078 : i32 to index
        %parallel_loop3A_1090 = arith.constant 48 : index
        %parallel_loop3A_1091 = tpu.vector_load %arg6[%parallel_loop3A_1089, %parallel_loop3A_1090] {strides = array<i32>} : memref<128x64xf32, #tpu.memory_space<vmem>>, vector<16xf32>,
        tpu.vector_store_idx %arg11[%select_n3A_132, %select_n3A_230, %parallel_loop3A_1079], %parallel_loop3A_1091 : memref<8x8x137xf32, #tpu.memory_space<vmem>>[vector<16xi32>, vector<16xi32>, vector<16xi32>], vector<16xf32>,
      } {sc.loop_unroll_factor = 4 : i64, sc.parallel_access}
      %min3A_651 = arith.constant 199 : i32
      %min3A_652 = arith.minsi %add3A_638, %min3A_651 : i32
      %add3A_653 = arith.addi %mul3A_2, %min3A_652 : i32
      %jit3A_654 = arith.constant 128 : i32
      %div3A_655 = arith.divsi %add3A_653, %jit3A_654 : i32
      %sign3A_656 = arith.constant 0 : i32
      %sign3A_657 = arith.cmpi sgt, %add3A_653, %sign3A_656 : i32
      %sign3A_658 = arith.extui %sign3A_657 : i1 to i32
      %sign3A_659 = arith.constant 0 : i32
      %sign3A_660 = arith.cmpi slt, %add3A_653, %sign3A_659 : i32
      %sign3A_661 = arith.extui %sign3A_660 : i1 to i32
      %sign3A_662 = arith.subi %sign3A_658, %sign3A_661 : i32
      %sign3A_663 = arith.constant 0 : i32
      %sign3A_664 = arith.cmpi sgt, %jit3A_654, %sign3A_663 : i32
      %sign3A_665 = arith.extui %sign3A_664 : i1 to i32
      %sign3A_666 = arith.constant 0 : i32
      %sign3A_667 = arith.cmpi slt, %jit3A_654, %sign3A_666 : i32
      %sign3A_668 = arith.extui %sign3A_667 : i1 to i32
      %sign3A_669 = arith.subi %sign3A_665, %sign3A_668 : i32
      %ne3A_670 = arith.cmpi ne, %sign3A_662, %sign3A_669 : i32
      %rem3A_671 = arith.remsi %add3A_653, %jit3A_654 : i32
      %ne3A_672 = arith.constant 0 : i32
      %ne3A_673 = arith.cmpi ne, %rem3A_671, %ne3A_672 : i32
      %and3A_674 = arith.andi %ne3A_670, %ne3A_673 : i1
      %sub3A_675 = arith.constant 1 : i32
      %sub3A_676 = arith.subi %div3A_655, %sub3A_675 : i32
      %select_n3A_677 = arith.select %and3A_674, %sub3A_676, %div3A_655 : i32
      %jit3A_678 = arith.constant 128 : i32
      %eq3A_679 = arith.constant 0 : i32
      %eq3A_680 = arith.cmpi eq, %jit3A_678, %eq3A_679 : i32
      %jit3A_681 = arith.constant 1 : i32
      %select_n3A_682 = arith.select %eq3A_680, %jit3A_681, %jit3A_678 : i32
      %rem3A_683 = arith.remsi %add3A_653, %select_n3A_682 : i32
      %ne3A_684 = arith.constant 0 : i32
      %ne3A_685 = arith.cmpi ne, %rem3A_683, %ne3A_684 : i32
      %lt3A_686 = arith.constant 0 : i32
      %lt3A_687 = arith.cmpi slt, %rem3A_683, %lt3A_686 : i32
      %lt3A_688 = arith.constant 0 : i32
      %lt3A_689 = arith.cmpi slt, %select_n3A_682, %lt3A_688 : i32
      %ne3A_690 = arith.xori %lt3A_687, %lt3A_689 : i1
      %and3A_691 = arith.andi %ne3A_690, %ne3A_685 : i1
      %add3A_692 = arith.addi %rem3A_683, %select_n3A_682 : i32
      %select_n3A_693 = arith.select %and3A_691, %add3A_692, %rem3A_683 : i32
      %dma_start3A_694 = arith.constant 0 : i32
      %dma_start3A_695 = arith.constant 0 : i32
      %dma_start3A_696 = arith.constant 0 : i32
      %dma_start3A_697 = tpu.memref_slice %arg11[%dma_start3A_694, %dma_start3A_695, %dma_start3A_696] : memref<8x8x137xf32, #tpu.memory_space<vmem>> -> memref<8x8x128xf32, #tpu.memory_space<vmem>>
      %dma_start3A_698 = arith.constant 0 : i32
      %dma_start3A_699 = arith.constant 0 : i32
      %dma_start3A_700 = arith.constant 0 : i32
      %dma_start3A_701 = tpu.memref_slice %arg4[%select_n3A_677, %dma_start3A_698, %select_n3A_693, %dma_start3A_699, %dma_start3A_700] : memref<50x8x128x8x128xf32, #tpu.memory_space<hbm>> -> memref<1x8x1x8x128xf32, #tpu.memory_space<hbm>>
      %dma_start3A_702 = tpu.memref_squeeze %dma_start3A_701 : memref<1x8x1x8x128xf32, #tpu.memory_space<hbm>> -> memref<8x8x128xf32, #tpu.memory_space<hbm>>
      %dma_start3A_703 = arith.constant 0 : i32
      %dma_start3A_704 = arith.constant 0 : i32
      %dma_start3A_705 = arith.constant 0 : i32
      %dma_start3A_706 = tpu.memref_slice %arg4[%select_n3A_677, %dma_start3A_703, %select_n3A_693, %dma_start3A_704, %dma_start3A_705] : memref<50x8x128x8x128xf32, #tpu.memory_space<hbm>> -> memref<1x8x1x8x128xf32, #tpu.memory_space<hbm>>
      %dma_start3A_707 = tpu.memref_squeeze %dma_start3A_706 : memref<1x8x1x8x128xf32, #tpu.memory_space<hbm>> -> memref<8x8x128xf32, #tpu.memory_space<hbm>>
      %dma_start3A_708 = arith.constant 0 : i32
      %dma_start3A_709 = arith.constant 0 : i32
      %dma_start3A_710 = arith.constant 0 : i32
      %dma_start3A_711 = tpu.memref_slice %arg11[%dma_start3A_708, %dma_start3A_709, %dma_start3A_710] : memref<8x8x137xf32, #tpu.memory_space<vmem>> -> memref<8x8x128xf32, #tpu.memory_space<vmem>>
      tpu.enqueue_dma source(%dma_start3A_711 : memref<8x8x128xf32, #tpu.memory_space<vmem>>) target(%dma_start3A_707 : memref<8x8x128xf32, #tpu.memory_space<hbm>>) target_semaphore(%arg21 : memref<!tpu.dma_semaphore, #tpu.memory_space<semaphore_mem>>)
      %add3A_712 = arith.constant 5 : i32
      %add3A_713 = arith.addi %add3A_638, %add3A_712 : i32
      %min3A_714 = arith.constant 199 : i32
      %min3A_715 = arith.minsi %add3A_713, %min3A_714 : i32
      %mul3A_716 = arith.constant 128 : i32
      %mul3A_717 = arith.muli %min3A_715, %mul3A_716 : i32
      %dma_start3A_718 = tpu.memref_slice %arg5[%mul3A_717] : memref<25600xi32, #tpu.memory_space<vmem>> -> memref<128xi32, #tpu.memory_space<vmem>>
      %dma_start3A_719 = arith.constant 0 : i32
      %dma_start3A_720 = arith.constant 0 : i32
      %dma_start3A_721 = tpu.memref_slice %arg3[%dma_start3A_719, %dma_start3A_720] : memref<1000000x64xf32, #tpu.memory_space<hbm>> -> memref<1000000x64xf32, #tpu.memory_space<hbm>>
      tpu.enqueue_indirect_dma source(%dma_start3A_721 : memref<1000000x64xf32, #tpu.memory_space<hbm>>) target(%arg6 : memref<128x64xf32, #tpu.memory_space<vmem>>) offsets(%dma_start3A_718 : memref<128xi32, #tpu.memory_space<vmem>>) semaphore(%arg16 : memref<!tpu.dma_semaphore, #tpu.memory_space<semaphore_mem>>)
      %add3A_722 = arith.constant 1 : i32
      %add3A_723 = arith.addi %add3A_636, %add3A_722 : i32
      %gt3A_724 = arith.constant 0 : i32
      %gt3A_725 = arith.cmpi sgt, %add3A_636, %gt3A_724 : i32
      %convert_element_type3A_726 = arith.extui %gt3A_725 : i1 to i32
      %cond3A_727 = arith.constant 0 : i32
      %cond3A_728 = arith.cmpi ne, %convert_element_type3A_726, %cond3A_727 : i32
      scf.if %cond3A_728 {
        %min3A_1078 = arith.constant 0 : i32
        %min3A_1079 = arith.constant 199 : i32
        %min3A_1080 = arith.minsi %min3A_1078, %min3A_1079 : i32
        %add3A_1081 = arith.addi %mul3A_2, %min3A_1080 : i32
        %jit3A_1082 = arith.constant 128 : i32
        %div3A_1083 = arith.divsi %add3A_1081, %jit3A_1082 : i32
        %sign3A_1084 = arith.constant 0 : i32
        %sign3A_1085 = arith.cmpi sgt, %add3A_1081, %sign3A_1084 : i32
        %sign3A_1086 = arith.extui %sign3A_1085 : i1 to i32
        %sign3A_1087 = arith.constant 0 : i32
        %sign3A_1088 = arith.cmpi slt, %add3A_1081, %sign3A_1087 : i32
        %sign3A_1089 = arith.extui %sign3A_1088 : i1 to i32
        %sign3A_1090 = arith.subi %sign3A_1086, %sign3A_1089 : i32
        %sign3A_1091 = arith.constant 0 : i32
        %sign3A_1092 = arith.cmpi sgt, %jit3A_1082, %sign3A_1091 : i32
        %sign3A_1093 = arith.extui %sign3A_1092 : i1 to i32
        %sign3A_1094 = arith.constant 0 : i32
        %sign3A_1095 = arith.cmpi slt, %jit3A_1082, %sign3A_1094 : i32
        %sign3A_1096 = arith.extui %sign3A_1095 : i1 to i32
        %sign3A_1097 = arith.subi %sign3A_1093, %sign3A_1096 : i32
        %ne3A_1098 = arith.cmpi ne, %sign3A_1090, %sign3A_1097 : i32
        %rem3A_1099 = arith.remsi %add3A_1081, %jit3A_1082 : i32
        %ne3A_1100 = arith.constant 0 : i32
        %ne3A_1101 = arith.cmpi ne, %rem3A_1099, %ne3A_1100 : i32
        %and3A_1102 = arith.andi %ne3A_1098, %ne3A_1101 : i1
        %sub3A_1103 = arith.constant 1 : i32
        %sub3A_1104 = arith.subi %div3A_1083, %sub3A_1103 : i32
        %select_n3A_1105 = arith.select %and3A_1102, %sub3A_1104, %div3A_1083 : i32
        %jit3A_1106 = arith.constant 128 : i32
        %eq3A_1107 = arith.constant 0 : i32
        %eq3A_1108 = arith.cmpi eq, %jit3A_1106, %eq3A_1107 : i32
        %jit3A_1109 = arith.constant 1 : i32
        %select_n3A_1110 = arith.select %eq3A_1108, %jit3A_1109, %jit3A_1106 : i32
        %rem3A_1111 = arith.remsi %add3A_1081, %select_n3A_1110 : i32
        %ne3A_1112 = arith.constant 0 : i32
        %ne3A_1113 = arith.cmpi ne, %rem3A_1111, %ne3A_1112 : i32
        %lt3A_1114 = arith.constant 0 : i32
        %lt3A_1115 = arith.cmpi slt, %rem3A_1111, %lt3A_1114 : i32
        %lt3A_1116 = arith.constant 0 : i32
        %lt3A_1117 = arith.cmpi slt, %select_n3A_1110, %lt3A_1116 : i32
        %ne3A_1118 = arith.xori %lt3A_1115, %lt3A_1117 : i1
        %and3A_1119 = arith.andi %ne3A_1118, %ne3A_1113 : i1
        %add3A_1120 = arith.addi %rem3A_1111, %select_n3A_1110 : i32
        %select_n3A_1121 = arith.select %and3A_1119, %add3A_1120, %rem3A_1111 : i32
        %dma_wait3A_1122 = arith.constant 0 : i32
        %dma_wait3A_1123 = arith.constant 0 : i32
        %dma_wait3A_1124 = arith.constant 0 : i32
        %dma_wait3A_1125 = tpu.memref_slice %arg12[%dma_wait3A_1122, %dma_wait3A_1123, %dma_wait3A_1124] : memref<8x8x137xf32, #tpu.memory_space<vmem>> -> memref<8x8x128xf32, #tpu.memory_space<vmem>>
        %dma_wait3A_1126 = arith.constant 0 : i32
        %dma_wait3A_1127 = arith.constant 0 : i32
        %dma_wait3A_1128 = arith.constant 0 : i32
        %dma_wait3A_1129 = tpu.memref_slice %arg4[%select_n3A_1105, %dma_wait3A_1126, %select_n3A_1121, %dma_wait3A_1127, %dma_wait3A_1128] : memref<50x8x128x8x128xf32, #tpu.memory_space<hbm>> -> memref<1x8x1x8x128xf32, #tpu.memory_space<hbm>>
        %dma_wait3A_1130 = tpu.memref_squeeze %dma_wait3A_1129 : memref<1x8x1x8x128xf32, #tpu.memory_space<hbm>> -> memref<8x8x128xf32, #tpu.memory_space<hbm>>
        %dma_wait3A_1131 = arith.constant 0 : i32
        %dma_wait3A_1132 = arith.constant 0 : i32
        %dma_wait3A_1133 = arith.constant 0 : i32
        %dma_wait3A_1134 = tpu.memref_slice %arg4[%select_n3A_1105, %dma_wait3A_1131, %select_n3A_1121, %dma_wait3A_1132, %dma_wait3A_1133] : memref<50x8x128x8x128xf32, #tpu.memory_space<hbm>> -> memref<1x8x1x8x128xf32, #tpu.memory_space<hbm>>
        %dma_wait3A_1135 = tpu.memref_squeeze %dma_wait3A_1134 : memref<1x8x1x8x128xf32, #tpu.memory_space<hbm>> -> memref<8x8x128xf32, #tpu.memory_space<hbm>>
        %dma_wait3A_1136 = arith.constant 0 : i32
        %dma_wait3A_1137 = arith.constant 0 : i32
        %dma_wait3A_1138 = arith.constant 0 : i32
        %dma_wait3A_1139 = tpu.memref_slice %arg12[%dma_wait3A_1136, %dma_wait3A_1137, %dma_wait3A_1138] : memref<8x8x137xf32, #tpu.memory_space<vmem>> -> memref<8x8x128xf32, #tpu.memory_space<vmem>>
        tpu.wait_dma2 semaphore(%arg22 : memref<!tpu.dma_semaphore, #tpu.memory_space<semaphore_mem>>) src(%dma_wait3A_1139 : memref<8x8x128xf32, #tpu.memory_space<vmem>>) dst(%dma_wait3A_1135 : memref<8x8x128xf32, #tpu.memory_space<hbm>>)
      } else {
      }
      %min3A_729 = arith.constant 199 : i32
      %min3A_730 = arith.minsi %add3A_723, %min3A_729 : i32
      %mul3A_731 = arith.constant 128 : i32
      %mul3A_732 = arith.muli %min3A_730, %mul3A_731 : i32
      %dma_wait3A_733 = tpu.memref_slice %arg5[%mul3A_732] : memref<25600xi32, #tpu.memory_space<vmem>> -> memref<128xi32, #tpu.memory_space<vmem>>
      %dma_wait3A_734 = arith.constant 0 : i32
      %dma_wait3A_735 = arith.constant 0 : i32
      %dma_wait3A_736 = tpu.memref_slice %arg3[%dma_wait3A_734, %dma_wait3A_735] : memref<1000000x64xf32, #tpu.memory_space<hbm>> -> memref<1000000x64xf32, #tpu.memory_space<hbm>>
      tpu.wait_indirect_dma semaphore(%arg17 : memref<!tpu.dma_semaphore, #tpu.memory_space<semaphore_mem>>) src(%dma_wait3A_736 : memref<1000000x64xf32, #tpu.memory_space<hbm>>) dst(%arg7 : memref<128x64xf32, #tpu.memory_space<vmem>>)
      %parallel_loop3A_737 = arith.constant 0 : i32
      %parallel_loop3A_738 = arith.constant 128 : i32
      %parallel_loop3A_739 = arith.constant 1 : i32
      scf.for %parallel_loop3A_1078 = %parallel_loop3A_737 to %parallel_loop3A_738 step %parallel_loop3A_739  : i32 {
        %parallel_loop3A_1079 = vector.broadcast %parallel_loop3A_1078 : i32 to vector<16xi32>
        %parallel_loop3A_1080 = arith.index_cast %parallel_loop3A_1078 : i32 to index
        %parallel_loop3A_1081 = arith.constant 0 : index
        %parallel_loop3A_1082 = tpu.vector_load %arg7[%parallel_loop3A_1080, %parallel_loop3A_1081] {strides = array<i32>} : memref<128x64xf32, #tpu.memory_space<vmem>>, vector<16xf32>,
        tpu.vector_store_idx %arg12[%select_n3A, %select_n3A_155, %parallel_loop3A_1079], %parallel_loop3A_1082 : memref<8x8x137xf32, #tpu.memory_space<vmem>>[vector<16xi32>, vector<16xi32>, vector<16xi32>], vector<16xf32>,
        %parallel_loop3A_1083 = arith.index_cast %parallel_loop3A_1078 : i32 to index
        %parallel_loop3A_1084 = arith.constant 16 : index
        %parallel_loop3A_1085 = tpu.vector_load %arg7[%parallel_loop3A_1083, %parallel_loop3A_1084] {strides = array<i32>} : memref<128x64xf32, #tpu.memory_space<vmem>>, vector<16xf32>,
        tpu.vector_store_idx %arg12[%select_n3A_64, %select_n3A_180, %parallel_loop3A_1079], %parallel_loop3A_1085 : memref<8x8x137xf32, #tpu.memory_space<vmem>>[vector<16xi32>, vector<16xi32>, vector<16xi32>], vector<16xf32>,
        %parallel_loop3A_1086 = arith.index_cast %parallel_loop3A_1078 : i32 to index
        %parallel_loop3A_1087 = arith.constant 32 : index
        %parallel_loop3A_1088 = tpu.vector_load %arg7[%parallel_loop3A_1086, %parallel_loop3A_1087] {strides = array<i32>} : memref<128x64xf32, #tpu.memory_space<vmem>>, vector<16xf32>,
        tpu.vector_store_idx %arg12[%select_n3A_98, %select_n3A_205, %parallel_loop3A_1079], %parallel_loop3A_1088 : memref<8x8x137xf32, #tpu.memory_space<vmem>>[vector<16xi32>, vector<16xi32>, vector<16xi32>], vector<16xf32>,
        %parallel_loop3A_1089 = arith.index_cast %parallel_loop3A_1078 : i32 to index
        %parallel_loop3A_1090 = arith.constant 48 : index
        %parallel_loop3A_1091 = tpu.vector_load %arg7[%parallel_loop3A_1089, %parallel_loop3A_1090] {strides = array<i32>} : memref<128x64xf32, #tpu.memory_space<vmem>>, vector<16xf32>,
        tpu.vector_store_idx %arg12[%select_n3A_132, %select_n3A_230, %parallel_loop3A_1079], %parallel_loop3A_1091 : memref<8x8x137xf32, #tpu.memory_space<vmem>>[vector<16xi32>, vector<16xi32>, vector<16xi32>], vector<16xf32>,
      } {sc.loop_unroll_factor = 4 : i64, sc.parallel_access}
      %min3A_740 = arith.constant 199 : i32
      %min3A_741 = arith.minsi %add3A_723, %min3A_740 : i32
      %add3A_742 = arith.addi %mul3A_2, %min3A_741 : i32
      %jit3A_743 = arith.constant 128 : i32
      %div3A_744 = arith.divsi %add3A_742, %jit3A_743 : i32
      %sign3A_745 = arith.constant 0 : i32
      %sign3A_746 = arith.cmpi sgt, %add3A_742, %sign3A_745 : i32
      %sign3A_747 = arith.extui %sign3A_746 : i1 to i32
      %sign3A_748 = arith.constant 0 : i32
      %sign3A_749 = arith.cmpi slt, %add3A_742, %sign3A_748 : i32
      %sign3A_750 = arith.extui %sign3A_749 : i1 to i32
      %sign3A_751 = arith.subi %sign3A_747, %sign3A_750 : i32
      %sign3A_752 = arith.constant 0 : i32
      %sign3A_753 = arith.cmpi sgt, %jit3A_743, %sign3A_752 : i32
      %sign3A_754 = arith.extui %sign3A_753 : i1 to i32
      %sign3A_755 = arith.constant 0 : i32
      %sign3A_756 = arith.cmpi slt, %jit3A_743, %sign3A_755 : i32
      %sign3A_757 = arith.extui %sign3A_756 : i1 to i32
      %sign3A_758 = arith.subi %sign3A_754, %sign3A_757 : i32
      %ne3A_759 = arith.cmpi ne, %sign3A_751, %sign3A_758 : i32
      %rem3A_760 = arith.remsi %add3A_742, %jit3A_743 : i32
      %ne3A_761 = arith.constant 0 : i32
      %ne3A_762 = arith.cmpi ne, %rem3A_760, %ne3A_761 : i32
      %and3A_763 = arith.andi %ne3A_759, %ne3A_762 : i1
      %sub3A_764 = arith.constant 1 : i32
      %sub3A_765 = arith.subi %div3A_744, %sub3A_764 : i32
      %select_n3A_766 = arith.select %and3A_763, %sub3A_765, %div3A_744 : i32
      %jit3A_767 = arith.constant 128 : i32
      %eq3A_768 = arith.constant 0 : i32
      %eq3A_769 = arith.cmpi eq, %jit3A_767, %eq3A_768 : i32
      %jit3A_770 = arith.constant 1 : i32
      %select_n3A_771 = arith.select %eq3A_769, %jit3A_770, %jit3A_767 : i32
      %rem3A_772 = arith.remsi %add3A_742, %select_n3A_771 : i32
      %ne3A_773 = arith.constant 0 : i32
      %ne3A_774 = arith.cmpi ne, %rem3A_772, %ne3A_773 : i32
      %lt3A_775 = arith.constant 0 : i32
      %lt3A_776 = arith.cmpi slt, %rem3A_772, %lt3A_775 : i32
      %lt3A_777 = arith.constant 0 : i32
      %lt3A_778 = arith.cmpi slt, %select_n3A_771, %lt3A_777 : i32
      %ne3A_779 = arith.xori %lt3A_776, %lt3A_778 : i1
      %and3A_780 = arith.andi %ne3A_779, %ne3A_774 : i1
      %add3A_781 = arith.addi %rem3A_772, %select_n3A_771 : i32
      %select_n3A_782 = arith.select %and3A_780, %add3A_781, %rem3A_772 : i32
      %dma_start3A_783 = arith.constant 0 : i32
      %dma_start3A_784 = arith.constant 0 : i32
      %dma_start3A_785 = arith.constant 0 : i32
      %dma_start3A_786 = tpu.memref_slice %arg12[%dma_start3A_783, %dma_start3A_784, %dma_start3A_785] : memref<8x8x137xf32, #tpu.memory_space<vmem>> -> memref<8x8x128xf32, #tpu.memory_space<vmem>>
      %dma_start3A_787 = arith.constant 0 : i32
      %dma_start3A_788 = arith.constant 0 : i32
      %dma_start3A_789 = arith.constant 0 : i32
      %dma_start3A_790 = tpu.memref_slice %arg4[%select_n3A_766, %dma_start3A_787, %select_n3A_782, %dma_start3A_788, %dma_start3A_789] : memref<50x8x128x8x128xf32, #tpu.memory_space<hbm>> -> memref<1x8x1x8x128xf32, #tpu.memory_space<hbm>>
      %dma_start3A_791 = tpu.memref_squeeze %dma_start3A_790 : memref<1x8x1x8x128xf32, #tpu.memory_space<hbm>> -> memref<8x8x128xf32, #tpu.memory_space<hbm>>
      %dma_start3A_792 = arith.constant 0 : i32
      %dma_start3A_793 = arith.constant 0 : i32
      %dma_start3A_794 = arith.constant 0 : i32
      %dma_start3A_795 = tpu.memref_slice %arg4[%select_n3A_766, %dma_start3A_792, %select_n3A_782, %dma_start3A_793, %dma_start3A_794] : memref<50x8x128x8x128xf32, #tpu.memory_space<hbm>> -> memref<1x8x1x8x128xf32, #tpu.memory_space<hbm>>
      %dma_start3A_796 = tpu.memref_squeeze %dma_start3A_795 : memref<1x8x1x8x128xf32, #tpu.memory_space<hbm>> -> memref<8x8x128xf32, #tpu.memory_space<hbm>>
      %dma_start3A_797 = arith.constant 0 : i32
      %dma_start3A_798 = arith.constant 0 : i32
      %dma_start3A_799 = arith.constant 0 : i32
      %dma_start3A_800 = tpu.memref_slice %arg12[%dma_start3A_797, %dma_start3A_798, %dma_start3A_799] : memref<8x8x137xf32, #tpu.memory_space<vmem>> -> memref<8x8x128xf32, #tpu.memory_space<vmem>>
      tpu.enqueue_dma source(%dma_start3A_800 : memref<8x8x128xf32, #tpu.memory_space<vmem>>) target(%dma_start3A_796 : memref<8x8x128xf32, #tpu.memory_space<hbm>>) target_semaphore(%arg22 : memref<!tpu.dma_semaphore, #tpu.memory_space<semaphore_mem>>)
      %add3A_801 = arith.constant 5 : i32
      %add3A_802 = arith.addi %add3A_723, %add3A_801 : i32
      %min3A_803 = arith.constant 199 : i32
      %min3A_804 = arith.minsi %add3A_802, %min3A_803 : i32
      %mul3A_805 = arith.constant 128 : i32
      %mul3A_806 = arith.muli %min3A_804, %mul3A_805 : i32
      %dma_start3A_807 = tpu.memref_slice %arg5[%mul3A_806] : memref<25600xi32, #tpu.memory_space<vmem>> -> memref<128xi32, #tpu.memory_space<vmem>>
      %dma_start3A_808 = arith.constant 0 : i32
      %dma_start3A_809 = arith.constant 0 : i32
      %dma_start3A_810 = tpu.memref_slice %arg3[%dma_start3A_808, %dma_start3A_809] : memref<1000000x64xf32, #tpu.memory_space<hbm>> -> memref<1000000x64xf32, #tpu.memory_space<hbm>>
      tpu.enqueue_indirect_dma source(%dma_start3A_810 : memref<1000000x64xf32, #tpu.memory_space<hbm>>) target(%arg7 : memref<128x64xf32, #tpu.memory_space<vmem>>) offsets(%dma_start3A_807 : memref<128xi32, #tpu.memory_space<vmem>>) semaphore(%arg17 : memref<!tpu.dma_semaphore, #tpu.memory_space<semaphore_mem>>)
      %add3A_811 = arith.constant 2 : i32
      %add3A_812 = arith.addi %add3A_636, %add3A_811 : i32
      %gt3A_813 = arith.constant 0 : i32
      %gt3A_814 = arith.cmpi sgt, %add3A_636, %gt3A_813 : i32
      %convert_element_type3A_815 = arith.extui %gt3A_814 : i1 to i32
      %cond3A_816 = arith.constant 0 : i32
      %cond3A_817 = arith.cmpi ne, %convert_element_type3A_815, %cond3A_816 : i32
      scf.if %cond3A_817 {
        %min3A_1078 = arith.constant 0 : i32
        %min3A_1079 = arith.constant 199 : i32
        %min3A_1080 = arith.minsi %min3A_1078, %min3A_1079 : i32
        %add3A_1081 = arith.addi %mul3A_2, %min3A_1080 : i32
        %jit3A_1082 = arith.constant 128 : i32
        %div3A_1083 = arith.divsi %add3A_1081, %jit3A_1082 : i32
        %sign3A_1084 = arith.constant 0 : i32
        %sign3A_1085 = arith.cmpi sgt, %add3A_1081, %sign3A_1084 : i32
        %sign3A_1086 = arith.extui %sign3A_1085 : i1 to i32
        %sign3A_1087 = arith.constant 0 : i32
        %sign3A_1088 = arith.cmpi slt, %add3A_1081, %sign3A_1087 : i32
        %sign3A_1089 = arith.extui %sign3A_1088 : i1 to i32
        %sign3A_1090 = arith.subi %sign3A_1086, %sign3A_1089 : i32
        %sign3A_1091 = arith.constant 0 : i32
        %sign3A_1092 = arith.cmpi sgt, %jit3A_1082, %sign3A_1091 : i32
        %sign3A_1093 = arith.extui %sign3A_1092 : i1 to i32
        %sign3A_1094 = arith.constant 0 : i32
        %sign3A_1095 = arith.cmpi slt, %jit3A_1082, %sign3A_1094 : i32
        %sign3A_1096 = arith.extui %sign3A_1095 : i1 to i32
        %sign3A_1097 = arith.subi %sign3A_1093, %sign3A_1096 : i32
        %ne3A_1098 = arith.cmpi ne, %sign3A_1090, %sign3A_1097 : i32
        %rem3A_1099 = arith.remsi %add3A_1081, %jit3A_1082 : i32
        %ne3A_1100 = arith.constant 0 : i32
        %ne3A_1101 = arith.cmpi ne, %rem3A_1099, %ne3A_1100 : i32
        %and3A_1102 = arith.andi %ne3A_1098, %ne3A_1101 : i1
        %sub3A_1103 = arith.constant 1 : i32
        %sub3A_1104 = arith.subi %div3A_1083, %sub3A_1103 : i32
        %select_n3A_1105 = arith.select %and3A_1102, %sub3A_1104, %div3A_1083 : i32
        %jit3A_1106 = arith.constant 128 : i32
        %eq3A_1107 = arith.constant 0 : i32
        %eq3A_1108 = arith.cmpi eq, %jit3A_1106, %eq3A_1107 : i32
        %jit3A_1109 = arith.constant 1 : i32
        %select_n3A_1110 = arith.select %eq3A_1108, %jit3A_1109, %jit3A_1106 : i32
        %rem3A_1111 = arith.remsi %add3A_1081, %select_n3A_1110 : i32
        %ne3A_1112 = arith.constant 0 : i32
        %ne3A_1113 = arith.cmpi ne, %rem3A_1111, %ne3A_1112 : i32
        %lt3A_1114 = arith.constant 0 : i32
        %lt3A_1115 = arith.cmpi slt, %rem3A_1111, %lt3A_1114 : i32
        %lt3A_1116 = arith.constant 0 : i32
        %lt3A_1117 = arith.cmpi slt, %select_n3A_1110, %lt3A_1116 : i32
        %ne3A_1118 = arith.xori %lt3A_1115, %lt3A_1117 : i1
        %and3A_1119 = arith.andi %ne3A_1118, %ne3A_1113 : i1
        %add3A_1120 = arith.addi %rem3A_1111, %select_n3A_1110 : i32
        %select_n3A_1121 = arith.select %and3A_1119, %add3A_1120, %rem3A_1111 : i32
        %dma_wait3A_1122 = arith.constant 0 : i32
        %dma_wait3A_1123 = arith.constant 0 : i32
        %dma_wait3A_1124 = arith.constant 0 : i32
        %dma_wait3A_1125 = tpu.memref_slice %arg13[%dma_wait3A_1122, %dma_wait3A_1123, %dma_wait3A_1124] : memref<8x8x137xf32, #tpu.memory_space<vmem>> -> memref<8x8x128xf32, #tpu.memory_space<vmem>>
        %dma_wait3A_1126 = arith.constant 0 : i32
        %dma_wait3A_1127 = arith.constant 0 : i32
        %dma_wait3A_1128 = arith.constant 0 : i32
        %dma_wait3A_1129 = tpu.memref_slice %arg4[%select_n3A_1105, %dma_wait3A_1126, %select_n3A_1121, %dma_wait3A_1127, %dma_wait3A_1128] : memref<50x8x128x8x128xf32, #tpu.memory_space<hbm>> -> memref<1x8x1x8x128xf32, #tpu.memory_space<hbm>>
        %dma_wait3A_1130 = tpu.memref_squeeze %dma_wait3A_1129 : memref<1x8x1x8x128xf32, #tpu.memory_space<hbm>> -> memref<8x8x128xf32, #tpu.memory_space<hbm>>
        %dma_wait3A_1131 = arith.constant 0 : i32
        %dma_wait3A_1132 = arith.constant 0 : i32
        %dma_wait3A_1133 = arith.constant 0 : i32
        %dma_wait3A_1134 = tpu.memref_slice %arg4[%select_n3A_1105, %dma_wait3A_1131, %select_n3A_1121, %dma_wait3A_1132, %dma_wait3A_1133] : memref<50x8x128x8x128xf32, #tpu.memory_space<hbm>> -> memref<1x8x1x8x128xf32, #tpu.memory_space<hbm>>
        %dma_wait3A_1135 = tpu.memref_squeeze %dma_wait3A_1134 : memref<1x8x1x8x128xf32, #tpu.memory_space<hbm>> -> memref<8x8x128xf32, #tpu.memory_space<hbm>>
        %dma_wait3A_1136 = arith.constant 0 : i32
        %dma_wait3A_1137 = arith.constant 0 : i32
        %dma_wait3A_1138 = arith.constant 0 : i32
        %dma_wait3A_1139 = tpu.memref_slice %arg13[%dma_wait3A_1136, %dma_wait3A_1137, %dma_wait3A_1138] : memref<8x8x137xf32, #tpu.memory_space<vmem>> -> memref<8x8x128xf32, #tpu.memory_space<vmem>>
        tpu.wait_dma2 semaphore(%arg23 : memref<!tpu.dma_semaphore, #tpu.memory_space<semaphore_mem>>) src(%dma_wait3A_1139 : memref<8x8x128xf32, #tpu.memory_space<vmem>>) dst(%dma_wait3A_1135 : memref<8x8x128xf32, #tpu.memory_space<hbm>>)
      } else {
      }
      %min3A_818 = arith.constant 199 : i32
      %min3A_819 = arith.minsi %add3A_812, %min3A_818 : i32
      %mul3A_820 = arith.constant 128 : i32
      %mul3A_821 = arith.muli %min3A_819, %mul3A_820 : i32
      %dma_wait3A_822 = tpu.memref_slice %arg5[%mul3A_821] : memref<25600xi32, #tpu.memory_space<vmem>> -> memref<128xi32, #tpu.memory_space<vmem>>
      %dma_wait3A_823 = arith.constant 0 : i32
      %dma_wait3A_824 = arith.constant 0 : i32
      %dma_wait3A_825 = tpu.memref_slice %arg3[%dma_wait3A_823, %dma_wait3A_824] : memref<1000000x64xf32, #tpu.memory_space<hbm>> -> memref<1000000x64xf32, #tpu.memory_space<hbm>>
      tpu.wait_indirect_dma semaphore(%arg18 : memref<!tpu.dma_semaphore, #tpu.memory_space<semaphore_mem>>) src(%dma_wait3A_825 : memref<1000000x64xf32, #tpu.memory_space<hbm>>) dst(%arg8 : memref<128x64xf32, #tpu.memory_space<vmem>>)
      %parallel_loop3A_826 = arith.constant 0 : i32
      %parallel_loop3A_827 = arith.constant 128 : i32
      %parallel_loop3A_828 = arith.constant 1 : i32
      scf.for %parallel_loop3A_1078 = %parallel_loop3A_826 to %parallel_loop3A_827 step %parallel_loop3A_828  : i32 {
        %parallel_loop3A_1079 = vector.broadcast %parallel_loop3A_1078 : i32 to vector<16xi32>
        %parallel_loop3A_1080 = arith.index_cast %parallel_loop3A_1078 : i32 to index
        %parallel_loop3A_1081 = arith.constant 0 : index
        %parallel_loop3A_1082 = tpu.vector_load %arg8[%parallel_loop3A_1080, %parallel_loop3A_1081] {strides = array<i32>} : memref<128x64xf32, #tpu.memory_space<vmem>>, vector<16xf32>,
        tpu.vector_store_idx %arg13[%select_n3A, %select_n3A_155, %parallel_loop3A_1079], %parallel_loop3A_1082 : memref<8x8x137xf32, #tpu.memory_space<vmem>>[vector<16xi32>, vector<16xi32>, vector<16xi32>], vector<16xf32>,
        %parallel_loop3A_1083 = arith.index_cast %parallel_loop3A_1078 : i32 to index
        %parallel_loop3A_1084 = arith.constant 16 : index
        %parallel_loop3A_1085 = tpu.vector_load %arg8[%parallel_loop3A_1083, %parallel_loop3A_1084] {strides = array<i32>} : memref<128x64xf32, #tpu.memory_space<vmem>>, vector<16xf32>,
        tpu.vector_store_idx %arg13[%select_n3A_64, %select_n3A_180, %parallel_loop3A_1079], %parallel_loop3A_1085 : memref<8x8x137xf32, #tpu.memory_space<vmem>>[vector<16xi32>, vector<16xi32>, vector<16xi32>], vector<16xf32>,
        %parallel_loop3A_1086 = arith.index_cast %parallel_loop3A_1078 : i32 to index
        %parallel_loop3A_1087 = arith.constant 32 : index
        %parallel_loop3A_1088 = tpu.vector_load %arg8[%parallel_loop3A_1086, %parallel_loop3A_1087] {strides = array<i32>} : memref<128x64xf32, #tpu.memory_space<vmem>>, vector<16xf32>,
        tpu.vector_store_idx %arg13[%select_n3A_98, %select_n3A_205, %parallel_loop3A_1079], %parallel_loop3A_1088 : memref<8x8x137xf32, #tpu.memory_space<vmem>>[vector<16xi32>, vector<16xi32>, vector<16xi32>], vector<16xf32>,
        %parallel_loop3A_1089 = arith.index_cast %parallel_loop3A_1078 : i32 to index
        %parallel_loop3A_1090 = arith.constant 48 : index
        %parallel_loop3A_1091 = tpu.vector_load %arg8[%parallel_loop3A_1089, %parallel_loop3A_1090] {strides = array<i32>} : memref<128x64xf32, #tpu.memory_space<vmem>>, vector<16xf32>,
        tpu.vector_store_idx %arg13[%select_n3A_132, %select_n3A_230, %parallel_loop3A_1079], %parallel_loop3A_1091 : memref<8x8x137xf32, #tpu.memory_space<vmem>>[vector<16xi32>, vector<16xi32>, vector<16xi32>], vector<16xf32>,
      } {sc.loop_unroll_factor = 4 : i64, sc.parallel_access}
      %min3A_829 = arith.constant 199 : i32
      %min3A_830 = arith.minsi %add3A_812, %min3A_829 : i32
      %add3A_831 = arith.addi %mul3A_2, %min3A_830 : i32
      %jit3A_832 = arith.constant 128 : i32
      %div3A_833 = arith.divsi %add3A_831, %jit3A_832 : i32
      %sign3A_834 = arith.constant 0 : i32
      %sign3A_835 = arith.cmpi sgt, %add3A_831, %sign3A_834 : i32
      %sign3A_836 = arith.extui %sign3A_835 : i1 to i32
      %sign3A_837 = arith.constant 0 : i32
      %sign3A_838 = arith.cmpi slt, %add3A_831, %sign3A_837 : i32
      %sign3A_839 = arith.extui %sign3A_838 : i1 to i32
      %sign3A_840 = arith.subi %sign3A_836, %sign3A_839 : i32
      %sign3A_841 = arith.constant 0 : i32
      %sign3A_842 = arith.cmpi sgt, %jit3A_832, %sign3A_841 : i32
      %sign3A_843 = arith.extui %sign3A_842 : i1 to i32
      %sign3A_844 = arith.constant 0 : i32
      %sign3A_845 = arith.cmpi slt, %jit3A_832, %sign3A_844 : i32
      %sign3A_846 = arith.extui %sign3A_845 : i1 to i32
      %sign3A_847 = arith.subi %sign3A_843, %sign3A_846 : i32
      %ne3A_848 = arith.cmpi ne, %sign3A_840, %sign3A_847 : i32
      %rem3A_849 = arith.remsi %add3A_831, %jit3A_832 : i32
      %ne3A_850 = arith.constant 0 : i32
      %ne3A_851 = arith.cmpi ne, %rem3A_849, %ne3A_850 : i32
      %and3A_852 = arith.andi %ne3A_848, %ne3A_851 : i1
      %sub3A_853 = arith.constant 1 : i32
      %sub3A_854 = arith.subi %div3A_833, %sub3A_853 : i32
      %select_n3A_855 = arith.select %and3A_852, %sub3A_854, %div3A_833 : i32
      %jit3A_856 = arith.constant 128 : i32
      %eq3A_857 = arith.constant 0 : i32
      %eq3A_858 = arith.cmpi eq, %jit3A_856, %eq3A_857 : i32
      %jit3A_859 = arith.constant 1 : i32
      %select_n3A_860 = arith.select %eq3A_858, %jit3A_859, %jit3A_856 : i32
      %rem3A_861 = arith.remsi %add3A_831, %select_n3A_860 : i32
      %ne3A_862 = arith.constant 0 : i32
      %ne3A_863 = arith.cmpi ne, %rem3A_861, %ne3A_862 : i32
      %lt3A_864 = arith.constant 0 : i32
      %lt3A_865 = arith.cmpi slt, %rem3A_861, %lt3A_864 : i32
      %lt3A_866 = arith.constant 0 : i32
      %lt3A_867 = arith.cmpi slt, %select_n3A_860, %lt3A_866 : i32
      %ne3A_868 = arith.xori %lt3A_865, %lt3A_867 : i1
      %and3A_869 = arith.andi %ne3A_868, %ne3A_863 : i1
      %add3A_870 = arith.addi %rem3A_861, %select_n3A_860 : i32
      %select_n3A_871 = arith.select %and3A_869, %add3A_870, %rem3A_861 : i32
      %dma_start3A_872 = arith.constant 0 : i32
      %dma_start3A_873 = arith.constant 0 : i32
      %dma_start3A_874 = arith.constant 0 : i32
      %dma_start3A_875 = tpu.memref_slice %arg13[%dma_start3A_872, %dma_start3A_873, %dma_start3A_874] : memref<8x8x137xf32, #tpu.memory_space<vmem>> -> memref<8x8x128xf32, #tpu.memory_space<vmem>>
      %dma_start3A_876 = arith.constant 0 : i32
      %dma_start3A_877 = arith.constant 0 : i32
      %dma_start3A_878 = arith.constant 0 : i32
      %dma_start3A_879 = tpu.memref_slice %arg4[%select_n3A_855, %dma_start3A_876, %select_n3A_871, %dma_start3A_877, %dma_start3A_878] : memref<50x8x128x8x128xf32, #tpu.memory_space<hbm>> -> memref<1x8x1x8x128xf32, #tpu.memory_space<hbm>>
      %dma_start3A_880 = tpu.memref_squeeze %dma_start3A_879 : memref<1x8x1x8x128xf32, #tpu.memory_space<hbm>> -> memref<8x8x128xf32, #tpu.memory_space<hbm>>
      %dma_start3A_881 = arith.constant 0 : i32
      %dma_start3A_882 = arith.constant 0 : i32
      %dma_start3A_883 = arith.constant 0 : i32
      %dma_start3A_884 = tpu.memref_slice %arg4[%select_n3A_855, %dma_start3A_881, %select_n3A_871, %dma_start3A_882, %dma_start3A_883] : memref<50x8x128x8x128xf32, #tpu.memory_space<hbm>> -> memref<1x8x1x8x128xf32, #tpu.memory_space<hbm>>
      %dma_start3A_885 = tpu.memref_squeeze %dma_start3A_884 : memref<1x8x1x8x128xf32, #tpu.memory_space<hbm>> -> memref<8x8x128xf32, #tpu.memory_space<hbm>>
      %dma_start3A_886 = arith.constant 0 : i32
      %dma_start3A_887 = arith.constant 0 : i32
      %dma_start3A_888 = arith.constant 0 : i32
      %dma_start3A_889 = tpu.memref_slice %arg13[%dma_start3A_886, %dma_start3A_887, %dma_start3A_888] : memref<8x8x137xf32, #tpu.memory_space<vmem>> -> memref<8x8x128xf32, #tpu.memory_space<vmem>>
      tpu.enqueue_dma source(%dma_start3A_889 : memref<8x8x128xf32, #tpu.memory_space<vmem>>) target(%dma_start3A_885 : memref<8x8x128xf32, #tpu.memory_space<hbm>>) target_semaphore(%arg23 : memref<!tpu.dma_semaphore, #tpu.memory_space<semaphore_mem>>)
      %add3A_890 = arith.constant 5 : i32
      %add3A_891 = arith.addi %add3A_812, %add3A_890 : i32
      %min3A_892 = arith.constant 199 : i32
      %min3A_893 = arith.minsi %add3A_891, %min3A_892 : i32
      %mul3A_894 = arith.constant 128 : i32
      %mul3A_895 = arith.muli %min3A_893, %mul3A_894 : i32
      %dma_start3A_896 = tpu.memref_slice %arg5[%mul3A_895] : memref<25600xi32, #tpu.memory_space<vmem>> -> memref<128xi32, #tpu.memory_space<vmem>>
      %dma_start3A_897 = arith.constant 0 : i32
      %dma_start3A_898 = arith.constant 0 : i32
      %dma_start3A_899 = tpu.memref_slice %arg3[%dma_start3A_897, %dma_start3A_898] : memref<1000000x64xf32, #tpu.memory_space<hbm>> -> memref<1000000x64xf32, #tpu.memory_space<hbm>>
      tpu.enqueue_indirect_dma source(%dma_start3A_899 : memref<1000000x64xf32, #tpu.memory_space<hbm>>) target(%arg8 : memref<128x64xf32, #tpu.memory_space<vmem>>) offsets(%dma_start3A_896 : memref<128xi32, #tpu.memory_space<vmem>>) semaphore(%arg18 : memref<!tpu.dma_semaphore, #tpu.memory_space<semaphore_mem>>)
      %add3A_900 = arith.constant 3 : i32
      %add3A_901 = arith.addi %add3A_636, %add3A_900 : i32
      %gt3A_902 = arith.constant 0 : i32
      %gt3A_903 = arith.cmpi sgt, %add3A_636, %gt3A_902 : i32
      %convert_element_type3A_904 = arith.extui %gt3A_903 : i1 to i32
      %cond3A_905 = arith.constant 0 : i32
      %cond3A_906 = arith.cmpi ne, %convert_element_type3A_904, %cond3A_905 : i32
      scf.if %cond3A_906 {
        %min3A_1078 = arith.constant 0 : i32
        %min3A_1079 = arith.constant 199 : i32
        %min3A_1080 = arith.minsi %min3A_1078, %min3A_1079 : i32
        %add3A_1081 = arith.addi %mul3A_2, %min3A_1080 : i32
        %jit3A_1082 = arith.constant 128 : i32
        %div3A_1083 = arith.divsi %add3A_1081, %jit3A_1082 : i32
        %sign3A_1084 = arith.constant 0 : i32
        %sign3A_1085 = arith.cmpi sgt, %add3A_1081, %sign3A_1084 : i32
        %sign3A_1086 = arith.extui %sign3A_1085 : i1 to i32
        %sign3A_1087 = arith.constant 0 : i32
        %sign3A_1088 = arith.cmpi slt, %add3A_1081, %sign3A_1087 : i32
        %sign3A_1089 = arith.extui %sign3A_1088 : i1 to i32
        %sign3A_1090 = arith.subi %sign3A_1086, %sign3A_1089 : i32
        %sign3A_1091 = arith.constant 0 : i32
        %sign3A_1092 = arith.cmpi sgt, %jit3A_1082, %sign3A_1091 : i32
        %sign3A_1093 = arith.extui %sign3A_1092 : i1 to i32
        %sign3A_1094 = arith.constant 0 : i32
        %sign3A_1095 = arith.cmpi slt, %jit3A_1082, %sign3A_1094 : i32
        %sign3A_1096 = arith.extui %sign3A_1095 : i1 to i32
        %sign3A_1097 = arith.subi %sign3A_1093, %sign3A_1096 : i32
        %ne3A_1098 = arith.cmpi ne, %sign3A_1090, %sign3A_1097 : i32
        %rem3A_1099 = arith.remsi %add3A_1081, %jit3A_1082 : i32
        %ne3A_1100 = arith.constant 0 : i32
        %ne3A_1101 = arith.cmpi ne, %rem3A_1099, %ne3A_1100 : i32
        %and3A_1102 = arith.andi %ne3A_1098, %ne3A_1101 : i1
        %sub3A_1103 = arith.constant 1 : i32
        %sub3A_1104 = arith.subi %div3A_1083, %sub3A_1103 : i32
        %select_n3A_1105 = arith.select %and3A_1102, %sub3A_1104, %div3A_1083 : i32
        %jit3A_1106 = arith.constant 128 : i32
        %eq3A_1107 = arith.constant 0 : i32
        %eq3A_1108 = arith.cmpi eq, %jit3A_1106, %eq3A_1107 : i32
        %jit3A_1109 = arith.constant 1 : i32
        %select_n3A_1110 = arith.select %eq3A_1108, %jit3A_1109, %jit3A_1106 : i32
        %rem3A_1111 = arith.remsi %add3A_1081, %select_n3A_1110 : i32
        %ne3A_1112 = arith.constant 0 : i32
        %ne3A_1113 = arith.cmpi ne, %rem3A_1111, %ne3A_1112 : i32
        %lt3A_1114 = arith.constant 0 : i32
        %lt3A_1115 = arith.cmpi slt, %rem3A_1111, %lt3A_1114 : i32
        %lt3A_1116 = arith.constant 0 : i32
        %lt3A_1117 = arith.cmpi slt, %select_n3A_1110, %lt3A_1116 : i32
        %ne3A_1118 = arith.xori %lt3A_1115, %lt3A_1117 : i1
        %and3A_1119 = arith.andi %ne3A_1118, %ne3A_1113 : i1
        %add3A_1120 = arith.addi %rem3A_1111, %select_n3A_1110 : i32
        %select_n3A_1121 = arith.select %and3A_1119, %add3A_1120, %rem3A_1111 : i32
        %dma_wait3A_1122 = arith.constant 0 : i32
        %dma_wait3A_1123 = arith.constant 0 : i32
        %dma_wait3A_1124 = arith.constant 0 : i32
        %dma_wait3A_1125 = tpu.memref_slice %arg14[%dma_wait3A_1122, %dma_wait3A_1123, %dma_wait3A_1124] : memref<8x8x137xf32, #tpu.memory_space<vmem>> -> memref<8x8x128xf32, #tpu.memory_space<vmem>>
        %dma_wait3A_1126 = arith.constant 0 : i32
        %dma_wait3A_1127 = arith.constant 0 : i32
        %dma_wait3A_1128 = arith.constant 0 : i32
        %dma_wait3A_1129 = tpu.memref_slice %arg4[%select_n3A_1105, %dma_wait3A_1126, %select_n3A_1121, %dma_wait3A_1127, %dma_wait3A_1128] : memref<50x8x128x8x128xf32, #tpu.memory_space<hbm>> -> memref<1x8x1x8x128xf32, #tpu.memory_space<hbm>>
        %dma_wait3A_1130 = tpu.memref_squeeze %dma_wait3A_1129 : memref<1x8x1x8x128xf32, #tpu.memory_space<hbm>> -> memref<8x8x128xf32, #tpu.memory_space<hbm>>
        %dma_wait3A_1131 = arith.constant 0 : i32
        %dma_wait3A_1132 = arith.constant 0 : i32
        %dma_wait3A_1133 = arith.constant 0 : i32
        %dma_wait3A_1134 = tpu.memref_slice %arg4[%select_n3A_1105, %dma_wait3A_1131, %select_n3A_1121, %dma_wait3A_1132, %dma_wait3A_1133] : memref<50x8x128x8x128xf32, #tpu.memory_space<hbm>> -> memref<1x8x1x8x128xf32, #tpu.memory_space<hbm>>
        %dma_wait3A_1135 = tpu.memref_squeeze %dma_wait3A_1134 : memref<1x8x1x8x128xf32, #tpu.memory_space<hbm>> -> memref<8x8x128xf32, #tpu.memory_space<hbm>>
        %dma_wait3A_1136 = arith.constant 0 : i32
        %dma_wait3A_1137 = arith.constant 0 : i32
        %dma_wait3A_1138 = arith.constant 0 : i32
        %dma_wait3A_1139 = tpu.memref_slice %arg14[%dma_wait3A_1136, %dma_wait3A_1137, %dma_wait3A_1138] : memref<8x8x137xf32, #tpu.memory_space<vmem>> -> memref<8x8x128xf32, #tpu.memory_space<vmem>>
        tpu.wait_dma2 semaphore(%arg24 : memref<!tpu.dma_semaphore, #tpu.memory_space<semaphore_mem>>) src(%dma_wait3A_1139 : memref<8x8x128xf32, #tpu.memory_space<vmem>>) dst(%dma_wait3A_1135 : memref<8x8x128xf32, #tpu.memory_space<hbm>>)
      } else {
      }
      %min3A_907 = arith.constant 199 : i32
      %min3A_908 = arith.minsi %add3A_901, %min3A_907 : i32
      %mul3A_909 = arith.constant 128 : i32
      %mul3A_910 = arith.muli %min3A_908, %mul3A_909 : i32
      %dma_wait3A_911 = tpu.memref_slice %arg5[%mul3A_910] : memref<25600xi32, #tpu.memory_space<vmem>> -> memref<128xi32, #tpu.memory_space<vmem>>
      %dma_wait3A_912 = arith.constant 0 : i32
      %dma_wait3A_913 = arith.constant 0 : i32
      %dma_wait3A_914 = tpu.memref_slice %arg3[%dma_wait3A_912, %dma_wait3A_913] : memref<1000000x64xf32, #tpu.memory_space<hbm>> -> memref<1000000x64xf32, #tpu.memory_space<hbm>>
      tpu.wait_indirect_dma semaphore(%arg19 : memref<!tpu.dma_semaphore, #tpu.memory_space<semaphore_mem>>) src(%dma_wait3A_914 : memref<1000000x64xf32, #tpu.memory_space<hbm>>) dst(%arg9 : memref<128x64xf32, #tpu.memory_space<vmem>>)
      %parallel_loop3A_915 = arith.constant 0 : i32
      %parallel_loop3A_916 = arith.constant 128 : i32
      %parallel_loop3A_917 = arith.constant 1 : i32
      scf.for %parallel_loop3A_1078 = %parallel_loop3A_915 to %parallel_loop3A_916 step %parallel_loop3A_917  : i32 {
        %parallel_loop3A_1079 = vector.broadcast %parallel_loop3A_1078 : i32 to vector<16xi32>
        %parallel_loop3A_1080 = arith.index_cast %parallel_loop3A_1078 : i32 to index
        %parallel_loop3A_1081 = arith.constant 0 : index
        %parallel_loop3A_1082 = tpu.vector_load %arg9[%parallel_loop3A_1080, %parallel_loop3A_1081] {strides = array<i32>} : memref<128x64xf32, #tpu.memory_space<vmem>>, vector<16xf32>,
        tpu.vector_store_idx %arg14[%select_n3A, %select_n3A_155, %parallel_loop3A_1079], %parallel_loop3A_1082 : memref<8x8x137xf32, #tpu.memory_space<vmem>>[vector<16xi32>, vector<16xi32>, vector<16xi32>], vector<16xf32>,
        %parallel_loop3A_1083 = arith.index_cast %parallel_loop3A_1078 : i32 to index
        %parallel_loop3A_1084 = arith.constant 16 : index
        %parallel_loop3A_1085 = tpu.vector_load %arg9[%parallel_loop3A_1083, %parallel_loop3A_1084] {strides = array<i32>} : memref<128x64xf32, #tpu.memory_space<vmem>>, vector<16xf32>,
        tpu.vector_store_idx %arg14[%select_n3A_64, %select_n3A_180, %parallel_loop3A_1079], %parallel_loop3A_1085 : memref<8x8x137xf32, #tpu.memory_space<vmem>>[vector<16xi32>, vector<16xi32>, vector<16xi32>], vector<16xf32>,
        %parallel_loop3A_1086 = arith.index_cast %parallel_loop3A_1078 : i32 to index
        %parallel_loop3A_1087 = arith.constant 32 : index
        %parallel_loop3A_1088 = tpu.vector_load %arg9[%parallel_loop3A_1086, %parallel_loop3A_1087] {strides = array<i32>} : memref<128x64xf32, #tpu.memory_space<vmem>>, vector<16xf32>,
        tpu.vector_store_idx %arg14[%select_n3A_98, %select_n3A_205, %parallel_loop3A_1079], %parallel_loop3A_1088 : memref<8x8x137xf32, #tpu.memory_space<vmem>>[vector<16xi32>, vector<16xi32>, vector<16xi32>], vector<16xf32>,
        %parallel_loop3A_1089 = arith.index_cast %parallel_loop3A_1078 : i32 to index
        %parallel_loop3A_1090 = arith.constant 48 : index
        %parallel_loop3A_1091 = tpu.vector_load %arg9[%parallel_loop3A_1089, %parallel_loop3A_1090] {strides = array<i32>} : memref<128x64xf32, #tpu.memory_space<vmem>>, vector<16xf32>,
        tpu.vector_store_idx %arg14[%select_n3A_132, %select_n3A_230, %parallel_loop3A_1079], %parallel_loop3A_1091 : memref<8x8x137xf32, #tpu.memory_space<vmem>>[vector<16xi32>, vector<16xi32>, vector<16xi32>], vector<16xf32>,
      } {sc.loop_unroll_factor = 4 : i64, sc.parallel_access}
      %min3A_918 = arith.constant 199 : i32
      %min3A_919 = arith.minsi %add3A_901, %min3A_918 : i32
      %add3A_920 = arith.addi %mul3A_2, %min3A_919 : i32
      %jit3A_921 = arith.constant 128 : i32
      %div3A_922 = arith.divsi %add3A_920, %jit3A_921 : i32
      %sign3A_923 = arith.constant 0 : i32
      %sign3A_924 = arith.cmpi sgt, %add3A_920, %sign3A_923 : i32
      %sign3A_925 = arith.extui %sign3A_924 : i1 to i32
      %sign3A_926 = arith.constant 0 : i32
      %sign3A_927 = arith.cmpi slt, %add3A_920, %sign3A_926 : i32
      %sign3A_928 = arith.extui %sign3A_927 : i1 to i32
      %sign3A_929 = arith.subi %sign3A_925, %sign3A_928 : i32
      %sign3A_930 = arith.constant 0 : i32
      %sign3A_931 = arith.cmpi sgt, %jit3A_921, %sign3A_930 : i32
      %sign3A_932 = arith.extui %sign3A_931 : i1 to i32
      %sign3A_933 = arith.constant 0 : i32
      %sign3A_934 = arith.cmpi slt, %jit3A_921, %sign3A_933 : i32
      %sign3A_935 = arith.extui %sign3A_934 : i1 to i32
      %sign3A_936 = arith.subi %sign3A_932, %sign3A_935 : i32
      %ne3A_937 = arith.cmpi ne, %sign3A_929, %sign3A_936 : i32
      %rem3A_938 = arith.remsi %add3A_920, %jit3A_921 : i32
      %ne3A_939 = arith.constant 0 : i32
      %ne3A_940 = arith.cmpi ne, %rem3A_938, %ne3A_939 : i32
      %and3A_941 = arith.andi %ne3A_937, %ne3A_940 : i1
      %sub3A_942 = arith.constant 1 : i32
      %sub3A_943 = arith.subi %div3A_922, %sub3A_942 : i32
      %select_n3A_944 = arith.select %and3A_941, %sub3A_943, %div3A_922 : i32
      %jit3A_945 = arith.constant 128 : i32
      %eq3A_946 = arith.constant 0 : i32
      %eq3A_947 = arith.cmpi eq, %jit3A_945, %eq3A_946 : i32
      %jit3A_948 = arith.constant 1 : i32
      %select_n3A_949 = arith.select %eq3A_947, %jit3A_948, %jit3A_945 : i32
      %rem3A_950 = arith.remsi %add3A_920, %select_n3A_949 : i32
      %ne3A_951 = arith.constant 0 : i32
      %ne3A_952 = arith.cmpi ne, %rem3A_950, %ne3A_951 : i32
      %lt3A_953 = arith.constant 0 : i32
      %lt3A_954 = arith.cmpi slt, %rem3A_950, %lt3A_953 : i32
      %lt3A_955 = arith.constant 0 : i32
      %lt3A_956 = arith.cmpi slt, %select_n3A_949, %lt3A_955 : i32
      %ne3A_957 = arith.xori %lt3A_954, %lt3A_956 : i1
      %and3A_958 = arith.andi %ne3A_957, %ne3A_952 : i1
      %add3A_959 = arith.addi %rem3A_950, %select_n3A_949 : i32
      %select_n3A_960 = arith.select %and3A_958, %add3A_959, %rem3A_950 : i32
      %dma_start3A_961 = arith.constant 0 : i32
      %dma_start3A_962 = arith.constant 0 : i32
      %dma_start3A_963 = arith.constant 0 : i32
      %dma_start3A_964 = tpu.memref_slice %arg14[%dma_start3A_961, %dma_start3A_962, %dma_start3A_963] : memref<8x8x137xf32, #tpu.memory_space<vmem>> -> memref<8x8x128xf32, #tpu.memory_space<vmem>>
      %dma_start3A_965 = arith.constant 0 : i32
      %dma_start3A_966 = arith.constant 0 : i32
      %dma_start3A_967 = arith.constant 0 : i32
      %dma_start3A_968 = tpu.memref_slice %arg4[%select_n3A_944, %dma_start3A_965, %select_n3A_960, %dma_start3A_966, %dma_start3A_967] : memref<50x8x128x8x128xf32, #tpu.memory_space<hbm>> -> memref<1x8x1x8x128xf32, #tpu.memory_space<hbm>>
      %dma_start3A_969 = tpu.memref_squeeze %dma_start3A_968 : memref<1x8x1x8x128xf32, #tpu.memory_space<hbm>> -> memref<8x8x128xf32, #tpu.memory_space<hbm>>
      %dma_start3A_970 = arith.constant 0 : i32
      %dma_start3A_971 = arith.constant 0 : i32
      %dma_start3A_972 = arith.constant 0 : i32
      %dma_start3A_973 = tpu.memref_slice %arg4[%select_n3A_944, %dma_start3A_970, %select_n3A_960, %dma_start3A_971, %dma_start3A_972] : memref<50x8x128x8x128xf32, #tpu.memory_space<hbm>> -> memref<1x8x1x8x128xf32, #tpu.memory_space<hbm>>
      %dma_start3A_974 = tpu.memref_squeeze %dma_start3A_973 : memref<1x8x1x8x128xf32, #tpu.memory_space<hbm>> -> memref<8x8x128xf32, #tpu.memory_space<hbm>>
      %dma_start3A_975 = arith.constant 0 : i32
      %dma_start3A_976 = arith.constant 0 : i32
      %dma_start3A_977 = arith.constant 0 : i32
      %dma_start3A_978 = tpu.memref_slice %arg14[%dma_start3A_975, %dma_start3A_976, %dma_start3A_977] : memref<8x8x137xf32, #tpu.memory_space<vmem>> -> memref<8x8x128xf32, #tpu.memory_space<vmem>>
      tpu.enqueue_dma source(%dma_start3A_978 : memref<8x8x128xf32, #tpu.memory_space<vmem>>) target(%dma_start3A_974 : memref<8x8x128xf32, #tpu.memory_space<hbm>>) target_semaphore(%arg24 : memref<!tpu.dma_semaphore, #tpu.memory_space<semaphore_mem>>)
      %add3A_979 = arith.constant 5 : i32
      %add3A_980 = arith.addi %add3A_901, %add3A_979 : i32
      %min3A_981 = arith.constant 199 : i32
      %min3A_982 = arith.minsi %add3A_980, %min3A_981 : i32
      %mul3A_983 = arith.constant 128 : i32
      %mul3A_984 = arith.muli %min3A_982, %mul3A_983 : i32
      %dma_start3A_985 = tpu.memref_slice %arg5[%mul3A_984] : memref<25600xi32, #tpu.memory_space<vmem>> -> memref<128xi32, #tpu.memory_space<vmem>>
      %dma_start3A_986 = arith.constant 0 : i32
      %dma_start3A_987 = arith.constant 0 : i32
      %dma_start3A_988 = tpu.memref_slice %arg3[%dma_start3A_986, %dma_start3A_987] : memref<1000000x64xf32, #tpu.memory_space<hbm>> -> memref<1000000x64xf32, #tpu.memory_space<hbm>>
      tpu.enqueue_indirect_dma source(%dma_start3A_988 : memref<1000000x64xf32, #tpu.memory_space<hbm>>) target(%arg9 : memref<128x64xf32, #tpu.memory_space<vmem>>) offsets(%dma_start3A_985 : memref<128xi32, #tpu.memory_space<vmem>>) semaphore(%arg19 : memref<!tpu.dma_semaphore, #tpu.memory_space<semaphore_mem>>)
      %add3A_989 = arith.constant 4 : i32
      %add3A_990 = arith.addi %add3A_636, %add3A_989 : i32
      %gt3A_991 = arith.constant 0 : i32
      %gt3A_992 = arith.cmpi sgt, %add3A_636, %gt3A_991 : i32
      %convert_element_type3A_993 = arith.extui %gt3A_992 : i1 to i32
      %cond3A_994 = arith.constant 0 : i32
      %cond3A_995 = arith.cmpi ne, %convert_element_type3A_993, %cond3A_994 : i32
      scf.if %cond3A_995 {
        %min3A_1078 = arith.constant 0 : i32
        %min3A_1079 = arith.constant 199 : i32
        %min3A_1080 = arith.minsi %min3A_1078, %min3A_1079 : i32
        %add3A_1081 = arith.addi %mul3A_2, %min3A_1080 : i32
        %jit3A_1082 = arith.constant 128 : i32
        %div3A_1083 = arith.divsi %add3A_1081, %jit3A_1082 : i32
        %sign3A_1084 = arith.constant 0 : i32
        %sign3A_1085 = arith.cmpi sgt, %add3A_1081, %sign3A_1084 : i32
        %sign3A_1086 = arith.extui %sign3A_1085 : i1 to i32
        %sign3A_1087 = arith.constant 0 : i32
        %sign3A_1088 = arith.cmpi slt, %add3A_1081, %sign3A_1087 : i32
        %sign3A_1089 = arith.extui %sign3A_1088 : i1 to i32
        %sign3A_1090 = arith.subi %sign3A_1086, %sign3A_1089 : i32
        %sign3A_1091 = arith.constant 0 : i32
        %sign3A_1092 = arith.cmpi sgt, %jit3A_1082, %sign3A_1091 : i32
        %sign3A_1093 = arith.extui %sign3A_1092 : i1 to i32
        %sign3A_1094 = arith.constant 0 : i32
        %sign3A_1095 = arith.cmpi slt, %jit3A_1082, %sign3A_1094 : i32
        %sign3A_1096 = arith.extui %sign3A_1095 : i1 to i32
        %sign3A_1097 = arith.subi %sign3A_1093, %sign3A_1096 : i32
        %ne3A_1098 = arith.cmpi ne, %sign3A_1090, %sign3A_1097 : i32
        %rem3A_1099 = arith.remsi %add3A_1081, %jit3A_1082 : i32
        %ne3A_1100 = arith.constant 0 : i32
        %ne3A_1101 = arith.cmpi ne, %rem3A_1099, %ne3A_1100 : i32
        %and3A_1102 = arith.andi %ne3A_1098, %ne3A_1101 : i1
        %sub3A_1103 = arith.constant 1 : i32
        %sub3A_1104 = arith.subi %div3A_1083, %sub3A_1103 : i32
        %select_n3A_1105 = arith.select %and3A_1102, %sub3A_1104, %div3A_1083 : i32
        %jit3A_1106 = arith.constant 128 : i32
        %eq3A_1107 = arith.constant 0 : i32
        %eq3A_1108 = arith.cmpi eq, %jit3A_1106, %eq3A_1107 : i32
        %jit3A_1109 = arith.constant 1 : i32
        %select_n3A_1110 = arith.select %eq3A_1108, %jit3A_1109, %jit3A_1106 : i32
        %rem3A_1111 = arith.remsi %add3A_1081, %select_n3A_1110 : i32
        %ne3A_1112 = arith.constant 0 : i32
        %ne3A_1113 = arith.cmpi ne, %rem3A_1111, %ne3A_1112 : i32
        %lt3A_1114 = arith.constant 0 : i32
        %lt3A_1115 = arith.cmpi slt, %rem3A_1111, %lt3A_1114 : i32
        %lt3A_1116 = arith.constant 0 : i32
        %lt3A_1117 = arith.cmpi slt, %select_n3A_1110, %lt3A_1116 : i32
        %ne3A_1118 = arith.xori %lt3A_1115, %lt3A_1117 : i1
        %and3A_1119 = arith.andi %ne3A_1118, %ne3A_1113 : i1
        %add3A_1120 = arith.addi %rem3A_1111, %select_n3A_1110 : i32
        %select_n3A_1121 = arith.select %and3A_1119, %add3A_1120, %rem3A_1111 : i32
        %dma_wait3A_1122 = arith.constant 0 : i32
        %dma_wait3A_1123 = arith.constant 0 : i32
        %dma_wait3A_1124 = arith.constant 0 : i32
        %dma_wait3A_1125 = tpu.memref_slice %arg15[%dma_wait3A_1122, %dma_wait3A_1123, %dma_wait3A_1124] : memref<8x8x137xf32, #tpu.memory_space<vmem>> -> memref<8x8x128xf32, #tpu.memory_space<vmem>>
        %dma_wait3A_1126 = arith.constant 0 : i32
        %dma_wait3A_1127 = arith.constant 0 : i32
        %dma_wait3A_1128 = arith.constant 0 : i32
        %dma_wait3A_1129 = tpu.memref_slice %arg4[%select_n3A_1105, %dma_wait3A_1126, %select_n3A_1121, %dma_wait3A_1127, %dma_wait3A_1128] : memref<50x8x128x8x128xf32, #tpu.memory_space<hbm>> -> memref<1x8x1x8x128xf32, #tpu.memory_space<hbm>>
        %dma_wait3A_1130 = tpu.memref_squeeze %dma_wait3A_1129 : memref<1x8x1x8x128xf32, #tpu.memory_space<hbm>> -> memref<8x8x128xf32, #tpu.memory_space<hbm>>
        %dma_wait3A_1131 = arith.constant 0 : i32
        %dma_wait3A_1132 = arith.constant 0 : i32
        %dma_wait3A_1133 = arith.constant 0 : i32
        %dma_wait3A_1134 = tpu.memref_slice %arg4[%select_n3A_1105, %dma_wait3A_1131, %select_n3A_1121, %dma_wait3A_1132, %dma_wait3A_1133] : memref<50x8x128x8x128xf32, #tpu.memory_space<hbm>> -> memref<1x8x1x8x128xf32, #tpu.memory_space<hbm>>
        %dma_wait3A_1135 = tpu.memref_squeeze %dma_wait3A_1134 : memref<1x8x1x8x128xf32, #tpu.memory_space<hbm>> -> memref<8x8x128xf32, #tpu.memory_space<hbm>>
        %dma_wait3A_1136 = arith.constant 0 : i32
        %dma_wait3A_1137 = arith.constant 0 : i32
        %dma_wait3A_1138 = arith.constant 0 : i32
        %dma_wait3A_1139 = tpu.memref_slice %arg15[%dma_wait3A_1136, %dma_wait3A_1137, %dma_wait3A_1138] : memref<8x8x137xf32, #tpu.memory_space<vmem>> -> memref<8x8x128xf32, #tpu.memory_space<vmem>>
        tpu.wait_dma2 semaphore(%arg25 : memref<!tpu.dma_semaphore, #tpu.memory_space<semaphore_mem>>) src(%dma_wait3A_1139 : memref<8x8x128xf32, #tpu.memory_space<vmem>>) dst(%dma_wait3A_1135 : memref<8x8x128xf32, #tpu.memory_space<hbm>>)
      } else {
      }
      %min3A_996 = arith.constant 199 : i32
      %min3A_997 = arith.minsi %add3A_990, %min3A_996 : i32
      %mul3A_998 = arith.constant 128 : i32
      %mul3A_999 = arith.muli %min3A_997, %mul3A_998 : i32
      %dma_wait3A_1000 = tpu.memref_slice %arg5[%mul3A_999] : memref<25600xi32, #tpu.memory_space<vmem>> -> memref<128xi32, #tpu.memory_space<vmem>>
      %dma_wait3A_1001 = arith.constant 0 : i32
      %dma_wait3A_1002 = arith.constant 0 : i32
      %dma_wait3A_1003 = tpu.memref_slice %arg3[%dma_wait3A_1001, %dma_wait3A_1002] : memref<1000000x64xf32, #tpu.memory_space<hbm>> -> memref<1000000x64xf32, #tpu.memory_space<hbm>>
      tpu.wait_indirect_dma semaphore(%arg20 : memref<!tpu.dma_semaphore, #tpu.memory_space<semaphore_mem>>) src(%dma_wait3A_1003 : memref<1000000x64xf32, #tpu.memory_space<hbm>>) dst(%arg10 : memref<128x64xf32, #tpu.memory_space<vmem>>)
      %parallel_loop3A_1004 = arith.constant 0 : i32
      %parallel_loop3A_1005 = arith.constant 128 : i32
      %parallel_loop3A_1006 = arith.constant 1 : i32
      scf.for %parallel_loop3A_1078 = %parallel_loop3A_1004 to %parallel_loop3A_1005 step %parallel_loop3A_1006  : i32 {
        %parallel_loop3A_1079 = vector.broadcast %parallel_loop3A_1078 : i32 to vector<16xi32>
        %parallel_loop3A_1080 = arith.index_cast %parallel_loop3A_1078 : i32 to index
        %parallel_loop3A_1081 = arith.constant 0 : index
        %parallel_loop3A_1082 = tpu.vector_load %arg10[%parallel_loop3A_1080, %parallel_loop3A_1081] {strides = array<i32>} : memref<128x64xf32, #tpu.memory_space<vmem>>, vector<16xf32>,
        tpu.vector_store_idx %arg15[%select_n3A, %select_n3A_155, %parallel_loop3A_1079], %parallel_loop3A_1082 : memref<8x8x137xf32, #tpu.memory_space<vmem>>[vector<16xi32>, vector<16xi32>, vector<16xi32>], vector<16xf32>,
        %parallel_loop3A_1083 = arith.index_cast %parallel_loop3A_1078 : i32 to index
        %parallel_loop3A_1084 = arith.constant 16 : index
        %parallel_loop3A_1085 = tpu.vector_load %arg10[%parallel_loop3A_1083, %parallel_loop3A_1084] {strides = array<i32>} : memref<128x64xf32, #tpu.memory_space<vmem>>, vector<16xf32>,
        tpu.vector_store_idx %arg15[%select_n3A_64, %select_n3A_180, %parallel_loop3A_1079], %parallel_loop3A_1085 : memref<8x8x137xf32, #tpu.memory_space<vmem>>[vector<16xi32>, vector<16xi32>, vector<16xi32>], vector<16xf32>,
        %parallel_loop3A_1086 = arith.index_cast %parallel_loop3A_1078 : i32 to index
        %parallel_loop3A_1087 = arith.constant 32 : index
        %parallel_loop3A_1088 = tpu.vector_load %arg10[%parallel_loop3A_1086, %parallel_loop3A_1087] {strides = array<i32>} : memref<128x64xf32, #tpu.memory_space<vmem>>, vector<16xf32>,
        tpu.vector_store_idx %arg15[%select_n3A_98, %select_n3A_205, %parallel_loop3A_1079], %parallel_loop3A_1088 : memref<8x8x137xf32, #tpu.memory_space<vmem>>[vector<16xi32>, vector<16xi32>, vector<16xi32>], vector<16xf32>,
        %parallel_loop3A_1089 = arith.index_cast %parallel_loop3A_1078 : i32 to index
        %parallel_loop3A_1090 = arith.constant 48 : index
        %parallel_loop3A_1091 = tpu.vector_load %arg10[%parallel_loop3A_1089, %parallel_loop3A_1090] {strides = array<i32>} : memref<128x64xf32, #tpu.memory_space<vmem>>, vector<16xf32>,
        tpu.vector_store_idx %arg15[%select_n3A_132, %select_n3A_230, %parallel_loop3A_1079], %parallel_loop3A_1091 : memref<8x8x137xf32, #tpu.memory_space<vmem>>[vector<16xi32>, vector<16xi32>, vector<16xi32>], vector<16xf32>,
      } {sc.loop_unroll_factor = 4 : i64, sc.parallel_access}
      %min3A_1007 = arith.constant 199 : i32
      %min3A_1008 = arith.minsi %add3A_990, %min3A_1007 : i32
      %add3A_1009 = arith.addi %mul3A_2, %min3A_1008 : i32
      %jit3A_1010 = arith.constant 128 : i32
      %div3A_1011 = arith.divsi %add3A_1009, %jit3A_1010 : i32
      %sign3A_1012 = arith.constant 0 : i32
      %sign3A_1013 = arith.cmpi sgt, %add3A_1009, %sign3A_1012 : i32
      %sign3A_1014 = arith.extui %sign3A_1013 : i1 to i32
      %sign3A_1015 = arith.constant 0 : i32
      %sign3A_1016 = arith.cmpi slt, %add3A_1009, %sign3A_1015 : i32
      %sign3A_1017 = arith.extui %sign3A_1016 : i1 to i32
      %sign3A_1018 = arith.subi %sign3A_1014, %sign3A_1017 : i32
      %sign3A_1019 = arith.constant 0 : i32
      %sign3A_1020 = arith.cmpi sgt, %jit3A_1010, %sign3A_1019 : i32
      %sign3A_1021 = arith.extui %sign3A_1020 : i1 to i32
      %sign3A_1022 = arith.constant 0 : i32
      %sign3A_1023 = arith.cmpi slt, %jit3A_1010, %sign3A_1022 : i32
      %sign3A_1024 = arith.extui %sign3A_1023 : i1 to i32
      %sign3A_1025 = arith.subi %sign3A_1021, %sign3A_1024 : i32
      %ne3A_1026 = arith.cmpi ne, %sign3A_1018, %sign3A_1025 : i32
      %rem3A_1027 = arith.remsi %add3A_1009, %jit3A_1010 : i32
      %ne3A_1028 = arith.constant 0 : i32
      %ne3A_1029 = arith.cmpi ne, %rem3A_1027, %ne3A_1028 : i32
      %and3A_1030 = arith.andi %ne3A_1026, %ne3A_1029 : i1
      %sub3A_1031 = arith.constant 1 : i32
      %sub3A_1032 = arith.subi %div3A_1011, %sub3A_1031 : i32
      %select_n3A_1033 = arith.select %and3A_1030, %sub3A_1032, %div3A_1011 : i32
      %jit3A_1034 = arith.constant 128 : i32
      %eq3A_1035 = arith.constant 0 : i32
      %eq3A_1036 = arith.cmpi eq, %jit3A_1034, %eq3A_1035 : i32
      %jit3A_1037 = arith.constant 1 : i32
      %select_n3A_1038 = arith.select %eq3A_1036, %jit3A_1037, %jit3A_1034 : i32
      %rem3A_1039 = arith.remsi %add3A_1009, %select_n3A_1038 : i32
      %ne3A_1040 = arith.constant 0 : i32
      %ne3A_1041 = arith.cmpi ne, %rem3A_1039, %ne3A_1040 : i32
      %lt3A_1042 = arith.constant 0 : i32
      %lt3A_1043 = arith.cmpi slt, %rem3A_1039, %lt3A_1042 : i32
      %lt3A_1044 = arith.constant 0 : i32
      %lt3A_1045 = arith.cmpi slt, %select_n3A_1038, %lt3A_1044 : i32
      %ne3A_1046 = arith.xori %lt3A_1043, %lt3A_1045 : i1
      %and3A_1047 = arith.andi %ne3A_1046, %ne3A_1041 : i1
      %add3A_1048 = arith.addi %rem3A_1039, %select_n3A_1038 : i32
      %select_n3A_1049 = arith.select %and3A_1047, %add3A_1048, %rem3A_1039 : i32
      %dma_start3A_1050 = arith.constant 0 : i32
      %dma_start3A_1051 = arith.constant 0 : i32
      %dma_start3A_1052 = arith.constant 0 : i32
      %dma_start3A_1053 = tpu.memref_slice %arg15[%dma_start3A_1050, %dma_start3A_1051, %dma_start3A_1052] : memref<8x8x137xf32, #tpu.memory_space<vmem>> -> memref<8x8x128xf32, #tpu.memory_space<vmem>>
      %dma_start3A_1054 = arith.constant 0 : i32
      %dma_start3A_1055 = arith.constant 0 : i32
      %dma_start3A_1056 = arith.constant 0 : i32
      %dma_start3A_1057 = tpu.memref_slice %arg4[%select_n3A_1033, %dma_start3A_1054, %select_n3A_1049, %dma_start3A_1055, %dma_start3A_1056] : memref<50x8x128x8x128xf32, #tpu.memory_space<hbm>> -> memref<1x8x1x8x128xf32, #tpu.memory_space<hbm>>
      %dma_start3A_1058 = tpu.memref_squeeze %dma_start3A_1057 : memref<1x8x1x8x128xf32, #tpu.memory_space<hbm>> -> memref<8x8x128xf32, #tpu.memory_space<hbm>>
      %dma_start3A_1059 = arith.constant 0 : i32
      %dma_start3A_1060 = arith.constant 0 : i32
      %dma_start3A_1061 = arith.constant 0 : i32
      %dma_start3A_1062 = tpu.memref_slice %arg4[%select_n3A_1033, %dma_start3A_1059, %select_n3A_1049, %dma_start3A_1060, %dma_start3A_1061] : memref<50x8x128x8x128xf32, #tpu.memory_space<hbm>> -> memref<1x8x1x8x128xf32, #tpu.memory_space<hbm>>
      %dma_start3A_1063 = tpu.memref_squeeze %dma_start3A_1062 : memref<1x8x1x8x128xf32, #tpu.memory_space<hbm>> -> memref<8x8x128xf32, #tpu.memory_space<hbm>>
      %dma_start3A_1064 = arith.constant 0 : i32
      %dma_start3A_1065 = arith.constant 0 : i32
      %dma_start3A_1066 = arith.constant 0 : i32
      %dma_start3A_1067 = tpu.memref_slice %arg15[%dma_start3A_1064, %dma_start3A_1065, %dma_start3A_1066] : memref<8x8x137xf32, #tpu.memory_space<vmem>> -> memref<8x8x128xf32, #tpu.memory_space<vmem>>
      tpu.enqueue_dma source(%dma_start3A_1067 : memref<8x8x128xf32, #tpu.memory_space<vmem>>) target(%dma_start3A_1063 : memref<8x8x128xf32, #tpu.memory_space<hbm>>) target_semaphore(%arg25 : memref<!tpu.dma_semaphore, #tpu.memory_space<semaphore_mem>>)
      %add3A_1068 = arith.constant 5 : i32
      %add3A_1069 = arith.addi %add3A_990, %add3A_1068 : i32
      %min3A_1070 = arith.constant 199 : i32
      %min3A_1071 = arith.minsi %add3A_1069, %min3A_1070 : i32
      %mul3A_1072 = arith.constant 128 : i32
      %mul3A_1073 = arith.muli %min3A_1071, %mul3A_1072 : i32
      %dma_start3A_1074 = tpu.memref_slice %arg5[%mul3A_1073] : memref<25600xi32, #tpu.memory_space<vmem>> -> memref<128xi32, #tpu.memory_space<vmem>>
      %dma_start3A_1075 = arith.constant 0 : i32
      %dma_start3A_1076 = arith.constant 0 : i32
      %dma_start3A_1077 = tpu.memref_slice %arg3[%dma_start3A_1075, %dma_start3A_1076] : memref<1000000x64xf32, #tpu.memory_space<hbm>> -> memref<1000000x64xf32, #tpu.memory_space<hbm>>
      tpu.enqueue_indirect_dma source(%dma_start3A_1077 : memref<1000000x64xf32, #tpu.memory_space<hbm>>) target(%arg10 : memref<128x64xf32, #tpu.memory_space<vmem>>) offsets(%dma_start3A_1074 : memref<128xi32, #tpu.memory_space<vmem>>) semaphore(%arg20 : memref<!tpu.dma_semaphore, #tpu.memory_space<semaphore_mem>>)
    }
    %scan3A_277 = arith.constant 40 : i32
    %min3A_278 = arith.constant 0 : i32
    %min3A_279 = arith.constant 199 : i32
    %min3A_280 = arith.minsi %min3A_278, %min3A_279 : i32
    %mul3A_281 = arith.constant 128 : i32
    %mul3A_282 = arith.muli %min3A_280, %mul3A_281 : i32
    %dma_wait3A = tpu.memref_slice %arg5[%mul3A_282] : memref<25600xi32, #tpu.memory_space<vmem>> -> memref<128xi32, #tpu.memory_space<vmem>>
    %dma_wait3A_283 = arith.constant 0 : i32
    %dma_wait3A_284 = arith.constant 0 : i32
    %dma_wait3A_285 = tpu.memref_slice %arg3[%dma_wait3A_283, %dma_wait3A_284] : memref<1000000x64xf32, #tpu.memory_space<hbm>> -> memref<1000000x64xf32, #tpu.memory_space<hbm>>
    tpu.wait_indirect_dma semaphore(%arg16 : memref<!tpu.dma_semaphore, #tpu.memory_space<semaphore_mem>>) src(%dma_wait3A_285 : memref<1000000x64xf32, #tpu.memory_space<hbm>>) dst(%arg6 : memref<128x64xf32, #tpu.memory_space<vmem>>)
    %min3A_286 = arith.constant 0 : i32
    %min3A_287 = arith.constant 199 : i32
    %min3A_288 = arith.minsi %min3A_286, %min3A_287 : i32
    %add3A_289 = arith.addi %mul3A_2, %min3A_288 : i32
    %jit3A_290 = arith.constant 128 : i32
    %div3A_291 = arith.divsi %add3A_289, %jit3A_290 : i32
    %sign3A_292 = arith.constant 0 : i32
    %sign3A_293 = arith.cmpi sgt, %add3A_289, %sign3A_292 : i32
    %sign3A_294 = arith.extui %sign3A_293 : i1 to i32
    %sign3A_295 = arith.constant 0 : i32
    %sign3A_296 = arith.cmpi slt, %add3A_289, %sign3A_295 : i32
    %sign3A_297 = arith.extui %sign3A_296 : i1 to i32
    %sign3A_298 = arith.subi %sign3A_294, %sign3A_297 : i32
    %sign3A_299 = arith.constant 0 : i32
    %sign3A_300 = arith.cmpi sgt, %jit3A_290, %sign3A_299 : i32
    %sign3A_301 = arith.extui %sign3A_300 : i1 to i32
    %sign3A_302 = arith.constant 0 : i32
    %sign3A_303 = arith.cmpi slt, %jit3A_290, %sign3A_302 : i32
    %sign3A_304 = arith.extui %sign3A_303 : i1 to i32
    %sign3A_305 = arith.subi %sign3A_301, %sign3A_304 : i32
    %ne3A_306 = arith.cmpi ne, %sign3A_298, %sign3A_305 : i32
    %rem3A_307 = arith.remsi %add3A_289, %jit3A_290 : i32
    %ne3A_308 = arith.constant 0 : i32
    %ne3A_309 = arith.cmpi ne, %rem3A_307, %ne3A_308 : i32
    %and3A_310 = arith.andi %ne3A_306, %ne3A_309 : i1
    %sub3A_311 = arith.constant 1 : i32
    %sub3A_312 = arith.subi %div3A_291, %sub3A_311 : i32
    %select_n3A_313 = arith.select %and3A_310, %sub3A_312, %div3A_291 : i32
    %jit3A_314 = arith.constant 128 : i32
    %eq3A_315 = arith.constant 0 : i32
    %eq3A_316 = arith.cmpi eq, %jit3A_314, %eq3A_315 : i32
    %jit3A_317 = arith.constant 1 : i32
    %select_n3A_318 = arith.select %eq3A_316, %jit3A_317, %jit3A_314 : i32
    %rem3A_319 = arith.remsi %add3A_289, %select_n3A_318 : i32
    %ne3A_320 = arith.constant 0 : i32
    %ne3A_321 = arith.cmpi ne, %rem3A_319, %ne3A_320 : i32
    %lt3A_322 = arith.constant 0 : i32
    %lt3A_323 = arith.cmpi slt, %rem3A_319, %lt3A_322 : i32
    %lt3A_324 = arith.constant 0 : i32
    %lt3A_325 = arith.cmpi slt, %select_n3A_318, %lt3A_324 : i32
    %ne3A_326 = arith.xori %lt3A_323, %lt3A_325 : i1
    %and3A_327 = arith.andi %ne3A_326, %ne3A_321 : i1
    %add3A_328 = arith.addi %rem3A_319, %select_n3A_318 : i32
    %select_n3A_329 = arith.select %and3A_327, %add3A_328, %rem3A_319 : i32
    %dma_wait3A_330 = arith.constant 0 : i32
    %dma_wait3A_331 = arith.constant 0 : i32
    %dma_wait3A_332 = arith.constant 0 : i32
    %dma_wait3A_333 = tpu.memref_slice %arg11[%dma_wait3A_330, %dma_wait3A_331, %dma_wait3A_332] : memref<8x8x137xf32, #tpu.memory_space<vmem>> -> memref<8x8x128xf32, #tpu.memory_space<vmem>>
    %dma_wait3A_334 = arith.constant 0 : i32
    %dma_wait3A_335 = arith.constant 0 : i32
    %dma_wait3A_336 = arith.constant 0 : i32
    %dma_wait3A_337 = tpu.memref_slice %arg4[%select_n3A_313, %dma_wait3A_334, %select_n3A_329, %dma_wait3A_335, %dma_wait3A_336] : memref<50x8x128x8x128xf32, #tpu.memory_space<hbm>> -> memref<1x8x1x8x128xf32, #tpu.memory_space<hbm>>
    %dma_wait3A_338 = tpu.memref_squeeze %dma_wait3A_337 : memref<1x8x1x8x128xf32, #tpu.memory_space<hbm>> -> memref<8x8x128xf32, #tpu.memory_space<hbm>>
    %dma_wait3A_339 = arith.constant 0 : i32
    %dma_wait3A_340 = arith.constant 0 : i32
    %dma_wait3A_341 = arith.constant 0 : i32
    %dma_wait3A_342 = tpu.memref_slice %arg4[%select_n3A_313, %dma_wait3A_339, %select_n3A_329, %dma_wait3A_340, %dma_wait3A_341] : memref<50x8x128x8x128xf32, #tpu.memory_space<hbm>> -> memref<1x8x1x8x128xf32, #tpu.memory_space<hbm>>
    %dma_wait3A_343 = tpu.memref_squeeze %dma_wait3A_342 : memref<1x8x1x8x128xf32, #tpu.memory_space<hbm>> -> memref<8x8x128xf32, #tpu.memory_space<hbm>>
    %dma_wait3A_344 = arith.constant 0 : i32
    %dma_wait3A_345 = arith.constant 0 : i32
    %dma_wait3A_346 = arith.constant 0 : i32
    %dma_wait3A_347 = tpu.memref_slice %arg11[%dma_wait3A_344, %dma_wait3A_345, %dma_wait3A_346] : memref<8x8x137xf32, #tpu.memory_space<vmem>> -> memref<8x8x128xf32, #tpu.memory_space<vmem>>
    tpu.wait_dma2 semaphore(%arg21 : memref<!tpu.dma_semaphore, #tpu.memory_space<semaphore_mem>>) src(%dma_wait3A_347 : memref<8x8x128xf32, #tpu.memory_space<vmem>>) dst(%dma_wait3A_343 : memref<8x8x128xf32, #tpu.memory_space<hbm>>)
    %min3A_348 = arith.constant 0 : i32
    %min3A_349 = arith.constant 199 : i32
    %min3A_350 = arith.minsi %min3A_348, %min3A_349 : i32
    %mul3A_351 = arith.constant 128 : i32
    %mul3A_352 = arith.muli %min3A_350, %mul3A_351 : i32
    %dma_wait3A_353 = tpu.memref_slice %arg5[%mul3A_352] : memref<25600xi32, #tpu.memory_space<vmem>> -> memref<128xi32, #tpu.memory_space<vmem>>
    %dma_wait3A_354 = arith.constant 0 : i32
    %dma_wait3A_355 = arith.constant 0 : i32
    %dma_wait3A_356 = tpu.memref_slice %arg3[%dma_wait3A_354, %dma_wait3A_355] : memref<1000000x64xf32, #tpu.memory_space<hbm>> -> memref<1000000x64xf32, #tpu.memory_space<hbm>>
    tpu.wait_indirect_dma semaphore(%arg17 : memref<!tpu.dma_semaphore, #tpu.memory_space<semaphore_mem>>) src(%dma_wait3A_356 : memref<1000000x64xf32, #tpu.memory_space<hbm>>) dst(%arg7 : memref<128x64xf32, #tpu.memory_space<vmem>>)
    %min3A_357 = arith.constant 0 : i32
    %min3A_358 = arith.constant 199 : i32
    %min3A_359 = arith.minsi %min3A_357, %min3A_358 : i32
    %add3A_360 = arith.addi %mul3A_2, %min3A_359 : i32
    %jit3A_361 = arith.constant 128 : i32
    %div3A_362 = arith.divsi %add3A_360, %jit3A_361 : i32
    %sign3A_363 = arith.constant 0 : i32
    %sign3A_364 = arith.cmpi sgt, %add3A_360, %sign3A_363 : i32
    %sign3A_365 = arith.extui %sign3A_364 : i1 to i32
    %sign3A_366 = arith.constant 0 : i32
    %sign3A_367 = arith.cmpi slt, %add3A_360, %sign3A_366 : i32
    %sign3A_368 = arith.extui %sign3A_367 : i1 to i32
    %sign3A_369 = arith.subi %sign3A_365, %sign3A_368 : i32
    %sign3A_370 = arith.constant 0 : i32
    %sign3A_371 = arith.cmpi sgt, %jit3A_361, %sign3A_370 : i32
    %sign3A_372 = arith.extui %sign3A_371 : i1 to i32
    %sign3A_373 = arith.constant 0 : i32
    %sign3A_374 = arith.cmpi slt, %jit3A_361, %sign3A_373 : i32
    %sign3A_375 = arith.extui %sign3A_374 : i1 to i32
    %sign3A_376 = arith.subi %sign3A_372, %sign3A_375 : i32
    %ne3A_377 = arith.cmpi ne, %sign3A_369, %sign3A_376 : i32
    %rem3A_378 = arith.remsi %add3A_360, %jit3A_361 : i32
    %ne3A_379 = arith.constant 0 : i32
    %ne3A_380 = arith.cmpi ne, %rem3A_378, %ne3A_379 : i32
    %and3A_381 = arith.andi %ne3A_377, %ne3A_380 : i1
    %sub3A_382 = arith.constant 1 : i32
    %sub3A_383 = arith.subi %div3A_362, %sub3A_382 : i32
    %select_n3A_384 = arith.select %and3A_381, %sub3A_383, %div3A_362 : i32
    %jit3A_385 = arith.constant 128 : i32
    %eq3A_386 = arith.constant 0 : i32
    %eq3A_387 = arith.cmpi eq, %jit3A_385, %eq3A_386 : i32
    %jit3A_388 = arith.constant 1 : i32
    %select_n3A_389 = arith.select %eq3A_387, %jit3A_388, %jit3A_385 : i32
    %rem3A_390 = arith.remsi %add3A_360, %select_n3A_389 : i32
    %ne3A_391 = arith.constant 0 : i32
    %ne3A_392 = arith.cmpi ne, %rem3A_390, %ne3A_391 : i32
    %lt3A_393 = arith.constant 0 : i32
    %lt3A_394 = arith.cmpi slt, %rem3A_390, %lt3A_393 : i32
    %lt3A_395 = arith.constant 0 : i32
    %lt3A_396 = arith.cmpi slt, %select_n3A_389, %lt3A_395 : i32
    %ne3A_397 = arith.xori %lt3A_394, %lt3A_396 : i1
    %and3A_398 = arith.andi %ne3A_397, %ne3A_392 : i1
    %add3A_399 = arith.addi %rem3A_390, %select_n3A_389 : i32
    %select_n3A_400 = arith.select %and3A_398, %add3A_399, %rem3A_390 : i32
    %dma_wait3A_401 = arith.constant 0 : i32
    %dma_wait3A_402 = arith.constant 0 : i32
    %dma_wait3A_403 = arith.constant 0 : i32
    %dma_wait3A_404 = tpu.memref_slice %arg12[%dma_wait3A_401, %dma_wait3A_402, %dma_wait3A_403] : memref<8x8x137xf32, #tpu.memory_space<vmem>> -> memref<8x8x128xf32, #tpu.memory_space<vmem>>
    %dma_wait3A_405 = arith.constant 0 : i32
    %dma_wait3A_406 = arith.constant 0 : i32
    %dma_wait3A_407 = arith.constant 0 : i32
    %dma_wait3A_408 = tpu.memref_slice %arg4[%select_n3A_384, %dma_wait3A_405, %select_n3A_400, %dma_wait3A_406, %dma_wait3A_407] : memref<50x8x128x8x128xf32, #tpu.memory_space<hbm>> -> memref<1x8x1x8x128xf32, #tpu.memory_space<hbm>>
    %dma_wait3A_409 = tpu.memref_squeeze %dma_wait3A_408 : memref<1x8x1x8x128xf32, #tpu.memory_space<hbm>> -> memref<8x8x128xf32, #tpu.memory_space<hbm>>
    %dma_wait3A_410 = arith.constant 0 : i32
    %dma_wait3A_411 = arith.constant 0 : i32
    %dma_wait3A_412 = arith.constant 0 : i32
    %dma_wait3A_413 = tpu.memref_slice %arg4[%select_n3A_384, %dma_wait3A_410, %select_n3A_400, %dma_wait3A_411, %dma_wait3A_412] : memref<50x8x128x8x128xf32, #tpu.memory_space<hbm>> -> memref<1x8x1x8x128xf32, #tpu.memory_space<hbm>>
    %dma_wait3A_414 = tpu.memref_squeeze %dma_wait3A_413 : memref<1x8x1x8x128xf32, #tpu.memory_space<hbm>> -> memref<8x8x128xf32, #tpu.memory_space<hbm>>
    %dma_wait3A_415 = arith.constant 0 : i32
    %dma_wait3A_416 = arith.constant 0 : i32
    %dma_wait3A_417 = arith.constant 0 : i32
    %dma_wait3A_418 = tpu.memref_slice %arg12[%dma_wait3A_415, %dma_wait3A_416, %dma_wait3A_417] : memref<8x8x137xf32, #tpu.memory_space<vmem>> -> memref<8x8x128xf32, #tpu.memory_space<vmem>>
    tpu.wait_dma2 semaphore(%arg22 : memref<!tpu.dma_semaphore, #tpu.memory_space<semaphore_mem>>) src(%dma_wait3A_418 : memref<8x8x128xf32, #tpu.memory_space<vmem>>) dst(%dma_wait3A_414 : memref<8x8x128xf32, #tpu.memory_space<hbm>>)
    %min3A_419 = arith.constant 0 : i32
    %min3A_420 = arith.constant 199 : i32
    %min3A_421 = arith.minsi %min3A_419, %min3A_420 : i32
    %mul3A_422 = arith.constant 128 : i32
    %mul3A_423 = arith.muli %min3A_421, %mul3A_422 : i32
    %dma_wait3A_424 = tpu.memref_slice %arg5[%mul3A_423] : memref<25600xi32, #tpu.memory_space<vmem>> -> memref<128xi32, #tpu.memory_space<vmem>>
    %dma_wait3A_425 = arith.constant 0 : i32
    %dma_wait3A_426 = arith.constant 0 : i32
    %dma_wait3A_427 = tpu.memref_slice %arg3[%dma_wait3A_425, %dma_wait3A_426] : memref<1000000x64xf32, #tpu.memory_space<hbm>> -> memref<1000000x64xf32, #tpu.memory_space<hbm>>
    tpu.wait_indirect_dma semaphore(%arg18 : memref<!tpu.dma_semaphore, #tpu.memory_space<semaphore_mem>>) src(%dma_wait3A_427 : memref<1000000x64xf32, #tpu.memory_space<hbm>>) dst(%arg8 : memref<128x64xf32, #tpu.memory_space<vmem>>)
    %min3A_428 = arith.constant 0 : i32
    %min3A_429 = arith.constant 199 : i32
    %min3A_430 = arith.minsi %min3A_428, %min3A_429 : i32
    %add3A_431 = arith.addi %mul3A_2, %min3A_430 : i32
    %jit3A_432 = arith.constant 128 : i32
    %div3A_433 = arith.divsi %add3A_431, %jit3A_432 : i32
    %sign3A_434 = arith.constant 0 : i32
    %sign3A_435 = arith.cmpi sgt, %add3A_431, %sign3A_434 : i32
    %sign3A_436 = arith.extui %sign3A_435 : i1 to i32
    %sign3A_437 = arith.constant 0 : i32
    %sign3A_438 = arith.cmpi slt, %add3A_431, %sign3A_437 : i32
    %sign3A_439 = arith.extui %sign3A_438 : i1 to i32
    %sign3A_440 = arith.subi %sign3A_436, %sign3A_439 : i32
    %sign3A_441 = arith.constant 0 : i32
    %sign3A_442 = arith.cmpi sgt, %jit3A_432, %sign3A_441 : i32
    %sign3A_443 = arith.extui %sign3A_442 : i1 to i32
    %sign3A_444 = arith.constant 0 : i32
    %sign3A_445 = arith.cmpi slt, %jit3A_432, %sign3A_444 : i32
    %sign3A_446 = arith.extui %sign3A_445 : i1 to i32
    %sign3A_447 = arith.subi %sign3A_443, %sign3A_446 : i32
    %ne3A_448 = arith.cmpi ne, %sign3A_440, %sign3A_447 : i32
    %rem3A_449 = arith.remsi %add3A_431, %jit3A_432 : i32
    %ne3A_450 = arith.constant 0 : i32
    %ne3A_451 = arith.cmpi ne, %rem3A_449, %ne3A_450 : i32
    %and3A_452 = arith.andi %ne3A_448, %ne3A_451 : i1
    %sub3A_453 = arith.constant 1 : i32
    %sub3A_454 = arith.subi %div3A_433, %sub3A_453 : i32
    %select_n3A_455 = arith.select %and3A_452, %sub3A_454, %div3A_433 : i32
    %jit3A_456 = arith.constant 128 : i32
    %eq3A_457 = arith.constant 0 : i32
    %eq3A_458 = arith.cmpi eq, %jit3A_456, %eq3A_457 : i32
    %jit3A_459 = arith.constant 1 : i32
    %select_n3A_460 = arith.select %eq3A_458, %jit3A_459, %jit3A_456 : i32
    %rem3A_461 = arith.remsi %add3A_431, %select_n3A_460 : i32
    %ne3A_462 = arith.constant 0 : i32
    %ne3A_463 = arith.cmpi ne, %rem3A_461, %ne3A_462 : i32
    %lt3A_464 = arith.constant 0 : i32
    %lt3A_465 = arith.cmpi slt, %rem3A_461, %lt3A_464 : i32
    %lt3A_466 = arith.constant 0 : i32
    %lt3A_467 = arith.cmpi slt, %select_n3A_460, %lt3A_466 : i32
    %ne3A_468 = arith.xori %lt3A_465, %lt3A_467 : i1
    %and3A_469 = arith.andi %ne3A_468, %ne3A_463 : i1
    %add3A_470 = arith.addi %rem3A_461, %select_n3A_460 : i32
    %select_n3A_471 = arith.select %and3A_469, %add3A_470, %rem3A_461 : i32
    %dma_wait3A_472 = arith.constant 0 : i32
    %dma_wait3A_473 = arith.constant 0 : i32
    %dma_wait3A_474 = arith.constant 0 : i32
    %dma_wait3A_475 = tpu.memref_slice %arg13[%dma_wait3A_472, %dma_wait3A_473, %dma_wait3A_474] : memref<8x8x137xf32, #tpu.memory_space<vmem>> -> memref<8x8x128xf32, #tpu.memory_space<vmem>>
    %dma_wait3A_476 = arith.constant 0 : i32
    %dma_wait3A_477 = arith.constant 0 : i32
    %dma_wait3A_478 = arith.constant 0 : i32
    %dma_wait3A_479 = tpu.memref_slice %arg4[%select_n3A_455, %dma_wait3A_476, %select_n3A_471, %dma_wait3A_477, %dma_wait3A_478] : memref<50x8x128x8x128xf32, #tpu.memory_space<hbm>> -> memref<1x8x1x8x128xf32, #tpu.memory_space<hbm>>
    %dma_wait3A_480 = tpu.memref_squeeze %dma_wait3A_479 : memref<1x8x1x8x128xf32, #tpu.memory_space<hbm>> -> memref<8x8x128xf32, #tpu.memory_space<hbm>>
    %dma_wait3A_481 = arith.constant 0 : i32
    %dma_wait3A_482 = arith.constant 0 : i32
    %dma_wait3A_483 = arith.constant 0 : i32
    %dma_wait3A_484 = tpu.memref_slice %arg4[%select_n3A_455, %dma_wait3A_481, %select_n3A_471, %dma_wait3A_482, %dma_wait3A_483] : memref<50x8x128x8x128xf32, #tpu.memory_space<hbm>> -> memref<1x8x1x8x128xf32, #tpu.memory_space<hbm>>
    %dma_wait3A_485 = tpu.memref_squeeze %dma_wait3A_484 : memref<1x8x1x8x128xf32, #tpu.memory_space<hbm>> -> memref<8x8x128xf32, #tpu.memory_space<hbm>>
    %dma_wait3A_486 = arith.constant 0 : i32
    %dma_wait3A_487 = arith.constant 0 : i32
    %dma_wait3A_488 = arith.constant 0 : i32
    %dma_wait3A_489 = tpu.memref_slice %arg13[%dma_wait3A_486, %dma_wait3A_487, %dma_wait3A_488] : memref<8x8x137xf32, #tpu.memory_space<vmem>> -> memref<8x8x128xf32, #tpu.memory_space<vmem>>
    tpu.wait_dma2 semaphore(%arg23 : memref<!tpu.dma_semaphore, #tpu.memory_space<semaphore_mem>>) src(%dma_wait3A_489 : memref<8x8x128xf32, #tpu.memory_space<vmem>>) dst(%dma_wait3A_485 : memref<8x8x128xf32, #tpu.memory_space<hbm>>)
    %min3A_490 = arith.constant 0 : i32
    %min3A_491 = arith.constant 199 : i32
    %min3A_492 = arith.minsi %min3A_490, %min3A_491 : i32
    %mul3A_493 = arith.constant 128 : i32
    %mul3A_494 = arith.muli %min3A_492, %mul3A_493 : i32
    %dma_wait3A_495 = tpu.memref_slice %arg5[%mul3A_494] : memref<25600xi32, #tpu.memory_space<vmem>> -> memref<128xi32, #tpu.memory_space<vmem>>
    %dma_wait3A_496 = arith.constant 0 : i32
    %dma_wait3A_497 = arith.constant 0 : i32
    %dma_wait3A_498 = tpu.memref_slice %arg3[%dma_wait3A_496, %dma_wait3A_497] : memref<1000000x64xf32, #tpu.memory_space<hbm>> -> memref<1000000x64xf32, #tpu.memory_space<hbm>>
    tpu.wait_indirect_dma semaphore(%arg19 : memref<!tpu.dma_semaphore, #tpu.memory_space<semaphore_mem>>) src(%dma_wait3A_498 : memref<1000000x64xf32, #tpu.memory_space<hbm>>) dst(%arg9 : memref<128x64xf32, #tpu.memory_space<vmem>>)
    %min3A_499 = arith.constant 0 : i32
    %min3A_500 = arith.constant 199 : i32
    %min3A_501 = arith.minsi %min3A_499, %min3A_500 : i32
    %add3A_502 = arith.addi %mul3A_2, %min3A_501 : i32
    %jit3A_503 = arith.constant 128 : i32
    %div3A_504 = arith.divsi %add3A_502, %jit3A_503 : i32
    %sign3A_505 = arith.constant 0 : i32
    %sign3A_506 = arith.cmpi sgt, %add3A_502, %sign3A_505 : i32
    %sign3A_507 = arith.extui %sign3A_506 : i1 to i32
    %sign3A_508 = arith.constant 0 : i32
    %sign3A_509 = arith.cmpi slt, %add3A_502, %sign3A_508 : i32
    %sign3A_510 = arith.extui %sign3A_509 : i1 to i32
    %sign3A_511 = arith.subi %sign3A_507, %sign3A_510 : i32
    %sign3A_512 = arith.constant 0 : i32
    %sign3A_513 = arith.cmpi sgt, %jit3A_503, %sign3A_512 : i32
    %sign3A_514 = arith.extui %sign3A_513 : i1 to i32
    %sign3A_515 = arith.constant 0 : i32
    %sign3A_516 = arith.cmpi slt, %jit3A_503, %sign3A_515 : i32
    %sign3A_517 = arith.extui %sign3A_516 : i1 to i32
    %sign3A_518 = arith.subi %sign3A_514, %sign3A_517 : i32
    %ne3A_519 = arith.cmpi ne, %sign3A_511, %sign3A_518 : i32
    %rem3A_520 = arith.remsi %add3A_502, %jit3A_503 : i32
    %ne3A_521 = arith.constant 0 : i32
    %ne3A_522 = arith.cmpi ne, %rem3A_520, %ne3A_521 : i32
    %and3A_523 = arith.andi %ne3A_519, %ne3A_522 : i1
    %sub3A_524 = arith.constant 1 : i32
    %sub3A_525 = arith.subi %div3A_504, %sub3A_524 : i32
    %select_n3A_526 = arith.select %and3A_523, %sub3A_525, %div3A_504 : i32
    %jit3A_527 = arith.constant 128 : i32
    %eq3A_528 = arith.constant 0 : i32
    %eq3A_529 = arith.cmpi eq, %jit3A_527, %eq3A_528 : i32
    %jit3A_530 = arith.constant 1 : i32
    %select_n3A_531 = arith.select %eq3A_529, %jit3A_530, %jit3A_527 : i32
    %rem3A_532 = arith.remsi %add3A_502, %select_n3A_531 : i32
    %ne3A_533 = arith.constant 0 : i32
    %ne3A_534 = arith.cmpi ne, %rem3A_532, %ne3A_533 : i32
    %lt3A_535 = arith.constant 0 : i32
    %lt3A_536 = arith.cmpi slt, %rem3A_532, %lt3A_535 : i32
    %lt3A_537 = arith.constant 0 : i32
    %lt3A_538 = arith.cmpi slt, %select_n3A_531, %lt3A_537 : i32
    %ne3A_539 = arith.xori %lt3A_536, %lt3A_538 : i1
    %and3A_540 = arith.andi %ne3A_539, %ne3A_534 : i1
    %add3A_541 = arith.addi %rem3A_532, %select_n3A_531 : i32
    %select_n3A_542 = arith.select %and3A_540, %add3A_541, %rem3A_532 : i32
    %dma_wait3A_543 = arith.constant 0 : i32
    %dma_wait3A_544 = arith.constant 0 : i32
    %dma_wait3A_545 = arith.constant 0 : i32
    %dma_wait3A_546 = tpu.memref_slice %arg14[%dma_wait3A_543, %dma_wait3A_544, %dma_wait3A_545] : memref<8x8x137xf32, #tpu.memory_space<vmem>> -> memref<8x8x128xf32, #tpu.memory_space<vmem>>
    %dma_wait3A_547 = arith.constant 0 : i32
    %dma_wait3A_548 = arith.constant 0 : i32
    %dma_wait3A_549 = arith.constant 0 : i32
    %dma_wait3A_550 = tpu.memref_slice %arg4[%select_n3A_526, %dma_wait3A_547, %select_n3A_542, %dma_wait3A_548, %dma_wait3A_549] : memref<50x8x128x8x128xf32, #tpu.memory_space<hbm>> -> memref<1x8x1x8x128xf32, #tpu.memory_space<hbm>>
    %dma_wait3A_551 = tpu.memref_squeeze %dma_wait3A_550 : memref<1x8x1x8x128xf32, #tpu.memory_space<hbm>> -> memref<8x8x128xf32, #tpu.memory_space<hbm>>
    %dma_wait3A_552 = arith.constant 0 : i32
    %dma_wait3A_553 = arith.constant 0 : i32
    %dma_wait3A_554 = arith.constant 0 : i32
    %dma_wait3A_555 = tpu.memref_slice %arg4[%select_n3A_526, %dma_wait3A_552, %select_n3A_542, %dma_wait3A_553, %dma_wait3A_554] : memref<50x8x128x8x128xf32, #tpu.memory_space<hbm>> -> memref<1x8x1x8x128xf32, #tpu.memory_space<hbm>>
    %dma_wait3A_556 = tpu.memref_squeeze %dma_wait3A_555 : memref<1x8x1x8x128xf32, #tpu.memory_space<hbm>> -> memref<8x8x128xf32, #tpu.memory_space<hbm>>
    %dma_wait3A_557 = arith.constant 0 : i32
    %dma_wait3A_558 = arith.constant 0 : i32
    %dma_wait3A_559 = arith.constant 0 : i32
    %dma_wait3A_560 = tpu.memref_slice %arg14[%dma_wait3A_557, %dma_wait3A_558, %dma_wait3A_559] : memref<8x8x137xf32, #tpu.memory_space<vmem>> -> memref<8x8x128xf32, #tpu.memory_space<vmem>>
    tpu.wait_dma2 semaphore(%arg24 : memref<!tpu.dma_semaphore, #tpu.memory_space<semaphore_mem>>) src(%dma_wait3A_560 : memref<8x8x128xf32, #tpu.memory_space<vmem>>) dst(%dma_wait3A_556 : memref<8x8x128xf32, #tpu.memory_space<hbm>>)
    %min3A_561 = arith.constant 0 : i32
    %min3A_562 = arith.constant 199 : i32
    %min3A_563 = arith.minsi %min3A_561, %min3A_562 : i32
    %mul3A_564 = arith.constant 128 : i32
    %mul3A_565 = arith.muli %min3A_563, %mul3A_564 : i32
    %dma_wait3A_566 = tpu.memref_slice %arg5[%mul3A_565] : memref<25600xi32, #tpu.memory_space<vmem>> -> memref<128xi32, #tpu.memory_space<vmem>>
    %dma_wait3A_567 = arith.constant 0 : i32
    %dma_wait3A_568 = arith.constant 0 : i32
    %dma_wait3A_569 = tpu.memref_slice %arg3[%dma_wait3A_567, %dma_wait3A_568] : memref<1000000x64xf32, #tpu.memory_space<hbm>> -> memref<1000000x64xf32, #tpu.memory_space<hbm>>
    tpu.wait_indirect_dma semaphore(%arg20 : memref<!tpu.dma_semaphore, #tpu.memory_space<semaphore_mem>>) src(%dma_wait3A_569 : memref<1000000x64xf32, #tpu.memory_space<hbm>>) dst(%arg10 : memref<128x64xf32, #tpu.memory_space<vmem>>)
    %min3A_570 = arith.constant 0 : i32
    %min3A_571 = arith.constant 199 : i32
    %min3A_572 = arith.minsi %min3A_570, %min3A_571 : i32
    %add3A_573 = arith.addi %mul3A_2, %min3A_572 : i32
    %jit3A_574 = arith.constant 128 : i32
    %div3A_575 = arith.divsi %add3A_573, %jit3A_574 : i32
    %sign3A_576 = arith.constant 0 : i32
    %sign3A_577 = arith.cmpi sgt, %add3A_573, %sign3A_576 : i32
    %sign3A_578 = arith.extui %sign3A_577 : i1 to i32
    %sign3A_579 = arith.constant 0 : i32
    %sign3A_580 = arith.cmpi slt, %add3A_573, %sign3A_579 : i32
    %sign3A_581 = arith.extui %sign3A_580 : i1 to i32
    %sign3A_582 = arith.subi %sign3A_578, %sign3A_581 : i32
    %sign3A_583 = arith.constant 0 : i32
    %sign3A_584 = arith.cmpi sgt, %jit3A_574, %sign3A_583 : i32
    %sign3A_585 = arith.extui %sign3A_584 : i1 to i32
    %sign3A_586 = arith.constant 0 : i32
    %sign3A_587 = arith.cmpi slt, %jit3A_574, %sign3A_586 : i32
    %sign3A_588 = arith.extui %sign3A_587 : i1 to i32
    %sign3A_589 = arith.subi %sign3A_585, %sign3A_588 : i32
    %ne3A_590 = arith.cmpi ne, %sign3A_582, %sign3A_589 : i32
    %rem3A_591 = arith.remsi %add3A_573, %jit3A_574 : i32
    %ne3A_592 = arith.constant 0 : i32
    %ne3A_593 = arith.cmpi ne, %rem3A_591, %ne3A_592 : i32
    %and3A_594 = arith.andi %ne3A_590, %ne3A_593 : i1
    %sub3A_595 = arith.constant 1 : i32
    %sub3A_596 = arith.subi %div3A_575, %sub3A_595 : i32
    %select_n3A_597 = arith.select %and3A_594, %sub3A_596, %div3A_575 : i32
    %jit3A_598 = arith.constant 128 : i32
    %eq3A_599 = arith.constant 0 : i32
    %eq3A_600 = arith.cmpi eq, %jit3A_598, %eq3A_599 : i32
    %jit3A_601 = arith.constant 1 : i32
    %select_n3A_602 = arith.select %eq3A_600, %jit3A_601, %jit3A_598 : i32
    %rem3A_603 = arith.remsi %add3A_573, %select_n3A_602 : i32
    %ne3A_604 = arith.constant 0 : i32
    %ne3A_605 = arith.cmpi ne, %rem3A_603, %ne3A_604 : i32
    %lt3A_606 = arith.constant 0 : i32
    %lt3A_607 = arith.cmpi slt, %rem3A_603, %lt3A_606 : i32
    %lt3A_608 = arith.constant 0 : i32
    %lt3A_609 = arith.cmpi slt, %select_n3A_602, %lt3A_608 : i32
    %ne3A_610 = arith.xori %lt3A_607, %lt3A_609 : i1
    %and3A_611 = arith.andi %ne3A_610, %ne3A_605 : i1
    %add3A_612 = arith.addi %rem3A_603, %select_n3A_602 : i32
    %select_n3A_613 = arith.select %and3A_611, %add3A_612, %rem3A_603 : i32
    %dma_wait3A_614 = arith.constant 0 : i32
    %dma_wait3A_615 = arith.constant 0 : i32
    %dma_wait3A_616 = arith.constant 0 : i32
    %dma_wait3A_617 = tpu.memref_slice %arg15[%dma_wait3A_614, %dma_wait3A_615, %dma_wait3A_616] : memref<8x8x137xf32, #tpu.memory_space<vmem>> -> memref<8x8x128xf32, #tpu.memory_space<vmem>>
    %dma_wait3A_618 = arith.constant 0 : i32
    %dma_wait3A_619 = arith.constant 0 : i32
    %dma_wait3A_620 = arith.constant 0 : i32
    %dma_wait3A_621 = tpu.memref_slice %arg4[%select_n3A_597, %dma_wait3A_618, %select_n3A_613, %dma_wait3A_619, %dma_wait3A_620] : memref<50x8x128x8x128xf32, #tpu.memory_space<hbm>> -> memref<1x8x1x8x128xf32, #tpu.memory_space<hbm>>
    %dma_wait3A_622 = tpu.memref_squeeze %dma_wait3A_621 : memref<1x8x1x8x128xf32, #tpu.memory_space<hbm>> -> memref<8x8x128xf32, #tpu.memory_space<hbm>>
    %dma_wait3A_623 = arith.constant 0 : i32
    %dma_wait3A_624 = arith.constant 0 : i32
    %dma_wait3A_625 = arith.constant 0 : i32
    %dma_wait3A_626 = tpu.memref_slice %arg4[%select_n3A_597, %dma_wait3A_623, %select_n3A_613, %dma_wait3A_624, %dma_wait3A_625] : memref<50x8x128x8x128xf32, #tpu.memory_space<hbm>> -> memref<1x8x1x8x128xf32, #tpu.memory_space<hbm>>
    %dma_wait3A_627 = tpu.memref_squeeze %dma_wait3A_626 : memref<1x8x1x8x128xf32, #tpu.memory_space<hbm>> -> memref<8x8x128xf32, #tpu.memory_space<hbm>>
    %dma_wait3A_628 = arith.constant 0 : i32
    %dma_wait3A_629 = arith.constant 0 : i32
    %dma_wait3A_630 = arith.constant 0 : i32
    %dma_wait3A_631 = tpu.memref_slice %arg15[%dma_wait3A_628, %dma_wait3A_629, %dma_wait3A_630] : memref<8x8x137xf32, #tpu.memory_space<vmem>> -> memref<8x8x128xf32, #tpu.memory_space<vmem>>
    tpu.wait_dma2 semaphore(%arg25 : memref<!tpu.dma_semaphore, #tpu.memory_space<semaphore_mem>>) src(%dma_wait3A_631 : memref<8x8x128xf32, #tpu.memory_space<vmem>>) dst(%dma_wait3A_627 : memref<8x8x128xf32, #tpu.memory_space<hbm>>)
    return
  }
}

</mosaic_0001>

<sc_bundles>
// kernel: kernel.3.cloned.1.call-start
scs
__scs_entry_jumppad:
0x0: {  	(pc) =	sbr.rel $0x88, $3  }
0x1: {  	(tag) =	ssettag $0x0;
	lr =	simm.s32 $0x1  }
0x2: {  	[smem:$0x3F9F] =	sst lr;
	_ =	strace $0xD0000000  }
0x3: {  	_ = 	snop  }
0x4: {  	_ = 	snop  }
0x5: {  	_ = 	snop  }
0x6: {  	_ = 	snop  }
0x7: {  	_ = 	snop  }
__scs_overlays_trampoline_lowered:
0x8: {  	[smem:$0x3FAE] =	sst s0  }
0x9: {  	[smem:$0x3FAF] =	sst s1  }
0xa: {  	[smem:$0x3FB0] =	sst s2  }
0xb: {  	[smem:$0x3FB1] =	sst s3  }
0xc: {  	[smem:$0x3FB2] =	sst s4  }
0xd: {  	[smem:$0x3FB3] =	sst s5  }
0xe: {  	[smem:$0x3FB4] =	sst s6  }
0xf: {  	[smem:$0x3FB5] =	sst s7  }
0x10: {  	[smem:$0x3FB6] =	sst s8  }
0x11: {  	[smem:$0x3FB7] =	sst s9;
	s0 =	simm.s32 @!p0 $0x0  }
0x12: {  	s1 =	sld [smem:$0x3F9D];
	s0 =	simm.s32 @p0 $0x1  }
0x13: {  	[smem:$0x3FB8] =	sst s0;
	s0 =	simm.s32 @!p1 $0x0  }
0x14: {  	s2 =	sld [smem:$0x3F9C];
	s0 =	simm.s32 @p1 $0x1  }
0x15: {  	[smem:$0x3FB9] =	sst s0;
	s0 =	simm.s32 @!p2 $0x0  }
0x16: {  	s3 =	sld [smem:$0x3FDB];
	s0 =	simm.s32 @p2 $0x1  }
0x17: {  	s4 =	simm.s32 $0x1BF5;
	[smem:$0x3FBB] =	sst s0  }
0x18: {  	s0 =	sld [smem:$0x3F9E];
	_ =	swait.ge [sflag:s4], $0x0  }
0x19: {  	s7 =	sld [smem:$0x3F9F]  }
0x1a: {  	s8 =	sadd.s32 $0xFFFFE003, lr  }
0x1b: {  	s9 =	sadd.s32 $0xFFFFFEF7, lr;
	s5 =	simm.s32 $0xFFFFFFFF;
	p2 =	slt.u32 s8, $0xFFFFF086  }
0x1c: {  	p1 =	slt.u32 s9, $0xF7A;
	s5 =	simm.s32 @!p2 $0x0  }
0x1d: {  	s5 =	simm.s32 @p1 $0x1;
	p0 =	seq.s32 s7, s2  }
0x1e: {  	s7 =	smul.u32 @!p0 $0xF7A, s2;
	p2 =	seq.s32 @!p0 s5, $0x0  }
0x1f: {  	s9 =	smul.u32 $0xF7A, s1;
	s8 =	simm.s32 @!p0 $0x1BF5;
	p2 =	por !p2, p0  }
0x20: {  	[sflag:s8] =	ssyncset.s32 @!p0 $0xFFFFF086;
	s6 =	sadd.s32 @!p0 s3, s7;
	s7 =	simm.s32 @!p0 $0x108  }
0x21: {  	s3 =	sadd.s32 s3, s9;
	s6 =	sadd.s32 @!p0 $0x88, s6;
	s7 =	simm.s32 @p2 $0x1082  }
0x22: {  	[simem:s7], [sflag:s8] =	dma.local @!p0 [hbm:s6], $0xF7A  }
0x23: {  	s9 =	sor.u32 $0xD0000000, s2;
	s6 =	simm.s32 $0x108;
	_ =	swait.ge @!p0 [sflag:s8], $0x0  }
0x24: {  	s3 =	sadd.s32 $0x88, s3;
	s6 =	simm.s32 @!p1 $0x1082;
	[sflag:s4] =	ssyncset.s32 $0xFFFFF086  }
0x25: {  	[simem:s6], [sflag:s4] =	dma.local [hbm:s3], $0xF7A  }
0x26: {  	[smem:$0x3F9F] =	sst s1;
	(tag) =	ssettag s2;
	_ =	strace s9  }
0x27: {  	s1 =	sld [smem:$0x3FAF]  }
0x28: {  	s2 =	sld [smem:$0x3FB0]  }
0x29: {  	s4 =	sld [smem:$0x3FB2]  }
0x2a: {  	p0 =	seq.s32 s5, $0x0;
	s5 =	sld [smem:$0x3FB3]  }
0x2b: {  	s6 =	sld [smem:$0x3FB4]  }
0x2c: {  	s7 =	sld [smem:$0x3FB5]  }
0x2d: {  	s3 =	simm.s32 $0x108;
	s8 =	sld [smem:$0x3FB6]  }
0x2e: {  	s3 =	simm.s32 @!p0 $0x1082;
	s9 =	sld [smem:$0x3FB7]  }
0x2f: {  	lr =	sadd.s32 s0, s3;
	s0 =	sld [smem:$0x3FAE]  }
0x30: {  	s3 =	sld [smem:$0x3FB1]  }
0x31: {  	[smem:$0x3FBA] =	sst s10  }
0x32: {  	s10 =	sld [smem:$0x3FB8];
	_ =	sdelay $0x3  }
0x33: {  	p0 =	seq.s32 s10, $0x1;
	s10 =	sld [smem:$0x3FBA];
	_ =	sdelay $0x3  }
0x34: {  	[smem:$0x3FBA] =	sst s10  }
0x35: {  	s10 =	sld [smem:$0x3FB9];
	_ =	sdelay $0x3  }
0x36: {  	p1 =	seq.s32 s10, $0x1;
	s10 =	sld [smem:$0x3FBA];
	_ =	sdelay $0x3  }
0x37: {  	[smem:$0x3FBA] =	sst s10  }
0x38: {  	s10 =	sld [smem:$0x3FBB]  }
0x39: {  	_ = 	snop;
	(pc) =	sbr.ind lr, $3  }
0x3a: {  	_ = 	snop  }
0x3b: {  	_ = 	snop  }
0x3c: {  	p2 =	seq.s32 s10, $0x1;
	s10 =	sld [smem:$0x3FBA]  }
0x3d: {  	_ =	shalt  }
0x3e: {  	_ =	shalt  }
0x3f: {  	_ =	shalt  }
0x40: {  	_ =	shalt  }
0x41: {  	_ =	shalt  }
0x42: {  	_ =	shalt  }
0x43: {  	_ =	shalt  }
0x44: {  	_ =	shalt  }
0x45: {  	_ =	shalt  }
0x46: {  	_ =	shalt  }
0x47: {  	_ =	shalt  }
0x48: {  	_ =	shalt  }
0x49: {  	_ =	shalt  }
0x4a: {  	_ =	shalt  }
0x4b: {  	_ =	shalt  }
0x4c: {  	_ =	shalt  }
0x4d: {  	_ =	shalt  }
0x4e: {  	_ =	shalt  }
0x4f: {  	_ =	shalt  }
0x50: {  	_ =	shalt  }
0x51: {  	_ =	shalt  }
0x52: {  	_ =	shalt  }
0x53: {  	_ =	shalt  }
0x54: {  	_ =	shalt  }
0x55: {  	_ =	shalt  }
0x56: {  	_ =	shalt  }
0x57: {  	_ =	shalt  }
0x58: {  	_ =	shalt  }
0x59: {  	_ =	shalt  }
0x5a: {  	_ =	shalt  }
0x5b: {  	_ =	shalt  }
0x5c: {  	_ =	shalt  }
0x5d: {  	_ =	shalt  }
0x5e: {  	_ =	shalt  }
0x5f: {  	_ =	shalt  }
0x60: {  	_ =	shalt  }
0x61: {  	_ =	shalt  }
0x62: {  	_ =	shalt  }
0x63: {  	_ =	shalt  }
0x64: {  	_ =	shalt  }
0x65: {  	_ =	shalt  }
0x66: {  	_ =	shalt  }
0x67: {  	_ =	shalt  }
0x68: {  	_ =	shalt  }
0x69: {  	_ =	shalt  }
0x6a: {  	_ =	shalt  }
0x6b: {  	_ =	shalt  }
0x6c: {  	_ =	shalt  }
0x6d: {  	_ =	shalt  }
0x6e: {  	_ =	shalt  }
0x6f: {  	_ =	shalt  }
0x70: {  	_ =	shalt  }
0x71: {  	_ =	shalt  }
0x72: {  	_ =	shalt  }
0x73: {  	_ =	shalt  }
0x74: {  	_ =	shalt  }
0x75: {  	_ =	shalt  }
0x76: {  	_ =	shalt  }
0x77: {  	_ =	shalt  }
0x78: {  	_ =	shalt  }
0x79: {  	_ =	shalt  }
0x7a: {  	_ =	shalt  }
0x7b: {  	_ =	shalt  }
0x7c: {  	_ =	shalt  }
0x7d: {  	_ =	shalt  }
0x7e: {  	_ =	shalt  }
0x7f: {  	_ =	shalt  }
0x80: {  	_ =	shalt  }
0x81: {  	_ =	shalt  }
0x82: {  	_ =	shalt  }
0x83: {  	_ =	shalt  }
0x84: {  	_ =	shalt  }
0x85: {  	_ =	shalt  }
0x86: {  	_ =	shalt  }
0x87: {  	_ =	shalt  }
.Lfunc_end0:
.L_simem_size_0:
called_computation_lowered:
.L_overlay_start_0:
0x88: {  	s2 =	sld [smem:$0x3FD9]  }
0x89: {  	s3 =	sld [smem:$0x3FFE];
	_ =	sdelay $0x1  }
0x8a: {  	s1 =	srdreg.scid  }
0x8b: {  	s0 =	sand.u32 $0x1, s1  }
0x8c: {  	s17 =	sshll.u32 s0, $0xA;
	s2 =	sadd.s32 s3, s2  }
0x8d: {  	s2 =	sadd.s32 s2, s17  }
0x8e: {  	[smem:$0x3FC6] =	sst s2  }
0x8f: {  	_ = 	snop  }
0x90: {  	s2 =	sld [smem:$0x3FD0];
	(tm) =	ssettm $0x1  }
0x91: {  	s18 =	sld [smem:$0x3FFB];
	_ =	sdelay $0x3  }
0x92: {  	_ =	strace s18  }
0x93: {  	s3 =	sld [smem:$0x3FFC];
	_ =	sdelay $0x3  }
0x94: {  	_ =	strace s3  }
0x95: {  	s3 =	sld [smem:$0x3FFD];
	_ =	sdelay $0x3  }
0x96: {  	_ =	strace s3  }
0x97: {  	_ =	strace $0x8FFFFFFF  }
0x98: {  	s19 =	sld [smem:$0x3FDB];
	_ =	sdelay $0x1  }
0x99: {  	s4 =	simm.s32 $_scs_section_size  }
0x9a: {  	s5 =	simm.s32 $_size__tile_overlayer_lowered;
	s6 =	simm.s32 $_tile_overlayer_lowered  }
0x9b: {  	s22 =	simm.s32 $0x1BFF;
	s21 =	sshll.u32 s6, $0x1;
	s3 =	sadd.s32 s4, s19  }
0x9c: {  	s7 =	simm.s32 $0x0;
	s20 =	sshll.u32 s5, $0x1;
	s5 =	sadd.s32 s21, s3  }
0x9d: {  	[timem:s7], [sflag:s22] =	dma.local [hbm:s5], s20  }
0x9e: {  	_ =	swait.ge [sflag:s22], s20  }
0x9f: {  	s4 =	ssub.s32 $0x0, s20;
	[sflag:s22] =	ssyncset.done $0x0  }
0xa0: {  	[sflag:s22] =	ssyncadd.s32 s4;
	_ =	sdelay $0x1  }
0xa1: {  	s23 =	simm.s32 $0x1B8B  }
0xa2: {  	_ =	swait.ge [sflag:s23], $0x1  }
0xa3: {  	[sflag:s23] =	ssyncset.done $0x0  }
0xa4: {  	s25 =	simm.s32 $0x1B8E;
	s24 =	sld [smem:$0x3FFE];
	[sflag:s23] =	ssyncadd.s32 $0xFFFFFFFF  }
0xa5: {  	s26 =	simm.s32 $execute0_lowered;
	[smem:$0x3FD2] =	sst s25  }
0xa6: {  	s5 =	sshll.u32 s26, $0x1;
	_ =	strace $0x80000046;
	[dreg:$0x1] =	wrdreg $0xFFFFFFFF  }
0xa7: {  	s28 =	simm.s32 $_size_execute0_lowered;
	s3 =	sadd.s32 s3, s5;
	[dreg:$0x0] =	wrdreg $0x0  }
0xa8: {  	s5 =	sshll.u32 s28, $0x1;
	[dreg:$0x2] =	wrdreg s3  }
0xa9: {  	[dreg:$0x3] =	wrdreg s5  }
0xaa: {  	[dreg:$0x4] =	wrdreg $0xC0  }
0xab: {  	_ =	task [dreg:s7], $0x5FFFF  }
0xac: {  	[dreg:$0x1] =	wrdreg $0xFFFFFFFF  }
0xad: {  	[dreg:$0x0] =	wrdreg $0x60  }
0xae: {  	[dreg:$0x2] =	wrdreg s24  }
0xaf: {  	[dreg:$0x3] =	wrdreg s2  }
0xb0: {  	[dreg:$0x4] =	wrdreg $0x9  }
0xb1: {  	_ =	task.clear_ibuf [dreg:s7], $0x5FFFF;
	_ =	strace $0x90000046  }
0xb2: {  	s29 =	simm.s32 $0x9;
	_ =	strace $0x80000048  }
0xb3: {  	_ =	swait.ge [sflag:s29], $0x1  }
0xb4: {  	[sflag:s29] =	ssyncadd.s32 $0xFFFFFFFF  }
0xb5: {  	_ =	strace $0x90000048  }
0xb6: {  	_ =	sfence  }
0xb7: {  	s30 =	sld [smem:$0x0];
	_ =	sdelay $0x2  }
0xb8: {  	s31 =	sshll.u32 s1, $0xD;
	s1 =	sshrl.u32 s1, $0x2  }
0xb9: {  	s3 =	sand.u32 $0x4000, s31;
	s1 =	sadd.s32 s1, s30  }
0xba: {  	s0 =	sor.u32 s3, s0;
	s1 =	sshll.u32 s1, $0x11  }
0xbb: {  	s0 =	sor.u32 s1, s0  }
0xbc: {  	s0 =	sadd.s32 $0x8F2B, s0  }
0xbd: {  	[sflag:s0] =	ssyncadd.remote.s32 $0x1  }
0xbe: {  	_ =	sfence.sel $0xFFFF  }
0xbf: {  	[dreg:$0x0] =	wrdreg $0xFFFFFFFF;
	(pc) =	sbr.abs _section_cstart, $3  }
0xc0: {  	[dreg:$0x1] =	wrdreg $0xFFFFFFFF  }
0xc1: {  	_ =	task.clear_ibuf [dreg:s7], $0x2FFFF;
	_ =	strace $0x9FFFFFFF  }
0xc2: {  	(tm) =	ssettm $0x7FFFFFFF  }
0xc3: {  	_ =	shalt  }
tec
execute0_lowered:
.L_overlay_start_1:
0x0: {  	(tag) =	ssettag $0x1  }
0x1: {  	s0 =	rddreg [dreg:$0x0];
	s1 =	srdreg.scid  }
0x2: {  	s3 =	stileid.u32;
	s2 =	rddreg [dreg:$0x1];
	s13 =	simm.s32 $0x80  }
0x3: {  	s15 =	simm.s32 $0x8400;
	s17 =	simm.s32 $0xA400;
	s19 =	simm.s32 $0xC400  }
0x4: {  	s21 =	simm.s32 $0xE400;
	s22 =	simm.s32 $0x1;
	s23 =	simm.s32 $0x10400  }
0x5: {  	s24 =	simm.s32 $0x2;
	s28 =	simm.s32 $0x14C00;
	s29 =	simm.s32 $0x4  }
0x6: {  	s30 =	simm.s32 $0x17000;
	s1 =	sand.u32 $0x1, s1;
	s4 =	sshll.u32 s3, $0x1  }
0x7: {  	s31 =	simm.s32 $0x5;
	s3 =	simm.s32 $0x0;
	s4 =	sor.u32 s1, s4  }
0x8: {  	s11 =	simm.s32 $0x0;
	[smem:$0x7FF] =	sst s3;
	s5 =	smul.u32 $0xC80, s4  }
0x9: {  	s1 =	ssub.s32 $0x2, s1;
	_ =	strace $0x80000047;
	s4 =	smul.u32 $0xC8, s4  }
0xa: {  	s25 =	sshrl.u32 s1, $0x1;
	s6 =	sadd.s32 s5, s0;
	s5 =	sadd.s32 $0xF42A00, s0  }
0xb: {  	v0 =	vlaneseq.u32;
	s0 =	ssub.s32 s1, s25;
	s7 =	sor.u32 $0x1, s4;
	s8 =	sor.u32 $0x2, s4  }
0xc: {  	v0 =	vmul.u32 $0x90, v0;
	s9 =	sor.u32 $0x3, s4;
	s10 =	sor.u32 $0x4, s4;
	s26 =	sadd.s32 $0x600, s6  }
0xd: {  	s25 =	simm.s32 $0x12800;
	s0 =	smax.u32 s0, $0x1;
	[dreg:$0x3] =	wrdreg s26  }
0xe: {  	v1 =	vadd.s32 $0x900, v0;
	v2 =	vadd.s32 $0x1200, v0;
	v3 =	vadd.s32 $0x1B00, v0;
	s1 =	simm.s32 $0x19400;
	[dreg:$0x4] =	wrdreg s0;
	s26 =	simm.s32 $0x3  }
.LBB2_1:
0xf: {  	[dreg:$0x5] =	wrdreg s11  }
0x10: {  	s0 =	rddreg [dreg:$0x3];
	s12 =	simm.s32 $0xB  }
0x11: {  	[tilespmem:s3], [sflag:$0xB] =	stream.linear.gather [hbm4b:s0+s3], $0x6400, $0x38;
	[tilespmem:$0x1B800] =	vst v63  }
0x12: {  	_ =	swait.ge [sflag:s12], $0x6400  }
0x13: {  	[sflag:s12] =	ssyncset.done $0x0  }
0x14: {  	s14 =	simm.s32 $0x6400;
	[sflag:s12] =	ssyncadd.s32 $0xFFFF9C00  }
0x15: {  	[tilespmem:s14], [sflag:$0x1] =	stream.indirect.gather [hbm4b:s5+s13], $0x40, s3, s13, $0xb8;
	[tilespmem:$0x1B800] =	vst v63  }
0x16: {  	_ = 	snop  }
0x17: {  	[tilespmem:s15], [sflag:$0x2] =	stream.indirect.gather [hbm4b:s5+s13], $0x40, s13, s13, $0xb8;
	[tilespmem:$0x1B800] =	vst v63  }
0x18: {  	s16 =	simm.s32 $0x100  }
0x19: {  	[tilespmem:s17], [sflag:$0x3] =	stream.indirect.gather [hbm4b:s5+s13], $0x40, s16, s13, $0xb8;
	[tilespmem:$0x1B800] =	vst v63  }
0x1a: {  	s18 =	simm.s32 $0x180  }
0x1b: {  	[tilespmem:s19], [sflag:$0x4] =	stream.indirect.gather [hbm4b:s5+s13], $0x40, s18, s13, $0xb8;
	[tilespmem:$0x1B800] =	vst v63  }
0x1c: {  	s20 =	simm.s32 $0x200;
	s12 =	simm.s32 $0x0  }
0x1d: {  	[tilespmem:s21], [sflag:$0x5] =	stream.indirect.gather [hbm4b:s5+s13], $0x40, s20, s13, $0xb8;
	[tilespmem:$0x1B800] =	vst v63  }
.LBB2_2:
0x1e: {  	p0 =	seq.s32 s12, $0x0  }
0x1f: {  	s0 =	simm.s32 @!p0 $0x6  }
0x20: {  	_ =	swait.ge @!p0 [sflag:s0], $0x2000  }
0x21: {  	[sflag:s0] =	ssyncset.done @!p0 $0x0  }
0x22: {  	[sflag:s0] =	ssyncadd.s32 @!p0 $0xFFFFE000  }
0x23: {  	s14 =	simm.s32 $0x3;
	_ =	swait.ge [sflag:s22], $0x2000  }
0x24: {  	s16 =	simm.s32 $0x0;
	v4 =	vmov s14;
	[sflag:s22] =	ssyncset.done $0x0  }
0x25: {  	s18 =	simm.s32 $0x6480;
	s20 =	simm.s32 $0x1;
	v5 =	vand.u32 $0x7F, v4;
	v4 =	vmov s16;
	[sflag:s22] =	ssyncadd.s32 $0xFFFFE000  }
0x26: {  	v8 =	vadd.s32 v0, v5;
	v6 =	vand.u32 $0x7C, v4;
	v4 =	vmov s20;
	v7 =	vld [tilespmem:s18+$0x40]  }
0x27: {  	v10 =	vadd.s32 v0, v6;
	v11 =	vand.u32 $0x7D, v4;
	v9 =	vld [tilespmem:s18+$0xFFFFFF80]  }
0x28: {  	s6 =	simm.s32 $0x2;
	v12 =	vadd.s32 v0, v11;
	v4 =	vld [tilespmem:s18+$0xFFFFFFC0]  }
0x29: {  	v13 =	vmov s6  }
0x2a: {  	v13 =	vand.u32 $0x7E, v13  }
0x2b: {  	v15 =	vadd.s32 v0, v13;
	v14 =	vld [tilespmem:s18+$0x0];
	[tilespmem:v8+s23+$0x0] =	vst.idx.msk $0xffff, v7  }
0x2c: {  	v8 =	vadd.s32 v1, v5;
	[tilespmem:v10+s23+$0x0] =	vst.idx.msk $0xffff, v9;
	v7 =	vld [tilespmem:s18+$0x50]  }
0x2d: {  	v10 =	vadd.s32 v1, v6;
	[tilespmem:v12+s23+$0x0] =	vst.idx.msk $0xffff, v4;
	v9 =	vld [tilespmem:s18+$0xFFFFFF90]  }
0x2e: {  	v12 =	vadd.s32 v1, v11;
	v4 =	vld [tilespmem:s18+$0xFFFFFFD0];
	_ =	sdelay $0x1  }
0x2f: {  	[tilespmem:v15+s23+$0x0] =	vst.idx.msk $0xffff, v14  }
0x30: {  	v16 =	vadd.s32 v1, v13;
	v15 =	vld [tilespmem:s18+$0x10];
	[tilespmem:v8+s23+$0x0] =	vst.idx.msk $0xffff, v7  }
0x31: {  	s11 =	simm.s32 $0x7;
	v14 =	vadd.s32 v2, v5;
	[tilespmem:v10+s23+$0x0] =	vst.idx.msk $0xffff, v9;
	v7 =	vld [tilespmem:s18+$0x60]  }
0x32: {  	v10 =	vadd.s32 v2, v6;
	v8 =	vmov s11;
	[tilespmem:v12+s23+$0x0] =	vst.idx.msk $0xffff, v4;
	v9 =	vld [tilespmem:s18+$0xFFFFFFA0]  }
0x33: {  	s16 =	simm.s32 $0x6580;
	v17 =	vadd.s32 v2, v11;
	v8 =	vand.u32 $0x7F, v8;
	v12 =	vld [tilespmem:s18+$0xFFFFFFE0]  }
0x34: {  	s6 =	simm.s32 $0x4;
	v18 =	vld [tilespmem:s16+$0x40];
	v19 =	vadd.s32 v0, v8  }
0x35: {  	s14 =	simm.s32 $0x5;
	v4 =	vmov s6;
	[tilespmem:v16+s23+$0x0] =	vst.idx.msk $0xffff, v15  }
0x36: {  	v22 =	vmov s14;
	v4 =	vand.u32 $0x7C, v4;
	[tilespmem:v14+s23+$0x0] =	vst.idx.msk $0xffff, v7  }
0x37: {  	s20 =	simm.s32 $0x6;
	v20 =	vld [tilespmem:s16+$0xFFFFFF80];
	v21 =	vadd.s32 v0, v4;
	v7 =	vand.u32 $0x7D, v22;
	[tilespmem:v10+s23+$0x0] =	vst.idx.msk $0xffff, v9  }
0x38: {  	v14 =	vmov s20;
	v9 =	vld [tilespmem:s16+$0xFFFFFFC0];
	[tilespmem:v17+s23+$0x0] =	vst.idx.msk $0xffff, v12;
	v10 =	vadd.s32 v0, v7  }
0x39: {  	v16 =	vadd.s32 v3, v5;
	v12 =	vld [tilespmem:s18+$0x20];
	v5 =	vand.u32 $0x7E, v14;
	[tilespmem:v19+s23+$0x0] =	vst.idx.msk $0xffff, v18;
	v18 =	vadd.s32 v2, v13  }
0x3a: {  	v14 =	vld [tilespmem:s16+$0x0];
	v63 =	vadd.s32 v0, v5  }
0x3b: {  	v15 =	vld [tilespmem:s18+$0x70]  }
0x3c: {  	[tilespmem:v21+s23+$0x0] =	vst.idx.msk $0xffff, v20;
	v20 =	vadd.s32 v1, v8;
	v19 =	vld [tilespmem:s16+$0x50]  }
0x3d: {  	v23 =	vadd.s32 v1, v4;
	v21 =	vld [tilespmem:s16+$0xFFFFFF90];
	[tilespmem:v10+s23+$0x0] =	vst.idx.msk $0xffff, v9  }
0x3e: {  	v25 =	vadd.s32 v3, v11;
	v24 =	vld [tilespmem:s18+$0xFFFFFFF0];
	[tilespmem:v18+s23+$0x0] =	vst.idx.msk $0xffff, v12  }
0x3f: {  	v18 =	vadd.s32 v1, v7;
	v17 =	vld [tilespmem:s16+$0xFFFFFFD0];
	[tilespmem:v63+s23+$0x0] =	vst.idx.msk $0xffff, v14  }
0x40: {  	[tilespmem:v16+s23+$0x0] =	vst.idx.msk $0xffff, v15;
	v16 =	vadd.s32 v1, v5;
	v14 =	vld [tilespmem:s16+$0x10]  }
0x41: {  	v15 =	vadd.s32 v3, v13;
	[tilespmem:v20+s23+$0x0] =	vst.idx.msk $0xffff, v19;
	v10 =	vld [tilespmem:s18+$0x30]  }
0x42: {  	s0 =	smul.u32 $0x5, s12;
	v12 =	vadd.s32 v2, v8;
	[tilespmem:v23+s23+$0x0] =	vst.idx.msk $0xffff, v21;
	v9 =	vld [tilespmem:s16+$0x60]  }
0x43: {  	s11 =	simm.s32 $0xB;
	s6 =	simm.s32 $0xC;
	s20 =	simm.s32 $0x8;
	v13 =	vadd.s32 v2, v4;
	[tilespmem:v25+s23+$0x0] =	vst.idx.msk $0xffff, v24;
	v11 =	vld [tilespmem:s16+$0xFFFFFFA0]  }
.LBB2_3:
0x44: {  	p1 =	slt.u32 s6, $0x7C;
	v19 =	vmov s11;
	[tilespmem:v18+s23+$0x0] =	vst.idx.msk $0xffff, v17;
	v17 =	vld [tilespmem:s18+$0xFFFFFFB0];
	v18 =	vadd.s32 v3, v6;
	v6 =	vmov v4;
	s18 =	smov.u32 s16  }
0x45: {  	v4 =	vmov s20;
	v21 =	vadd.s32 v2, v7;
	s16 =	sadd.s32 $0x100, s16;
	v19 =	vand.u32 $0x7F, v19;
	v20 =	vld [tilespmem:s18+$0xFFFFFFE0];
	[tilespmem:v16+s23+$0x0] =	vst.idx.msk $0xffff, v14  }
0x46: {  	s11 =	sadd.s32 $0x1, s20;
	v4 =	vand.u32 $0x7C, v4;
	v14 =	vld [tilespmem:s16+$0x40];
	v16 =	vadd.s32 v0, v19;
	[tilespmem:v15+s23+$0x0] =	vst.idx.msk $0xffff, v10  }
0x47: {  	v22 =	vmov s11;
	s11 =	sadd.s32 $0x2, s20;
	s20 =	smov.u32 s6;
	v15 =	vadd.s32 v0, v4;
	v10 =	vld [tilespmem:s16+$0xFFFFFF80];
	[tilespmem:v12+s23+$0x0] =	vst.idx.msk $0xffff, v9  }
0x48: {  	v9 =	vand.u32 $0x7D, v22;
	v12 =	vmov s11;
	[tilespmem:v13+s23+$0x0] =	vst.idx.msk $0xffff, v11;
	v11 =	vld [tilespmem:s18+$0x70];
	v13 =	vadd.s32 v3, v8;
	v8 =	vmovc v19  }
0x49: {  	v22 =	vadd.s32 v0, v9;
	v12 =	vand.u32 $0x7E, v12;
	v19 =	vld [tilespmem:s16+$0xFFFFFFC0];
	[tilespmem:v18+s23+$0x0] =	vst.idx.msk $0xffff, v17  }
0x4a: {  	v24 =	vadd.s32 v0, v12;
	v23 =	vld [tilespmem:s16+$0x0];
	[tilespmem:v21+s23+$0x0] =	vst.idx.msk $0xffff, v20  }
0x4b: {  	v21 =	vadd.s32 v2, v5;
	[tilespmem:v16+s23+$0x0] =	vst.idx.msk $0xffff, v14;
	v20 =	vld [tilespmem:s18+$0x20]  }
0x4c: {  	[tilespmem:v15+s23+$0x0] =	vst.idx.msk $0xffff, v10;
	v10 =	vld [tilespmem:s16+$0x50];
	v15 =	vadd.s32 v1, v8  }
0x4d: {  	v26 =	vadd.s32 v1, v4;
	v25 =	vld [tilespmem:s16+$0xFFFFFF90];
	[tilespmem:v13+s23+$0x0] =	vst.idx.msk $0xffff, v11  }
0x4e: {  	[tilespmem:v22+s23+$0x0] =	vst.idx.msk $0xffff, v19;
	v19 =	vld [tilespmem:s18+$0xFFFFFFF0];
	v22 =	vadd.s32 v3, v7;
	v7 =	vmov v9  }
.Ltmp0:
0x4f: {  	v17 =	vld [tilespmem:s16+$0xFFFFFFD0];
	v18 =	vadd.s32 v1, v7;
	[tilespmem:v24+s23+$0x0] =	vst.idx.msk $0xffff, v23;
	(pc) =	sbr.rel @p1 .LBB2_3-.Ltmp0, $4  }
0x50: {  	v16 =	vadd.s32 v1, v12;
	v14 =	vld [tilespmem:s16+$0x10];
	[tilespmem:v21+s23+$0x0] =	vst.idx.msk $0xffff, v20  }
0x51: {  	[tilespmem:v15+s23+$0x0] =	vst.idx.msk $0xffff, v10;
	v10 =	vld [tilespmem:s18+$0x30];
	v15 =	vadd.s32 v3, v5;
	v5 =	vmov v12  }
0x52: {  	v12 =	vadd.s32 v2, v8;
	[tilespmem:v26+s23+$0x0] =	vst.idx.msk $0xffff, v25;
	v9 =	vld [tilespmem:s16+$0x60]  }
0x53: {  	s6 =	sadd.s32 $0x4, s6;
	s11 =	sadd.s32 $0x3, s20;
	v13 =	vadd.s32 v2, v4;
	v11 =	vld [tilespmem:s16+$0xFFFFFFA0];
	[tilespmem:v22+s23+$0x0] =	vst.idx.msk $0xffff, v19  }
0x54: {  	_ =	sdelay $0x2  }
0x55: {  	v19 =	vmov s11  }
0x56: {  	s14 =	sadd.s32 $0x1, s20;
	[tilespmem:v18+s23+$0x0] =	vst.idx.msk $0xffff, v17;
	v30 =	vld [tilespmem:s18+$0xFFFFFFB0];
	v6 =	vadd.s32 v3, v6;
	s6 =	sadd.s32 $0x100, s16;
	v21 =	vmov s20;
	v31 =	vand.u32 $0x7F, v19  }
0x57: {  	v32 =	vmov s14;
	s14 =	sadd.s32 $0x2, s20;
	[tilespmem:v16+s23+$0x0] =	vst.idx.msk $0xffff, v14;
	v33 =	vld [tilespmem:s6+$0x40];
	v21 =	vand.u32 $0x7C, v21;
	v34 =	vadd.s32 v0, v31  }
0x58: {  	v22 =	vld [tilespmem:s6+$0xFFFFFF80];
	v19 =	vand.u32 $0x7D, v32;
	v20 =	vmov s14;
	[tilespmem:v15+s23+$0x0] =	vst.idx.msk $0xffff, v10;
	v39 =	vadd.s32 v0, v21  }
0x59: {  	v35 =	vld [tilespmem:s6+$0xFFFFFFC0];
	v36 =	vadd.s32 v0, v19;
	v20 =	vand.u32 $0x7E, v20;
	[tilespmem:v12+s23+$0x0] =	vst.idx.msk $0xffff, v9  }
0x5a: {  	v37 =	vld [tilespmem:s6+$0x0];
	v38 =	vadd.s32 v0, v20;
	[tilespmem:v13+s23+$0x0] =	vst.idx.msk $0xffff, v11  }
0x5b: {  	v41 =	vadd.s32 v2, v7;
	v40 =	vld [tilespmem:s16+$0xFFFFFFE0];
	[tilespmem:v6+s23+$0x0] =	vst.idx.msk $0xffff, v30  }
0x5c: {  	v49 =	vadd.s32 v2, v5;
	v48 =	vld [tilespmem:s16+$0x20];
	[tilespmem:v34+s23+$0x0] =	vst.idx.msk $0xffff, v33  }
0x5d: {  	v43 =	vadd.s32 v1, v31;
	[tilespmem:v39+s23+$0x0] =	vst.idx.msk $0xffff, v22;
	v14 =	vld [tilespmem:s6+$0x50]  }
0x5e: {  	v47 =	vadd.s32 v1, v21;
	[tilespmem:v36+s23+$0x0] =	vst.idx.msk $0xffff, v35;
	v46 =	vld [tilespmem:s6+$0xFFFFFF90]  }
0x5f: {  	v44 =	vadd.s32 v1, v19;
	v10 =	vld [tilespmem:s6+$0xFFFFFFD0];
	[tilespmem:v38+s23+$0x0] =	vst.idx.msk $0xffff, v37  }
0x60: {  	v45 =	vadd.s32 v1, v20;
	[tilespmem:v41+s23+$0x0] =	vst.idx.msk $0xffff, v40;
	v9 =	vld [tilespmem:s6+$0x10]  }
0x61: {  	v8 =	vadd.s32 v3, v8;
	v42 =	vld [tilespmem:s16+$0x70];
	[tilespmem:v49+s23+$0x0] =	vst.idx.msk $0xffff, v48  }
0x62: {  	v5 =	vadd.s32 v3, v5;
	v13 =	vld [tilespmem:s16+$0x30];
	[tilespmem:v43+s23+$0x0] =	vst.idx.msk $0xffff, v14  }
0x63: {  	v52 =	vadd.s32 v2, v31;
	[tilespmem:v47+s23+$0x0] =	vst.idx.msk $0xffff, v46;
	v14 =	vld [tilespmem:s6+$0x60]  }
0x64: {  	v57 =	vadd.s32 v2, v21;
	[tilespmem:v44+s23+$0x0] =	vst.idx.msk $0xffff, v10;
	v56 =	vld [tilespmem:s6+$0xFFFFFFA0]  }
0x65: {  	v53 =	vadd.s32 v2, v19;
	v10 =	vld [tilespmem:s6+$0xFFFFFFE0];
	[tilespmem:v45+s23+$0x0] =	vst.idx.msk $0xffff, v9  }
0x66: {  	v55 =	vadd.s32 v2, v20;
	[tilespmem:v8+s23+$0x0] =	vst.idx.msk $0xffff, v42;
	v54 =	vld [tilespmem:s6+$0x20]  }
0x67: {  	v4 =	vadd.s32 v3, v4;
	v58 =	vld [tilespmem:s16+$0xFFFFFFB0];
	[tilespmem:v5+s23+$0x0] =	vst.idx.msk $0xffff, v13  }
0x68: {  	v51 =	vadd.s32 v3, v7;
	v50 =	vld [tilespmem:s16+$0xFFFFFFF0];
	[tilespmem:v52+s23+$0x0] =	vst.idx.msk $0xffff, v14  }
0x69: {  	v60 =	vadd.s32 v3, v31;
	[tilespmem:v57+s23+$0x0] =	vst.idx.msk $0xffff, v56;
	v59 =	vld [tilespmem:s6+$0x70]  }
0x6a: {  	v63 =	vadd.s32 v3, v21;
	[tilespmem:v53+s23+$0x0] =	vst.idx.msk $0xffff, v10;
	v5 =	vld [tilespmem:s6+$0xFFFFFFB0]  }
0x6b: {  	v61 =	vadd.s32 v3, v19;
	v10 =	vld [tilespmem:s6+$0xFFFFFFF0];
	[tilespmem:v55+s23+$0x0] =	vst.idx.msk $0xffff, v54  }
0x6c: {  	v62 =	vadd.s32 v3, v20;
	[tilespmem:v4+s23+$0x0] =	vst.idx.msk $0xffff, v58;
	v6 =	vld [tilespmem:s6+$0x30]  }
0x6d: {  	s18 =	sadd.s32 s4, s0;
	[tilespmem:v51+s23+$0x0] =	vst.idx.msk $0xffff, v50  }
0x6e: {  	s20 =	sshll.u32 s18, $0x7;
	[tilespmem:v60+s23+$0x0] =	vst.idx.msk $0xffff, v59  }
0x6f: {  	s11 =	sand.u32 $0x3F80, s20;
	s6 =	sshll.u32 s18, $0xA;
	[tilespmem:v63+s23+$0x0] =	vst.idx.msk $0xffff, v5  }
0x70: {  	s11 =	sadd.s32 s2, s11;
	s6 =	sand.u32 $0xFFE0000, s6;
	[tilespmem:v61+s23+$0x0] =	vst.idx.msk $0xffff, v10  }
0x71: {  	s16 =	sadd.s32 s6, s11;
	s11 =	simm.s32 $0x10400;
	[tilespmem:v62+s23+$0x0] =	vst.idx.msk $0xffff, v6  }
0x72: {  	[hbm4b:s16+s3] =	stream.linear.scatter [tilespmem:s11], [sflag:$0x6], $0x80, $0x38;
	[tilespmem:$0x1B800] =	vst v63  }
0x73: {  	s14 =	simm.s32 $0x10490;
	s11 =	sadd.s32 $0x10, s16  }
0x74: {  	[hbm4b:s11+s3] =	stream.linear.scatter [tilespmem:s14], [sflag:$0x6], $0x80, $0x38;
	[tilespmem:$0x1B800] =	vst v63  }
0x75: {  	s18 =	simm.s32 $0x10520;
	s20 =	sadd.s32 $0x20, s16  }
0x76: {  	[hbm4b:s20+s3] =	stream.linear.scatter [tilespmem:s18], [sflag:$0x6], $0x80, $0x38;
	[tilespmem:$0x1B800] =	vst v63  }
0x77: {  	s11 =	simm.s32 $0x105B0;
	s14 =	sadd.s32 $0x30, s16  }
0x78: {  	[hbm4b:s14+s3] =	stream.linear.scatter [tilespmem:s11], [sflag:$0x6], $0x80, $0x38;
	[tilespmem:$0x1B800] =	vst v63  }
0x79: {  	s18 =	simm.s32 $0x10640;
	s20 =	sadd.s32 $0x40, s16  }
0x7a: {  	[hbm4b:s20+s3] =	stream.linear.scatter [tilespmem:s18], [sflag:$0x6], $0x80, $0x38;
	[tilespmem:$0x1B800] =	vst v63  }
0x7b: {  	s6 =	simm.s32 $0x480;
	s11 =	simm.s32 $0x106D0;
	s14 =	sadd.s32 $0x50, s16  }
0x7c: {  	[hbm4b:s14+s3] =	stream.linear.scatter [tilespmem:s11], [sflag:$0x6], $0x80, $0x38;
	[tilespmem:$0x1B800] =	vst v63  }
0x7d: {  	s18 =	simm.s32 $0x10760;
	s20 =	sadd.s32 $0x60, s16;
	s11 =	simm.s32 $0x107F0  }
0x7e: {  	[hbm4b:s20+s3] =	stream.linear.scatter [tilespmem:s18], [sflag:$0x6], $0x80, $0x38;
	[tilespmem:$0x1B800] =	vst v63  }
0x7f: {  	s18 =	simm.s32 $0x2400;
	s20 =	sadd.s32 $0x70, s16;
	s16 =	sadd.s32 $0x4000, s16  }
.LBB2_5:
0x80: {  	[hbm4b:s20+s3] =	stream.linear.scatter [tilespmem:s11], [sflag:$0x6], $0x80, $0x38;
	[tilespmem:$0x1B800] =	vst v63  }
0x81: {  	s11 =	smov.u32 s6;
	s6 =	smov.u32 s18  }
0x82: {  	s14 =	sadd.s32 $0x1200, s18;
	s6 =	sshra.s32 s6, $0x2;
	s20 =	sadd.s32 $0x10400, s11  }
0x83: {  	[hbm4b:s16+s3] =	stream.linear.scatter [tilespmem:s20], [sflag:$0x6], $0x80, $0x38;
	[tilespmem:$0x1B800] =	vst v63  }
0x84: {  	p1 =	sne.s32 s18, $0x7E00;
	s18 =	sadd.s32 $0x10490, s11;
	s20 =	sadd.s32 $0x10, s16  }
0x85: {  	[hbm4b:s20+s3] =	stream.linear.scatter [tilespmem:s18], [sflag:$0x6], $0x80, $0x38;
	[tilespmem:$0x1B800] =	vst v63  }
0x86: {  	s18 =	sadd.s32 $0x10520, s11;
	s20 =	sadd.s32 $0x20, s16  }
0x87: {  	[hbm4b:s20+s3] =	stream.linear.scatter [tilespmem:s18], [sflag:$0x6], $0x80, $0x38;
	[tilespmem:$0x1B800] =	vst v63  }
0x88: {  	s18 =	sadd.s32 $0x105B0, s11;
	s20 =	sadd.s32 $0x30, s16  }
0x89: {  	[hbm4b:s20+s3] =	stream.linear.scatter [tilespmem:s18], [sflag:$0x6], $0x80, $0x38;
	[tilespmem:$0x1B800] =	vst v63  }
0x8a: {  	s18 =	sadd.s32 $0x10640, s11;
	s20 =	sadd.s32 $0x40, s16  }
0x8b: {  	[hbm4b:s20+s3] =	stream.linear.scatter [tilespmem:s18], [sflag:$0x6], $0x80, $0x38;
	[tilespmem:$0x1B800] =	vst v63  }
.Ltmp1:
0x8c: {  	s18 =	sadd.s32 $0x106D0, s11;
	s20 =	sadd.s32 $0x50, s16;
	(pc) =	sbr.rel @p1 .LBB2_5-.Ltmp1, $4  }
0x8d: {  	[hbm4b:s20+s3] =	stream.linear.scatter [tilespmem:s18], [sflag:$0x6], $0x80, $0x38;
	[tilespmem:$0x1B800] =	vst v63  }
0x8e: {  	s18 =	sadd.s32 $0x10760, s11;
	s20 =	sadd.s32 $0x60, s16;
	s11 =	sadd.s32 $0x107F0, s11  }
0x8f: {  	[hbm4b:s20+s3] =	stream.linear.scatter [tilespmem:s18], [sflag:$0x6], $0x80, $0x38;
	[tilespmem:$0x1B800] =	vst v63  }
0x90: {  	s20 =	sadd.s32 $0x70, s16;
	s16 =	sadd.s32 $0x4000, s16;
	s18 =	smov.u32 s14  }
0x91: {  	[hbm4b:s20+s3] =	stream.linear.scatter [tilespmem:s11], [sflag:$0x6], $0x80, $0x38;
	[tilespmem:$0x1B800] =	vst v63  }
0x92: {  	s18 =	sadd.s32 $0x10400, s6  }
0x93: {  	[hbm4b:s16+s3] =	stream.linear.scatter [tilespmem:s18], [sflag:$0x6], $0x80, $0x38;
	[tilespmem:$0x1B800] =	vst v63  }
0x94: {  	s20 =	sadd.s32 $0x10490, s6;
	s14 =	sadd.s32 $0x10, s16  }
0x95: {  	[hbm4b:s14+s3] =	stream.linear.scatter [tilespmem:s20], [sflag:$0x6], $0x80, $0x38;
	[tilespmem:$0x1B800] =	vst v63  }
0x96: {  	s18 =	sadd.s32 $0x10520, s6;
	s20 =	sadd.s32 $0x20, s16  }
0x97: {  	[hbm4b:s20+s3] =	stream.linear.scatter [tilespmem:s18], [sflag:$0x6], $0x80, $0x38;
	[tilespmem:$0x1B800] =	vst v63  }
0x98: {  	s18 =	sadd.s32 $0x105B0, s6;
	s20 =	sadd.s32 $0x30, s16  }
0x99: {  	[hbm4b:s20+s3] =	stream.linear.scatter [tilespmem:s18], [sflag:$0x6], $0x80, $0x38;
	[tilespmem:$0x1B800] =	vst v63  }
0x9a: {  	s18 =	sadd.s32 $0x10640, s6;
	s20 =	sadd.s32 $0x40, s16  }
0x9b: {  	[hbm4b:s20+s3] =	stream.linear.scatter [tilespmem:s18], [sflag:$0x6], $0x80, $0x38;
	[tilespmem:$0x1B800] =	vst v63  }
0x9c: {  	s18 =	sadd.s32 $0x106D0, s6;
	s20 =	sadd.s32 $0x50, s16  }
0x9d: {  	[hbm4b:s20+s3] =	stream.linear.scatter [tilespmem:s18], [sflag:$0x6], $0x80, $0x38;
	[tilespmem:$0x1B800] =	vst v63  }
0x9e: {  	s14 =	smin.u32 s0, $0xC2;
	s18 =	sadd.s32 $0x10760, s6;
	s20 =	sadd.s32 $0x60, s16  }
0x9f: {  	[hbm4b:s20+s3] =	stream.linear.scatter [tilespmem:s18], [sflag:$0x6], $0x80, $0x38;
	[tilespmem:$0x1B800] =	vst v63  }
0xa0: {  	s18 =	sadd.s32 $0x107F0, s6;
	s20 =	sadd.s32 $0x70, s16;
	s6 =	sshll.u32 s14, $0x7  }
0xa1: {  	[hbm4b:s20+s3] =	stream.linear.scatter [tilespmem:s18], [sflag:$0x6], $0x80, $0x38;
	[tilespmem:$0x1B800] =	vst v63  }
0xa2: {  	s16 =	simm.s32 $0x6400;
	s6 =	sadd.s32 $0x280, s6  }
0xa3: {  	[tilespmem:s16], [sflag:$0x1] =	stream.indirect.gather [hbm4b:s5+s13], $0x40, s6, s13, $0xb8;
	[tilespmem:$0x1B800] =	vst v63  }
0xa4: {  	s6 =	simm.s32 @!p0 $0x7  }
0xa5: {  	_ =	swait.ge @!p0 [sflag:s6], $0x2000  }
0xa6: {  	[sflag:s6] =	ssyncset.done @!p0 $0x0  }
0xa7: {  	[sflag:s6] =	ssyncadd.s32 @!p0 $0xFFFFE000  }
0xa8: {  	s18 =	simm.s32 $0x3;
	_ =	swait.ge [sflag:s24], $0x2000  }
0xa9: {  	s20 =	simm.s32 $0x0;
	v4 =	vmov s18;
	[sflag:s24] =	ssyncset.done $0x0  }
0xaa: {  	s11 =	simm.s32 $0x1;
	s18 =	simm.s32 $0x8480;
	v5 =	vand.u32 $0x7F, v4;
	v4 =	vmov s20;
	[sflag:s24] =	ssyncadd.s32 $0xFFFFE000  }
0xab: {  	v8 =	vadd.s32 v0, v5;
	v6 =	vand.u32 $0x7C, v4;
	v4 =	vmov s11;
	v7 =	vld [tilespmem:s18+$0x40]  }
0xac: {  	v10 =	vadd.s32 v0, v6;
	v11 =	vand.u32 $0x7D, v4;
	v9 =	vld [tilespmem:s18+$0xFFFFFF80]  }
0xad: {  	s14 =	simm.s32 $0x2;
	v12 =	vadd.s32 v0, v11;
	v4 =	vld [tilespmem:s18+$0xFFFFFFC0]  }
0xae: {  	v13 =	vmov s14  }
0xaf: {  	v13 =	vand.u32 $0x7E, v13  }
0xb0: {  	v15 =	vadd.s32 v0, v13;
	v14 =	vld [tilespmem:s18+$0x0];
	[tilespmem:v8+s25+$0x0] =	vst.idx.msk $0xffff, v7  }
0xb1: {  	v8 =	vadd.s32 v1, v5;
	[tilespmem:v10+s25+$0x0] =	vst.idx.msk $0xffff, v9;
	v7 =	vld [tilespmem:s18+$0x50]  }
0xb2: {  	v10 =	vadd.s32 v1, v6;
	[tilespmem:v12+s25+$0x0] =	vst.idx.msk $0xffff, v4;
	v9 =	vld [tilespmem:s18+$0xFFFFFF90]  }
0xb3: {  	v12 =	vadd.s32 v1, v11;
	v4 =	vld [tilespmem:s18+$0xFFFFFFD0];
	_ =	sdelay $0x1  }
0xb4: {  	[tilespmem:v15+s25+$0x0] =	vst.idx.msk $0xffff, v14  }
0xb5: {  	v16 =	vadd.s32 v1, v13;
	v15 =	vld [tilespmem:s18+$0x10];
	[tilespmem:v8+s25+$0x0] =	vst.idx.msk $0xffff, v7  }
0xb6: {  	s16 =	simm.s32 $0x7;
	v14 =	vadd.s32 v2, v5;
	[tilespmem:v10+s25+$0x0] =	vst.idx.msk $0xffff, v9;
	v7 =	vld [tilespmem:s18+$0x60]  }
0xb7: {  	v10 =	vadd.s32 v2, v6;
	v8 =	vmov s16;
	[tilespmem:v12+s25+$0x0] =	vst.idx.msk $0xffff, v4;
	v9 =	vld [tilespmem:s18+$0xFFFFFFA0]  }
0xb8: {  	v17 =	vadd.s32 v2, v11;
	s16 =	simm.s32 $0x8580;
	v8 =	vand.u32 $0x7F, v8;
	v12 =	vld [tilespmem:s18+$0xFFFFFFE0]  }
0xb9: {  	s20 =	simm.s32 $0x4;
	v18 =	vld [tilespmem:s16+$0x40];
	v19 =	vadd.s32 v0, v8  }
0xba: {  	s14 =	simm.s32 $0x5;
	v4 =	vmov s20;
	[tilespmem:v16+s25+$0x0] =	vst.idx.msk $0xffff, v15  }
0xbb: {  	v22 =	vmov s14;
	v4 =	vand.u32 $0x7C, v4;
	[tilespmem:v14+s25+$0x0] =	vst.idx.msk $0xffff, v7  }
0xbc: {  	s20 =	simm.s32 $0x6;
	v20 =	vld [tilespmem:s16+$0xFFFFFF80];
	v21 =	vadd.s32 v0, v4;
	v7 =	vand.u32 $0x7D, v22;
	[tilespmem:v10+s25+$0x0] =	vst.idx.msk $0xffff, v9  }
0xbd: {  	v14 =	vmov s20;
	v9 =	vld [tilespmem:s16+$0xFFFFFFC0];
	[tilespmem:v17+s25+$0x0] =	vst.idx.msk $0xffff, v12;
	v10 =	vadd.s32 v0, v7  }
0xbe: {  	v16 =	vadd.s32 v3, v5;
	v12 =	vld [tilespmem:s18+$0x20];
	v5 =	vand.u32 $0x7E, v14;
	[tilespmem:v19+s25+$0x0] =	vst.idx.msk $0xffff, v18;
	v18 =	vadd.s32 v2, v13  }
0xbf: {  	v14 =	vld [tilespmem:s16+$0x0];
	v63 =	vadd.s32 v0, v5  }
0xc0: {  	v15 =	vld [tilespmem:s18+$0x70]  }
0xc1: {  	[tilespmem:v21+s25+$0x0] =	vst.idx.msk $0xffff, v20;
	v20 =	vadd.s32 v1, v8;
	v19 =	vld [tilespmem:s16+$0x50]  }
0xc2: {  	v23 =	vadd.s32 v1, v4;
	v21 =	vld [tilespmem:s16+$0xFFFFFF90];
	[tilespmem:v10+s25+$0x0] =	vst.idx.msk $0xffff, v9  }
0xc3: {  	v25 =	vadd.s32 v3, v11;
	v24 =	vld [tilespmem:s18+$0xFFFFFFF0];
	[tilespmem:v18+s25+$0x0] =	vst.idx.msk $0xffff, v12  }
0xc4: {  	v18 =	vadd.s32 v1, v7;
	v17 =	vld [tilespmem:s16+$0xFFFFFFD0];
	[tilespmem:v63+s25+$0x0] =	vst.idx.msk $0xffff, v14  }
0xc5: {  	[tilespmem:v16+s25+$0x0] =	vst.idx.msk $0xffff, v15;
	v16 =	vadd.s32 v1, v5;
	v15 =	vld [tilespmem:s16+$0x10]  }
0xc6: {  	[tilespmem:v20+s25+$0x0] =	vst.idx.msk $0xffff, v19;
	v11 =	vld [tilespmem:s18+$0x30];
	v14 =	vadd.s32 v3, v13  }
0xc7: {  	v12 =	vadd.s32 v2, v8;
	[tilespmem:v23+s25+$0x0] =	vst.idx.msk $0xffff, v21;
	v9 =	vld [tilespmem:s16+$0x60]  }
0xc8: {  	s11 =	simm.s32 $0xB;
	s6 =	simm.s32 $0xC;
	s20 =	simm.s32 $0x8;
	[tilespmem:v25+s25+$0x0] =	vst.idx.msk $0xffff, v24;
	v13 =	vadd.s32 v2, v4;
	v10 =	vld [tilespmem:s16+$0xFFFFFFA0]  }
.LBB2_7:
0xc9: {  	p1 =	slt.u32 s6, $0x7C;
	v19 =	vmov s11;
	[tilespmem:v18+s25+$0x0] =	vst.idx.msk $0xffff, v17;
	v17 =	vld [tilespmem:s18+$0xFFFFFFB0];
	v18 =	vadd.s32 v3, v6;
	v6 =	vmov v4;
	s18 =	smov.u32 s16  }
0xca: {  	v4 =	vmov s20;
	v21 =	vadd.s32 v2, v7;
	s16 =	sadd.s32 $0x100, s16;
	v19 =	vand.u32 $0x7F, v19;
	v20 =	vld [tilespmem:s18+$0xFFFFFFE0];
	[tilespmem:v16+s25+$0x0] =	vst.idx.msk $0xffff, v15  }
0xcb: {  	s11 =	sadd.s32 $0x1, s20;
	v4 =	vand.u32 $0x7C, v4;
	v15 =	vld [tilespmem:s16+$0x40];
	v16 =	vadd.s32 v0, v19;
	[tilespmem:v14+s25+$0x0] =	vst.idx.msk $0xffff, v11  }
0xcc: {  	v22 =	vmov s11;
	s11 =	sadd.s32 $0x2, s20;
	s20 =	smov.u32 s6;
	v14 =	vadd.s32 v0, v4;
	v11 =	vld [tilespmem:s16+$0xFFFFFF80];
	[tilespmem:v12+s25+$0x0] =	vst.idx.msk $0xffff, v9  }
0xcd: {  	v9 =	vand.u32 $0x7D, v22;
	v12 =	vmov s11;
	[tilespmem:v13+s25+$0x0] =	vst.idx.msk $0xffff, v10;
	v10 =	vld [tilespmem:s18+$0x70];
	v13 =	vadd.s32 v3, v8;
	v8 =	vmovc v19  }
0xce: {  	v22 =	vadd.s32 v0, v9;
	v12 =	vand.u32 $0x7E, v12;
	v19 =	vld [tilespmem:s16+$0xFFFFFFC0];
	[tilespmem:v18+s25+$0x0] =	vst.idx.msk $0xffff, v17  }
0xcf: {  	v24 =	vadd.s32 v0, v12;
	v23 =	vld [tilespmem:s16+$0x0];
	[tilespmem:v21+s25+$0x0] =	vst.idx.msk $0xffff, v20  }
0xd0: {  	v21 =	vadd.s32 v2, v5;
	[tilespmem:v16+s25+$0x0] =	vst.idx.msk $0xffff, v15;
	v20 =	vld [tilespmem:s18+$0x20]  }
0xd1: {  	[tilespmem:v14+s25+$0x0] =	vst.idx.msk $0xffff, v11;
	v11 =	vld [tilespmem:s16+$0x50];
	v14 =	vadd.s32 v1, v8  }
0xd2: {  	v26 =	vadd.s32 v1, v4;
	v25 =	vld [tilespmem:s16+$0xFFFFFF90];
	[tilespmem:v13+s25+$0x0] =	vst.idx.msk $0xffff, v10  }
0xd3: {  	[tilespmem:v22+s25+$0x0] =	vst.idx.msk $0xffff, v19;
	v19 =	vld [tilespmem:s18+$0xFFFFFFF0];
	v22 =	vadd.s32 v3, v7;
	v7 =	vmov v9  }
.Ltmp2:
0xd4: {  	v17 =	vld [tilespmem:s16+$0xFFFFFFD0];
	v18 =	vadd.s32 v1, v7;
	[tilespmem:v24+s25+$0x0] =	vst.idx.msk $0xffff, v23;
	(pc) =	sbr.rel @p1 .LBB2_7-.Ltmp2, $4  }
0xd5: {  	v16 =	vadd.s32 v1, v12;
	v15 =	vld [tilespmem:s16+$0x10];
	[tilespmem:v21+s25+$0x0] =	vst.idx.msk $0xffff, v20  }
0xd6: {  	[tilespmem:v14+s25+$0x0] =	vst.idx.msk $0xffff, v11;
	v11 =	vld [tilespmem:s18+$0x30];
	v14 =	vadd.s32 v3, v5;
	v5 =	vmov v12  }
0xd7: {  	v12 =	vadd.s32 v2, v8;
	[tilespmem:v26+s25+$0x0] =	vst.idx.msk $0xffff, v25;
	v9 =	vld [tilespmem:s16+$0x60]  }
0xd8: {  	s6 =	sadd.s32 $0x4, s6;
	s11 =	sadd.s32 $0x3, s20;
	v13 =	vadd.s32 v2, v4;
	v10 =	vld [tilespmem:s16+$0xFFFFFFA0];
	[tilespmem:v22+s25+$0x0] =	vst.idx.msk $0xffff, v19  }
0xd9: {  	_ =	sdelay $0x2  }
0xda: {  	v19 =	vmov s11  }
0xdb: {  	s14 =	sadd.s32 $0x1, s20;
	[tilespmem:v18+s25+$0x0] =	vst.idx.msk $0xffff, v17;
	v30 =	vld [tilespmem:s18+$0xFFFFFFB0];
	v6 =	vadd.s32 v3, v6;
	s6 =	sadd.s32 $0x100, s16;
	v21 =	vmov s20;
	v31 =	vand.u32 $0x7F, v19  }
0xdc: {  	v32 =	vmov s14;
	s14 =	sadd.s32 $0x2, s20;
	[tilespmem:v16+s25+$0x0] =	vst.idx.msk $0xffff, v15;
	v33 =	vld [tilespmem:s6+$0x40];
	v21 =	vand.u32 $0x7C, v21;
	v34 =	vadd.s32 v0, v31  }
0xdd: {  	v22 =	vld [tilespmem:s6+$0xFFFFFF80];
	v19 =	vand.u32 $0x7D, v32;
	v20 =	vmov s14;
	[tilespmem:v14+s25+$0x0] =	vst.idx.msk $0xffff, v11;
	v39 =	vadd.s32 v0, v21  }
0xde: {  	v35 =	vld [tilespmem:s6+$0xFFFFFFC0];
	v36 =	vadd.s32 v0, v19;
	v20 =	vand.u32 $0x7E, v20;
	[tilespmem:v12+s25+$0x0] =	vst.idx.msk $0xffff, v9  }
0xdf: {  	v37 =	vld [tilespmem:s6+$0x0];
	v38 =	vadd.s32 v0, v20;
	[tilespmem:v13+s25+$0x0] =	vst.idx.msk $0xffff, v10  }
0xe0: {  	v41 =	vadd.s32 v2, v7;
	v40 =	vld [tilespmem:s16+$0xFFFFFFE0];
	[tilespmem:v6+s25+$0x0] =	vst.idx.msk $0xffff, v30  }
0xe1: {  	v49 =	vadd.s32 v2, v5;
	v48 =	vld [tilespmem:s16+$0x20];
	[tilespmem:v34+s25+$0x0] =	vst.idx.msk $0xffff, v33  }
0xe2: {  	v43 =	vadd.s32 v1, v31;
	[tilespmem:v39+s25+$0x0] =	vst.idx.msk $0xffff, v22;
	v15 =	vld [tilespmem:s6+$0x50]  }
0xe3: {  	v47 =	vadd.s32 v1, v21;
	[tilespmem:v36+s25+$0x0] =	vst.idx.msk $0xffff, v35;
	v46 =	vld [tilespmem:s6+$0xFFFFFF90]  }
0xe4: {  	v44 =	vadd.s32 v1, v19;
	v11 =	vld [tilespmem:s6+$0xFFFFFFD0];
	[tilespmem:v38+s25+$0x0] =	vst.idx.msk $0xffff, v37  }
0xe5: {  	v45 =	vadd.s32 v1, v20;
	[tilespmem:v41+s25+$0x0] =	vst.idx.msk $0xffff, v40;
	v9 =	vld [tilespmem:s6+$0x10]  }
0xe6: {  	v8 =	vadd.s32 v3, v8;
	v42 =	vld [tilespmem:s16+$0x70];
	[tilespmem:v49+s25+$0x0] =	vst.idx.msk $0xffff, v48  }
0xe7: {  	v5 =	vadd.s32 v3, v5;
	v13 =	vld [tilespmem:s16+$0x30];
	[tilespmem:v43+s25+$0x0] =	vst.idx.msk $0xffff, v15  }
0xe8: {  	v52 =	vadd.s32 v2, v31;
	[tilespmem:v47+s25+$0x0] =	vst.idx.msk $0xffff, v46;
	v15 =	vld [tilespmem:s6+$0x60]  }
0xe9: {  	v57 =	vadd.s32 v2, v21;
	[tilespmem:v44+s25+$0x0] =	vst.idx.msk $0xffff, v11;
	v56 =	vld [tilespmem:s6+$0xFFFFFFA0]  }
0xea: {  	v53 =	vadd.s32 v2, v19;
	v11 =	vld [tilespmem:s6+$0xFFFFFFE0];
	[tilespmem:v45+s25+$0x0] =	vst.idx.msk $0xffff, v9  }
0xeb: {  	v55 =	vadd.s32 v2, v20;
	[tilespmem:v8+s25+$0x0] =	vst.idx.msk $0xffff, v42;
	v54 =	vld [tilespmem:s6+$0x20]  }
0xec: {  	v4 =	vadd.s32 v3, v4;
	v58 =	vld [tilespmem:s16+$0xFFFFFFB0];
	[tilespmem:v5+s25+$0x0] =	vst.idx.msk $0xffff, v13  }
0xed: {  	v51 =	vadd.s32 v3, v7;
	v50 =	vld [tilespmem:s16+$0xFFFFFFF0];
	[tilespmem:v52+s25+$0x0] =	vst.idx.msk $0xffff, v15  }
0xee: {  	v60 =	vadd.s32 v3, v31;
	[tilespmem:v57+s25+$0x0] =	vst.idx.msk $0xffff, v56;
	v59 =	vld [tilespmem:s6+$0x70]  }
0xef: {  	v63 =	vadd.s32 v3, v21;
	[tilespmem:v53+s25+$0x0] =	vst.idx.msk $0xffff, v11;
	v5 =	vld [tilespmem:s6+$0xFFFFFFB0]  }
0xf0: {  	v61 =	vadd.s32 v3, v19;
	v11 =	vld [tilespmem:s6+$0xFFFFFFF0];
	[tilespmem:v55+s25+$0x0] =	vst.idx.msk $0xffff, v54  }
0xf1: {  	v62 =	vadd.s32 v3, v20;
	[tilespmem:v4+s25+$0x0] =	vst.idx.msk $0xffff, v58;
	v6 =	vld [tilespmem:s6+$0x30]  }
0xf2: {  	s18 =	sadd.s32 s0, s7;
	[tilespmem:v51+s25+$0x0] =	vst.idx.msk $0xffff, v50  }
0xf3: {  	s20 =	sshll.u32 s18, $0x7;
	[tilespmem:v60+s25+$0x0] =	vst.idx.msk $0xffff, v59  }
0xf4: {  	s11 =	sand.u32 $0x3F80, s20;
	s6 =	sshll.u32 s18, $0xA;
	[tilespmem:v63+s25+$0x0] =	vst.idx.msk $0xffff, v5  }
0xf5: {  	s11 =	sadd.s32 s2, s11;
	s6 =	sand.u32 $0xFFE0000, s6;
	[tilespmem:v61+s25+$0x0] =	vst.idx.msk $0xffff, v11  }
0xf6: {  	s14 =	sadd.s32 s6, s11;
	s11 =	simm.s32 $0x12800;
	[tilespmem:v62+s25+$0x0] =	vst.idx.msk $0xffff, v6  }
0xf7: {  	[hbm4b:s14+s3] =	stream.linear.scatter [tilespmem:s11], [sflag:$0x7], $0x80, $0x38;
	[tilespmem:$0x1B800] =	vst v63  }
0xf8: {  	s16 =	simm.s32 $0x12890;
	s11 =	sadd.s32 $0x10, s14  }
0xf9: {  	[hbm4b:s11+s3] =	stream.linear.scatter [tilespmem:s16], [sflag:$0x7], $0x80, $0x38;
	[tilespmem:$0x1B800] =	vst v63  }
0xfa: {  	s18 =	simm.s32 $0x12920;
	s20 =	sadd.s32 $0x20, s14  }
0xfb: {  	[hbm4b:s20+s3] =	stream.linear.scatter [tilespmem:s18], [sflag:$0x7], $0x80, $0x38;
	[tilespmem:$0x1B800] =	vst v63  }
0xfc: {  	s11 =	simm.s32 $0x129B0;
	s16 =	sadd.s32 $0x30, s14  }
0xfd: {  	[hbm4b:s16+s3] =	stream.linear.scatter [tilespmem:s11], [sflag:$0x7], $0x80, $0x38;
	[tilespmem:$0x1B800] =	vst v63  }
0xfe: {  	s18 =	simm.s32 $0x12A40;
	s20 =	sadd.s32 $0x40, s14  }
0xff: {  	[hbm4b:s20+s3] =	stream.linear.scatter [tilespmem:s18], [sflag:$0x7], $0x80, $0x38;
	[tilespmem:$0x1B800] =	vst v63  }
0x100: {  	s6 =	simm.s32 $0x480;
	s11 =	simm.s32 $0x12AD0;
	s16 =	sadd.s32 $0x50, s14  }
0x101: {  	[hbm4b:s16+s3] =	stream.linear.scatter [tilespmem:s11], [sflag:$0x7], $0x80, $0x38;
	[tilespmem:$0x1B800] =	vst v63  }
0x102: {  	s18 =	simm.s32 $0x12B60;
	s20 =	sadd.s32 $0x60, s14;
	s11 =	simm.s32 $0x12BF0  }
0x103: {  	[hbm4b:s20+s3] =	stream.linear.scatter [tilespmem:s18], [sflag:$0x7], $0x80, $0x38;
	[tilespmem:$0x1B800] =	vst v63  }
0x104: {  	s16 =	sadd.s32 $0x4000, s14;
	s18 =	simm.s32 $0x2400;
	s20 =	sadd.s32 $0x70, s14  }
.LBB2_9:
0x105: {  	[hbm4b:s20+s3] =	stream.linear.scatter [tilespmem:s11], [sflag:$0x7], $0x80, $0x38;
	[tilespmem:$0x1B800] =	vst v63  }
0x106: {  	s11 =	smov.u32 s6;
	s6 =	smov.u32 s18  }
0x107: {  	s14 =	sadd.s32 $0x1200, s18;
	s6 =	sshra.s32 s6, $0x2;
	s20 =	sadd.s32 $0x12800, s11  }
0x108: {  	[hbm4b:s16+s3] =	stream.linear.scatter [tilespmem:s20], [sflag:$0x7], $0x80, $0x38;
	[tilespmem:$0x1B800] =	vst v63  }
0x109: {  	p1 =	sne.s32 s18, $0x7E00;
	s18 =	sadd.s32 $0x12890, s11;
	s20 =	sadd.s32 $0x10, s16  }
0x10a: {  	[hbm4b:s20+s3] =	stream.linear.scatter [tilespmem:s18], [sflag:$0x7], $0x80, $0x38;
	[tilespmem:$0x1B800] =	vst v63  }
0x10b: {  	s18 =	sadd.s32 $0x12920, s11;
	s20 =	sadd.s32 $0x20, s16  }
0x10c: {  	[hbm4b:s20+s3] =	stream.linear.scatter [tilespmem:s18], [sflag:$0x7], $0x80, $0x38;
	[tilespmem:$0x1B800] =	vst v63  }
0x10d: {  	s18 =	sadd.s32 $0x129B0, s11;
	s20 =	sadd.s32 $0x30, s16  }
0x10e: {  	[hbm4b:s20+s3] =	stream.linear.scatter [tilespmem:s18], [sflag:$0x7], $0x80, $0x38;
	[tilespmem:$0x1B800] =	vst v63  }
0x10f: {  	s18 =	sadd.s32 $0x12A40, s11;
	s20 =	sadd.s32 $0x40, s16  }
0x110: {  	[hbm4b:s20+s3] =	stream.linear.scatter [tilespmem:s18], [sflag:$0x7], $0x80, $0x38;
	[tilespmem:$0x1B800] =	vst v63  }
.Ltmp3:
0x111: {  	s18 =	sadd.s32 $0x12AD0, s11;
	s20 =	sadd.s32 $0x50, s16;
	(pc) =	sbr.rel @p1 .LBB2_9-.Ltmp3, $4  }
0x112: {  	[hbm4b:s20+s3] =	stream.linear.scatter [tilespmem:s18], [sflag:$0x7], $0x80, $0x38;
	[tilespmem:$0x1B800] =	vst v63  }
0x113: {  	s18 =	sadd.s32 $0x12B60, s11;
	s20 =	sadd.s32 $0x60, s16;
	s11 =	sadd.s32 $0x12BF0, s11  }
0x114: {  	[hbm4b:s20+s3] =	stream.linear.scatter [tilespmem:s18], [sflag:$0x7], $0x80, $0x38;
	[tilespmem:$0x1B800] =	vst v63  }
0x115: {  	s20 =	sadd.s32 $0x70, s16;
	s16 =	sadd.s32 $0x4000, s16;
	s18 =	smov.u32 s14  }
0x116: {  	[hbm4b:s20+s3] =	stream.linear.scatter [tilespmem:s11], [sflag:$0x7], $0x80, $0x38;
	[tilespmem:$0x1B800] =	vst v63  }
0x117: {  	s18 =	sadd.s32 $0x12800, s6  }
0x118: {  	[hbm4b:s16+s3] =	stream.linear.scatter [tilespmem:s18], [sflag:$0x7], $0x80, $0x38;
	[tilespmem:$0x1B800] =	vst v63  }
0x119: {  	s20 =	sadd.s32 $0x12890, s6;
	s14 =	sadd.s32 $0x10, s16  }
0x11a: {  	[hbm4b:s14+s3] =	stream.linear.scatter [tilespmem:s20], [sflag:$0x7], $0x80, $0x38;
	[tilespmem:$0x1B800] =	vst v63  }
0x11b: {  	s18 =	sadd.s32 $0x12920, s6;
	s20 =	sadd.s32 $0x20, s16  }
0x11c: {  	[hbm4b:s20+s3] =	stream.linear.scatter [tilespmem:s18], [sflag:$0x7], $0x80, $0x38;
	[tilespmem:$0x1B800] =	vst v63  }
0x11d: {  	s18 =	sadd.s32 $0x129B0, s6;
	s20 =	sadd.s32 $0x30, s16  }
0x11e: {  	[hbm4b:s20+s3] =	stream.linear.scatter [tilespmem:s18], [sflag:$0x7], $0x80, $0x38;
	[tilespmem:$0x1B800] =	vst v63  }
0x11f: {  	s18 =	sadd.s32 $0x12A40, s6;
	s20 =	sadd.s32 $0x40, s16  }
0x120: {  	[hbm4b:s20+s3] =	stream.linear.scatter [tilespmem:s18], [sflag:$0x7], $0x80, $0x38;
	[tilespmem:$0x1B800] =	vst v63  }
0x121: {  	s14 =	sadd.s32 $0x70, s16;
	s18 =	sadd.s32 $0x12AD0, s6;
	s20 =	sadd.s32 $0x50, s16  }
0x122: {  	[hbm4b:s20+s3] =	stream.linear.scatter [tilespmem:s18], [sflag:$0x7], $0x80, $0x38;
	[tilespmem:$0x1B800] =	vst v63  }
0x123: {  	s18 =	sadd.s32 $0x12B60, s6;
	s20 =	sadd.s32 $0x60, s16;
	s16 =	smin.u32 s0, $0xC1  }
0x124: {  	[hbm4b:s20+s3] =	stream.linear.scatter [tilespmem:s18], [sflag:$0x7], $0x80, $0x38;
	[tilespmem:$0x1B800] =	vst v63  }
0x125: {  	s11 =	sadd.s32 $0x12BF0, s6;
	s6 =	sshll.u32 s16, $0x7  }
0x126: {  	[hbm4b:s14+s3] =	stream.linear.scatter [tilespmem:s11], [sflag:$0x7], $0x80, $0x38;
	[tilespmem:$0x1B800] =	vst v63  }
0x127: {  	s6 =	sadd.s32 $0x300, s6  }
0x128: {  	[tilespmem:s15], [sflag:$0x2] =	stream.indirect.gather [hbm4b:s5+s13], $0x40, s6, s13, $0xb8;
	[tilespmem:$0x1B800] =	vst v63  }
0x129: {  	s6 =	simm.s32 @!p0 $0x8  }
0x12a: {  	_ =	swait.ge @!p0 [sflag:s6], $0x2000  }
0x12b: {  	[sflag:s6] =	ssyncset.done @!p0 $0x0  }
0x12c: {  	[sflag:s6] =	ssyncadd.s32 @!p0 $0xFFFFE000  }
0x12d: {  	s18 =	simm.s32 $0x3;
	_ =	swait.ge [sflag:s26], $0x2000  }
0x12e: {  	s20 =	simm.s32 $0x0;
	v4 =	vmov s18;
	[sflag:s26] =	ssyncset.done $0x0  }
0x12f: {  	s18 =	simm.s32 $0xA480;
	v5 =	vand.u32 $0x7F, v4;
	v4 =	vmov s20;
	s11 =	simm.s32 $0x1;
	[sflag:s26] =	ssyncadd.s32 $0xFFFFE000  }
0x130: {  	v8 =	vadd.s32 v0, v5;
	v6 =	vand.u32 $0x7C, v4;
	v4 =	vmov s11;
	v7 =	vld [tilespmem:s18+$0x40]  }
0x131: {  	v10 =	vadd.s32 v0, v6;
	v11 =	vand.u32 $0x7D, v4;
	v9 =	vld [tilespmem:s18+$0xFFFFFF80]  }
0x132: {  	s14 =	simm.s32 $0x2;
	v12 =	vadd.s32 v0, v11;
	v4 =	vld [tilespmem:s18+$0xFFFFFFC0]  }
0x133: {  	v13 =	vmov s14  }
0x134: {  	v13 =	vand.u32 $0x7E, v13  }
0x135: {  	v15 =	vadd.s32 v0, v13;
	v14 =	vld [tilespmem:s18+$0x0];
	[tilespmem:v8+s28+$0x0] =	vst.idx.msk $0xffff, v7  }
0x136: {  	v8 =	vadd.s32 v1, v5;
	[tilespmem:v10+s28+$0x0] =	vst.idx.msk $0xffff, v9;
	v7 =	vld [tilespmem:s18+$0x50]  }
0x137: {  	v10 =	vadd.s32 v1, v6;
	[tilespmem:v12+s28+$0x0] =	vst.idx.msk $0xffff, v4;
	v9 =	vld [tilespmem:s18+$0xFFFFFF90]  }
0x138: {  	v12 =	vadd.s32 v1, v11;
	v4 =	vld [tilespmem:s18+$0xFFFFFFD0];
	_ =	sdelay $0x1  }
0x139: {  	[tilespmem:v15+s28+$0x0] =	vst.idx.msk $0xffff, v14  }
0x13a: {  	v16 =	vadd.s32 v1, v13;
	v15 =	vld [tilespmem:s18+$0x10];
	[tilespmem:v8+s28+$0x0] =	vst.idx.msk $0xffff, v7  }
0x13b: {  	s16 =	simm.s32 $0x7;
	v14 =	vadd.s32 v2, v5;
	[tilespmem:v10+s28+$0x0] =	vst.idx.msk $0xffff, v9;
	v7 =	vld [tilespmem:s18+$0x60]  }
0x13c: {  	v10 =	vadd.s32 v2, v6;
	v8 =	vmov s16;
	[tilespmem:v12+s28+$0x0] =	vst.idx.msk $0xffff, v4;
	v9 =	vld [tilespmem:s18+$0xFFFFFFA0]  }
0x13d: {  	v17 =	vadd.s32 v2, v11;
	s16 =	simm.s32 $0xA580;
	v8 =	vand.u32 $0x7F, v8;
	v12 =	vld [tilespmem:s18+$0xFFFFFFE0]  }
0x13e: {  	s20 =	simm.s32 $0x4;
	v18 =	vld [tilespmem:s16+$0x40];
	v19 =	vadd.s32 v0, v8  }
0x13f: {  	s14 =	simm.s32 $0x5;
	v4 =	vmov s20;
	[tilespmem:v16+s28+$0x0] =	vst.idx.msk $0xffff, v15  }
0x140: {  	v22 =	vmov s14;
	v4 =	vand.u32 $0x7C, v4;
	[tilespmem:v14+s28+$0x0] =	vst.idx.msk $0xffff, v7  }
0x141: {  	s20 =	simm.s32 $0x6;
	v20 =	vld [tilespmem:s16+$0xFFFFFF80];
	v21 =	vadd.s32 v0, v4;
	v7 =	vand.u32 $0x7D, v22;
	[tilespmem:v10+s28+$0x0] =	vst.idx.msk $0xffff, v9  }
0x142: {  	v14 =	vmov s20;
	v9 =	vld [tilespmem:s16+$0xFFFFFFC0];
	[tilespmem:v17+s28+$0x0] =	vst.idx.msk $0xffff, v12;
	v10 =	vadd.s32 v0, v7  }
0x143: {  	v16 =	vadd.s32 v3, v5;
	v12 =	vld [tilespmem:s18+$0x20];
	v5 =	vand.u32 $0x7E, v14;
	[tilespmem:v19+s28+$0x0] =	vst.idx.msk $0xffff, v18;
	v18 =	vadd.s32 v2, v13  }
0x144: {  	v14 =	vld [tilespmem:s16+$0x0];
	v63 =	vadd.s32 v0, v5  }
0x145: {  	v15 =	vld [tilespmem:s18+$0x70]  }
0x146: {  	[tilespmem:v21+s28+$0x0] =	vst.idx.msk $0xffff, v20;
	v20 =	vadd.s32 v1, v8;
	v19 =	vld [tilespmem:s16+$0x50]  }
0x147: {  	v23 =	vadd.s32 v1, v4;
	v21 =	vld [tilespmem:s16+$0xFFFFFF90];
	[tilespmem:v10+s28+$0x0] =	vst.idx.msk $0xffff, v9  }
0x148: {  	v25 =	vadd.s32 v3, v11;
	v24 =	vld [tilespmem:s18+$0xFFFFFFF0];
	[tilespmem:v18+s28+$0x0] =	vst.idx.msk $0xffff, v12  }
0x149: {  	v18 =	vadd.s32 v1, v7;
	v17 =	vld [tilespmem:s16+$0xFFFFFFD0];
	[tilespmem:v63+s28+$0x0] =	vst.idx.msk $0xffff, v14  }
0x14a: {  	[tilespmem:v16+s28+$0x0] =	vst.idx.msk $0xffff, v15;
	v16 =	vadd.s32 v1, v5;
	v15 =	vld [tilespmem:s16+$0x10]  }
0x14b: {  	[tilespmem:v20+s28+$0x0] =	vst.idx.msk $0xffff, v19;
	v11 =	vld [tilespmem:s18+$0x30];
	v14 =	vadd.s32 v3, v13  }
0x14c: {  	v12 =	vadd.s32 v2, v8;
	[tilespmem:v23+s28+$0x0] =	vst.idx.msk $0xffff, v21;
	v9 =	vld [tilespmem:s16+$0x60]  }
0x14d: {  	s11 =	simm.s32 $0xB;
	s6 =	simm.s32 $0xC;
	s20 =	simm.s32 $0x8;
	[tilespmem:v25+s28+$0x0] =	vst.idx.msk $0xffff, v24;
	v13 =	vadd.s32 v2, v4;
	v10 =	vld [tilespmem:s16+$0xFFFFFFA0]  }
.LBB2_11:
0x14e: {  	p1 =	slt.u32 s6, $0x7C;
	v19 =	vmov s11;
	[tilespmem:v18+s28+$0x0] =	vst.idx.msk $0xffff, v17;
	v17 =	vld [tilespmem:s18+$0xFFFFFFB0];
	v18 =	vadd.s32 v3, v6;
	v6 =	vmov v4;
	s18 =	smov.u32 s16  }
0x14f: {  	v4 =	vmov s20;
	v21 =	vadd.s32 v2, v7;
	s16 =	sadd.s32 $0x100, s16;
	v19 =	vand.u32 $0x7F, v19;
	v20 =	vld [tilespmem:s18+$0xFFFFFFE0];
	[tilespmem:v16+s28+$0x0] =	vst.idx.msk $0xffff, v15  }
0x150: {  	s11 =	sadd.s32 $0x1, s20;
	v4 =	vand.u32 $0x7C, v4;
	v15 =	vld [tilespmem:s16+$0x40];
	v16 =	vadd.s32 v0, v19;
	[tilespmem:v14+s28+$0x0] =	vst.idx.msk $0xffff, v11  }
0x151: {  	v22 =	vmov s11;
	s11 =	sadd.s32 $0x2, s20;
	s20 =	smov.u32 s6;
	v14 =	vadd.s32 v0, v4;
	v11 =	vld [tilespmem:s16+$0xFFFFFF80];
	[tilespmem:v12+s28+$0x0] =	vst.idx.msk $0xffff, v9  }
0x152: {  	v9 =	vand.u32 $0x7D, v22;
	v12 =	vmov s11;
	[tilespmem:v13+s28+$0x0] =	vst.idx.msk $0xffff, v10;
	v10 =	vld [tilespmem:s18+$0x70];
	v13 =	vadd.s32 v3, v8;
	v8 =	vmovc v19  }
0x153: {  	v22 =	vadd.s32 v0, v9;
	v12 =	vand.u32 $0x7E, v12;
	v19 =	vld [tilespmem:s16+$0xFFFFFFC0];
	[tilespmem:v18+s28+$0x0] =	vst.idx.msk $0xffff, v17  }
0x154: {  	v24 =	vadd.s32 v0, v12;
	v23 =	vld [tilespmem:s16+$0x0];
	[tilespmem:v21+s28+$0x0] =	vst.idx.msk $0xffff, v20  }
0x155: {  	v21 =	vadd.s32 v2, v5;
	[tilespmem:v16+s28+$0x0] =	vst.idx.msk $0xffff, v15;
	v20 =	vld [tilespmem:s18+$0x20]  }
0x156: {  	[tilespmem:v14+s28+$0x0] =	vst.idx.msk $0xffff, v11;
	v11 =	vld [tilespmem:s16+$0x50];
	v14 =	vadd.s32 v1, v8  }
0x157: {  	v26 =	vadd.s32 v1, v4;
	v25 =	vld [tilespmem:s16+$0xFFFFFF90];
	[tilespmem:v13+s28+$0x0] =	vst.idx.msk $0xffff, v10  }
0x158: {  	[tilespmem:v22+s28+$0x0] =	vst.idx.msk $0xffff, v19;
	v19 =	vld [tilespmem:s18+$0xFFFFFFF0];
	v22 =	vadd.s32 v3, v7;
	v7 =	vmov v9  }
.Ltmp4:
0x159: {  	v17 =	vld [tilespmem:s16+$0xFFFFFFD0];
	v18 =	vadd.s32 v1, v7;
	[tilespmem:v24+s28+$0x0] =	vst.idx.msk $0xffff, v23;
	(pc) =	sbr.rel @p1 .LBB2_11-.Ltmp4, $4  }
0x15a: {  	v16 =	vadd.s32 v1, v12;
	v15 =	vld [tilespmem:s16+$0x10];
	[tilespmem:v21+s28+$0x0] =	vst.idx.msk $0xffff, v20  }
0x15b: {  	[tilespmem:v14+s28+$0x0] =	vst.idx.msk $0xffff, v11;
	v11 =	vld [tilespmem:s18+$0x30];
	v14 =	vadd.s32 v3, v5;
	v5 =	vmov v12  }
0x15c: {  	v12 =	vadd.s32 v2, v8;
	[tilespmem:v26+s28+$0x0] =	vst.idx.msk $0xffff, v25;
	v9 =	vld [tilespmem:s16+$0x60]  }
0x15d: {  	s6 =	sadd.s32 $0x4, s6;
	s11 =	sadd.s32 $0x3, s20;
	v13 =	vadd.s32 v2, v4;
	v10 =	vld [tilespmem:s16+$0xFFFFFFA0];
	[tilespmem:v22+s28+$0x0] =	vst.idx.msk $0xffff, v19  }
0x15e: {  	_ =	sdelay $0x2  }
0x15f: {  	v19 =	vmov s11  }
0x160: {  	s14 =	sadd.s32 $0x1, s20;
	[tilespmem:v18+s28+$0x0] =	vst.idx.msk $0xffff, v17;
	v30 =	vld [tilespmem:s18+$0xFFFFFFB0];
	v6 =	vadd.s32 v3, v6;
	s6 =	sadd.s32 $0x100, s16;
	v21 =	vmov s20;
	v31 =	vand.u32 $0x7F, v19  }
0x161: {  	v32 =	vmov s14;
	s14 =	sadd.s32 $0x2, s20;
	[tilespmem:v16+s28+$0x0] =	vst.idx.msk $0xffff, v15;
	v33 =	vld [tilespmem:s6+$0x40];
	v21 =	vand.u32 $0x7C, v21;
	v34 =	vadd.s32 v0, v31  }
0x162: {  	v22 =	vld [tilespmem:s6+$0xFFFFFF80];
	v19 =	vand.u32 $0x7D, v32;
	v20 =	vmov s14;
	[tilespmem:v14+s28+$0x0] =	vst.idx.msk $0xffff, v11;
	v39 =	vadd.s32 v0, v21  }
0x163: {  	v35 =	vld [tilespmem:s6+$0xFFFFFFC0];
	v36 =	vadd.s32 v0, v19;
	v20 =	vand.u32 $0x7E, v20;
	[tilespmem:v12+s28+$0x0] =	vst.idx.msk $0xffff, v9  }
0x164: {  	v37 =	vld [tilespmem:s6+$0x0];
	v38 =	vadd.s32 v0, v20;
	[tilespmem:v13+s28+$0x0] =	vst.idx.msk $0xffff, v10  }
0x165: {  	v41 =	vadd.s32 v2, v7;
	v40 =	vld [tilespmem:s16+$0xFFFFFFE0];
	[tilespmem:v6+s28+$0x0] =	vst.idx.msk $0xffff, v30  }
0x166: {  	v49 =	vadd.s32 v2, v5;
	v48 =	vld [tilespmem:s16+$0x20];
	[tilespmem:v34+s28+$0x0] =	vst.idx.msk $0xffff, v33  }
0x167: {  	v43 =	vadd.s32 v1, v31;
	[tilespmem:v39+s28+$0x0] =	vst.idx.msk $0xffff, v22;
	v15 =	vld [tilespmem:s6+$0x50]  }
0x168: {  	v47 =	vadd.s32 v1, v21;
	[tilespmem:v36+s28+$0x0] =	vst.idx.msk $0xffff, v35;
	v46 =	vld [tilespmem:s6+$0xFFFFFF90]  }
0x169: {  	v44 =	vadd.s32 v1, v19;
	v11 =	vld [tilespmem:s6+$0xFFFFFFD0];
	[tilespmem:v38+s28+$0x0] =	vst.idx.msk $0xffff, v37  }
0x16a: {  	v45 =	vadd.s32 v1, v20;
	[tilespmem:v41+s28+$0x0] =	vst.idx.msk $0xffff, v40;
	v9 =	vld [tilespmem:s6+$0x10]  }
0x16b: {  	v8 =	vadd.s32 v3, v8;
	v42 =	vld [tilespmem:s16+$0x70];
	[tilespmem:v49+s28+$0x0] =	vst.idx.msk $0xffff, v48  }
0x16c: {  	v5 =	vadd.s32 v3, v5;
	v13 =	vld [tilespmem:s16+$0x30];
	[tilespmem:v43+s28+$0x0] =	vst.idx.msk $0xffff, v15  }
0x16d: {  	v52 =	vadd.s32 v2, v31;
	[tilespmem:v47+s28+$0x0] =	vst.idx.msk $0xffff, v46;
	v15 =	vld [tilespmem:s6+$0x60]  }
0x16e: {  	v57 =	vadd.s32 v2, v21;
	[tilespmem:v44+s28+$0x0] =	vst.idx.msk $0xffff, v11;
	v56 =	vld [tilespmem:s6+$0xFFFFFFA0]  }
0x16f: {  	v53 =	vadd.s32 v2, v19;
	v11 =	vld [tilespmem:s6+$0xFFFFFFE0];
	[tilespmem:v45+s28+$0x0] =	vst.idx.msk $0xffff, v9  }
0x170: {  	v55 =	vadd.s32 v2, v20;
	[tilespmem:v8+s28+$0x0] =	vst.idx.msk $0xffff, v42;
	v54 =	vld [tilespmem:s6+$0x20]  }
0x171: {  	v4 =	vadd.s32 v3, v4;
	v58 =	vld [tilespmem:s16+$0xFFFFFFB0];
	[tilespmem:v5+s28+$0x0] =	vst.idx.msk $0xffff, v13  }
0x172: {  	v51 =	vadd.s32 v3, v7;
	v50 =	vld [tilespmem:s16+$0xFFFFFFF0];
	[tilespmem:v52+s28+$0x0] =	vst.idx.msk $0xffff, v15  }
0x173: {  	v60 =	vadd.s32 v3, v31;
	[tilespmem:v57+s28+$0x0] =	vst.idx.msk $0xffff, v56;
	v59 =	vld [tilespmem:s6+$0x70]  }
0x174: {  	v63 =	vadd.s32 v3, v21;
	[tilespmem:v53+s28+$0x0] =	vst.idx.msk $0xffff, v11;
	v5 =	vld [tilespmem:s6+$0xFFFFFFB0]  }
0x175: {  	v61 =	vadd.s32 v3, v19;
	v11 =	vld [tilespmem:s6+$0xFFFFFFF0];
	[tilespmem:v55+s28+$0x0] =	vst.idx.msk $0xffff, v54  }
0x176: {  	v62 =	vadd.s32 v3, v20;
	[tilespmem:v4+s28+$0x0] =	vst.idx.msk $0xffff, v58;
	v6 =	vld [tilespmem:s6+$0x30]  }
0x177: {  	s18 =	sadd.s32 s0, s8;
	[tilespmem:v51+s28+$0x0] =	vst.idx.msk $0xffff, v50  }
0x178: {  	s20 =	sshll.u32 s18, $0x7;
	[tilespmem:v60+s28+$0x0] =	vst.idx.msk $0xffff, v59  }
0x179: {  	s11 =	sand.u32 $0x3F80, s20;
	s6 =	sshll.u32 s18, $0xA;
	[tilespmem:v63+s28+$0x0] =	vst.idx.msk $0xffff, v5  }
0x17a: {  	s11 =	sadd.s32 s2, s11;
	s6 =	sand.u32 $0xFFE0000, s6;
	[tilespmem:v61+s28+$0x0] =	vst.idx.msk $0xffff, v11  }
0x17b: {  	s14 =	sadd.s32 s6, s11;
	s11 =	simm.s32 $0x14C00;
	[tilespmem:v62+s28+$0x0] =	vst.idx.msk $0xffff, v6  }
0x17c: {  	[hbm4b:s14+s3] =	stream.linear.scatter [tilespmem:s11], [sflag:$0x8], $0x80, $0x38;
	[tilespmem:$0x1B800] =	vst v63  }
0x17d: {  	s16 =	simm.s32 $0x14C90;
	s11 =	sadd.s32 $0x10, s14  }
0x17e: {  	[hbm4b:s11+s3] =	stream.linear.scatter [tilespmem:s16], [sflag:$0x8], $0x80, $0x38;
	[tilespmem:$0x1B800] =	vst v63  }
0x17f: {  	s18 =	simm.s32 $0x14D20;
	s20 =	sadd.s32 $0x20, s14  }
0x180: {  	[hbm4b:s20+s3] =	stream.linear.scatter [tilespmem:s18], [sflag:$0x8], $0x80, $0x38;
	[tilespmem:$0x1B800] =	vst v63  }
0x181: {  	s11 =	simm.s32 $0x14DB0;
	s16 =	sadd.s32 $0x30, s14  }
0x182: {  	[hbm4b:s16+s3] =	stream.linear.scatter [tilespmem:s11], [sflag:$0x8], $0x80, $0x38;
	[tilespmem:$0x1B800] =	vst v63  }
0x183: {  	s18 =	simm.s32 $0x14E40;
	s20 =	sadd.s32 $0x40, s14  }
0x184: {  	[hbm4b:s20+s3] =	stream.linear.scatter [tilespmem:s18], [sflag:$0x8], $0x80, $0x38;
	[tilespmem:$0x1B800] =	vst v63  }
0x185: {  	s6 =	simm.s32 $0x480;
	s11 =	simm.s32 $0x14ED0;
	s16 =	sadd.s32 $0x50, s14  }
0x186: {  	[hbm4b:s16+s3] =	stream.linear.scatter [tilespmem:s11], [sflag:$0x8], $0x80, $0x38;
	[tilespmem:$0x1B800] =	vst v63  }
0x187: {  	s18 =	simm.s32 $0x14F60;
	s20 =	sadd.s32 $0x60, s14;
	s11 =	simm.s32 $0x14FF0  }
0x188: {  	[hbm4b:s20+s3] =	stream.linear.scatter [tilespmem:s18], [sflag:$0x8], $0x80, $0x38;
	[tilespmem:$0x1B800] =	vst v63  }
0x189: {  	s16 =	sadd.s32 $0x4000, s14;
	s18 =	simm.s32 $0x2400;
	s20 =	sadd.s32 $0x70, s14  }
.LBB2_13:
0x18a: {  	[hbm4b:s20+s3] =	stream.linear.scatter [tilespmem:s11], [sflag:$0x8], $0x80, $0x38;
	[tilespmem:$0x1B800] =	vst v63  }
0x18b: {  	s11 =	smov.u32 s6;
	s6 =	smov.u32 s18  }
0x18c: {  	s14 =	sadd.s32 $0x1200, s18;
	s6 =	sshra.s32 s6, $0x2;
	s20 =	sadd.s32 $0x14C00, s11  }
0x18d: {  	[hbm4b:s16+s3] =	stream.linear.scatter [tilespmem:s20], [sflag:$0x8], $0x80, $0x38;
	[tilespmem:$0x1B800] =	vst v63  }
0x18e: {  	p1 =	sne.s32 s18, $0x7E00;
	s18 =	sadd.s32 $0x14C90, s11;
	s20 =	sadd.s32 $0x10, s16  }
0x18f: {  	[hbm4b:s20+s3] =	stream.linear.scatter [tilespmem:s18], [sflag:$0x8], $0x80, $0x38;
	[tilespmem:$0x1B800] =	vst v63  }
0x190: {  	s18 =	sadd.s32 $0x14D20, s11;
	s20 =	sadd.s32 $0x20, s16  }
0x191: {  	[hbm4b:s20+s3] =	stream.linear.scatter [tilespmem:s18], [sflag:$0x8], $0x80, $0x38;
	[tilespmem:$0x1B800] =	vst v63  }
0x192: {  	s18 =	sadd.s32 $0x14DB0, s11;
	s20 =	sadd.s32 $0x30, s16  }
0x193: {  	[hbm4b:s20+s3] =	stream.linear.scatter [tilespmem:s18], [sflag:$0x8], $0x80, $0x38;
	[tilespmem:$0x1B800] =	vst v63  }
0x194: {  	s18 =	sadd.s32 $0x14E40, s11;
	s20 =	sadd.s32 $0x40, s16  }
0x195: {  	[hbm4b:s20+s3] =	stream.linear.scatter [tilespmem:s18], [sflag:$0x8], $0x80, $0x38;
	[tilespmem:$0x1B800] =	vst v63  }
.Ltmp5:
0x196: {  	s18 =	sadd.s32 $0x14ED0, s11;
	s20 =	sadd.s32 $0x50, s16;
	(pc) =	sbr.rel @p1 .LBB2_13-.Ltmp5, $4  }
0x197: {  	[hbm4b:s20+s3] =	stream.linear.scatter [tilespmem:s18], [sflag:$0x8], $0x80, $0x38;
	[tilespmem:$0x1B800] =	vst v63  }
0x198: {  	s18 =	sadd.s32 $0x14F60, s11;
	s20 =	sadd.s32 $0x60, s16;
	s11 =	sadd.s32 $0x14FF0, s11  }
0x199: {  	[hbm4b:s20+s3] =	stream.linear.scatter [tilespmem:s18], [sflag:$0x8], $0x80, $0x38;
	[tilespmem:$0x1B800] =	vst v63  }
0x19a: {  	s20 =	sadd.s32 $0x70, s16;
	s16 =	sadd.s32 $0x4000, s16;
	s18 =	smov.u32 s14  }
0x19b: {  	[hbm4b:s20+s3] =	stream.linear.scatter [tilespmem:s11], [sflag:$0x8], $0x80, $0x38;
	[tilespmem:$0x1B800] =	vst v63  }
0x19c: {  	s18 =	sadd.s32 $0x14C00, s6  }
0x19d: {  	[hbm4b:s16+s3] =	stream.linear.scatter [tilespmem:s18], [sflag:$0x8], $0x80, $0x38;
	[tilespmem:$0x1B800] =	vst v63  }
0x19e: {  	s20 =	sadd.s32 $0x14C90, s6;
	s14 =	sadd.s32 $0x10, s16  }
0x19f: {  	[hbm4b:s14+s3] =	stream.linear.scatter [tilespmem:s20], [sflag:$0x8], $0x80, $0x38;
	[tilespmem:$0x1B800] =	vst v63  }
0x1a0: {  	s18 =	sadd.s32 $0x14D20, s6;
	s20 =	sadd.s32 $0x20, s16  }
0x1a1: {  	[hbm4b:s20+s3] =	stream.linear.scatter [tilespmem:s18], [sflag:$0x8], $0x80, $0x38;
	[tilespmem:$0x1B800] =	vst v63  }
0x1a2: {  	s18 =	sadd.s32 $0x14DB0, s6;
	s20 =	sadd.s32 $0x30, s16  }
0x1a3: {  	[hbm4b:s20+s3] =	stream.linear.scatter [tilespmem:s18], [sflag:$0x8], $0x80, $0x38;
	[tilespmem:$0x1B800] =	vst v63  }
0x1a4: {  	s18 =	sadd.s32 $0x14E40, s6;
	s20 =	sadd.s32 $0x40, s16  }
0x1a5: {  	[hbm4b:s20+s3] =	stream.linear.scatter [tilespmem:s18], [sflag:$0x8], $0x80, $0x38;
	[tilespmem:$0x1B800] =	vst v63  }
0x1a6: {  	s14 =	sadd.s32 $0x70, s16;
	s18 =	sadd.s32 $0x14ED0, s6;
	s20 =	sadd.s32 $0x50, s16  }
0x1a7: {  	[hbm4b:s20+s3] =	stream.linear.scatter [tilespmem:s18], [sflag:$0x8], $0x80, $0x38;
	[tilespmem:$0x1B800] =	vst v63  }
0x1a8: {  	s18 =	sadd.s32 $0x14F60, s6;
	s20 =	sadd.s32 $0x60, s16;
	s16 =	smin.u32 s0, $0xC0  }
0x1a9: {  	[hbm4b:s20+s3] =	stream.linear.scatter [tilespmem:s18], [sflag:$0x8], $0x80, $0x38;
	[tilespmem:$0x1B800] =	vst v63  }
0x1aa: {  	s11 =	sadd.s32 $0x14FF0, s6;
	s6 =	sshll.u32 s16, $0x7  }
0x1ab: {  	[hbm4b:s14+s3] =	stream.linear.scatter [tilespmem:s11], [sflag:$0x8], $0x80, $0x38;
	[tilespmem:$0x1B800] =	vst v63  }
0x1ac: {  	s6 =	sadd.s32 $0x380, s6  }
0x1ad: {  	[tilespmem:s17], [sflag:$0x3] =	stream.indirect.gather [hbm4b:s5+s13], $0x40, s6, s13, $0xb8;
	[tilespmem:$0x1B800] =	vst v63  }
0x1ae: {  	s6 =	simm.s32 @!p0 $0x9  }
0x1af: {  	_ =	swait.ge @!p0 [sflag:s6], $0x2000  }
0x1b0: {  	[sflag:s6] =	ssyncset.done @!p0 $0x0  }
0x1b1: {  	[sflag:s6] =	ssyncadd.s32 @!p0 $0xFFFFE000  }
0x1b2: {  	s18 =	simm.s32 $0x3;
	_ =	swait.ge [sflag:s29], $0x2000  }
0x1b3: {  	s20 =	simm.s32 $0x0;
	v4 =	vmov s18;
	[sflag:s29] =	ssyncset.done $0x0  }
0x1b4: {  	s18 =	simm.s32 $0xC480;
	v5 =	vand.u32 $0x7F, v4;
	v4 =	vmov s20;
	s11 =	simm.s32 $0x1;
	[sflag:s29] =	ssyncadd.s32 $0xFFFFE000  }
0x1b5: {  	v8 =	vadd.s32 v0, v5;
	v6 =	vand.u32 $0x7C, v4;
	v4 =	vmov s11;
	v7 =	vld [tilespmem:s18+$0x40]  }
0x1b6: {  	v10 =	vadd.s32 v0, v6;
	v11 =	vand.u32 $0x7D, v4;
	v9 =	vld [tilespmem:s18+$0xFFFFFF80]  }
0x1b7: {  	s14 =	simm.s32 $0x2;
	v12 =	vadd.s32 v0, v11;
	v4 =	vld [tilespmem:s18+$0xFFFFFFC0]  }
0x1b8: {  	v13 =	vmov s14  }
0x1b9: {  	v13 =	vand.u32 $0x7E, v13  }
0x1ba: {  	v15 =	vadd.s32 v0, v13;
	v14 =	vld [tilespmem:s18+$0x0];
	[tilespmem:v8+s30+$0x0] =	vst.idx.msk $0xffff, v7  }
0x1bb: {  	v8 =	vadd.s32 v1, v5;
	[tilespmem:v10+s30+$0x0] =	vst.idx.msk $0xffff, v9;
	v7 =	vld [tilespmem:s18+$0x50]  }
0x1bc: {  	v10 =	vadd.s32 v1, v6;
	[tilespmem:v12+s30+$0x0] =	vst.idx.msk $0xffff, v4;
	v9 =	vld [tilespmem:s18+$0xFFFFFF90]  }
0x1bd: {  	v12 =	vadd.s32 v1, v11;
	v4 =	vld [tilespmem:s18+$0xFFFFFFD0];
	_ =	sdelay $0x1  }
0x1be: {  	[tilespmem:v15+s30+$0x0] =	vst.idx.msk $0xffff, v14  }
0x1bf: {  	v16 =	vadd.s32 v1, v13;
	v15 =	vld [tilespmem:s18+$0x10];
	[tilespmem:v8+s30+$0x0] =	vst.idx.msk $0xffff, v7  }
0x1c0: {  	s16 =	simm.s32 $0x7;
	v14 =	vadd.s32 v2, v5;
	[tilespmem:v10+s30+$0x0] =	vst.idx.msk $0xffff, v9;
	v7 =	vld [tilespmem:s18+$0x60]  }
0x1c1: {  	v10 =	vadd.s32 v2, v6;
	v8 =	vmov s16;
	[tilespmem:v12+s30+$0x0] =	vst.idx.msk $0xffff, v4;
	v9 =	vld [tilespmem:s18+$0xFFFFFFA0]  }
0x1c2: {  	v17 =	vadd.s32 v2, v11;
	s16 =	simm.s32 $0xC580;
	v8 =	vand.u32 $0x7F, v8;
	v12 =	vld [tilespmem:s18+$0xFFFFFFE0]  }
0x1c3: {  	s20 =	simm.s32 $0x4;
	v18 =	vld [tilespmem:s16+$0x40];
	v19 =	vadd.s32 v0, v8  }
0x1c4: {  	s14 =	simm.s32 $0x5;
	v4 =	vmov s20;
	[tilespmem:v16+s30+$0x0] =	vst.idx.msk $0xffff, v15  }
0x1c5: {  	v22 =	vmov s14;
	v4 =	vand.u32 $0x7C, v4;
	[tilespmem:v14+s30+$0x0] =	vst.idx.msk $0xffff, v7  }
0x1c6: {  	s20 =	simm.s32 $0x6;
	v20 =	vld [tilespmem:s16+$0xFFFFFF80];
	v21 =	vadd.s32 v0, v4;
	v7 =	vand.u32 $0x7D, v22;
	[tilespmem:v10+s30+$0x0] =	vst.idx.msk $0xffff, v9  }
0x1c7: {  	v14 =	vmov s20;
	v9 =	vld [tilespmem:s16+$0xFFFFFFC0];
	[tilespmem:v17+s30+$0x0] =	vst.idx.msk $0xffff, v12;
	v10 =	vadd.s32 v0, v7  }
0x1c8: {  	v16 =	vadd.s32 v3, v5;
	v12 =	vld [tilespmem:s18+$0x20];
	v5 =	vand.u32 $0x7E, v14;
	[tilespmem:v19+s30+$0x0] =	vst.idx.msk $0xffff, v18;
	v18 =	vadd.s32 v2, v13  }
0x1c9: {  	v14 =	vld [tilespmem:s16+$0x0];
	v63 =	vadd.s32 v0, v5  }
0x1ca: {  	v15 =	vld [tilespmem:s18+$0x70]  }
0x1cb: {  	[tilespmem:v21+s30+$0x0] =	vst.idx.msk $0xffff, v20;
	v20 =	vadd.s32 v1, v8;
	v19 =	vld [tilespmem:s16+$0x50]  }
0x1cc: {  	v23 =	vadd.s32 v1, v4;
	v21 =	vld [tilespmem:s16+$0xFFFFFF90];
	[tilespmem:v10+s30+$0x0] =	vst.idx.msk $0xffff, v9  }
0x1cd: {  	v25 =	vadd.s32 v3, v11;
	v24 =	vld [tilespmem:s18+$0xFFFFFFF0];
	[tilespmem:v18+s30+$0x0] =	vst.idx.msk $0xffff, v12  }
0x1ce: {  	v18 =	vadd.s32 v1, v7;
	v17 =	vld [tilespmem:s16+$0xFFFFFFD0];
	[tilespmem:v63+s30+$0x0] =	vst.idx.msk $0xffff, v14  }
0x1cf: {  	[tilespmem:v16+s30+$0x0] =	vst.idx.msk $0xffff, v15;
	v16 =	vadd.s32 v1, v5;
	v15 =	vld [tilespmem:s16+$0x10]  }
0x1d0: {  	[tilespmem:v20+s30+$0x0] =	vst.idx.msk $0xffff, v19;
	v11 =	vld [tilespmem:s18+$0x30];
	v14 =	vadd.s32 v3, v13  }
0x1d1: {  	v12 =	vadd.s32 v2, v8;
	[tilespmem:v23+s30+$0x0] =	vst.idx.msk $0xffff, v21;
	v9 =	vld [tilespmem:s16+$0x60]  }
0x1d2: {  	s11 =	simm.s32 $0xB;
	s6 =	simm.s32 $0xC;
	s20 =	simm.s32 $0x8;
	[tilespmem:v25+s30+$0x0] =	vst.idx.msk $0xffff, v24;
	v13 =	vadd.s32 v2, v4;
	v10 =	vld [tilespmem:s16+$0xFFFFFFA0]  }
.LBB2_15:
0x1d3: {  	p1 =	slt.u32 s6, $0x7C;
	v19 =	vmov s11;
	[tilespmem:v18+s30+$0x0] =	vst.idx.msk $0xffff, v17;
	v17 =	vld [tilespmem:s18+$0xFFFFFFB0];
	v18 =	vadd.s32 v3, v6;
	v6 =	vmov v4;
	s18 =	smov.u32 s16  }
0x1d4: {  	v4 =	vmov s20;
	v21 =	vadd.s32 v2, v7;
	s16 =	sadd.s32 $0x100, s16;
	v19 =	vand.u32 $0x7F, v19;
	v20 =	vld [tilespmem:s18+$0xFFFFFFE0];
	[tilespmem:v16+s30+$0x0] =	vst.idx.msk $0xffff, v15  }
0x1d5: {  	s11 =	sadd.s32 $0x1, s20;
	v4 =	vand.u32 $0x7C, v4;
	v15 =	vld [tilespmem:s16+$0x40];
	v16 =	vadd.s32 v0, v19;
	[tilespmem:v14+s30+$0x0] =	vst.idx.msk $0xffff, v11  }
0x1d6: {  	v22 =	vmov s11;
	s11 =	sadd.s32 $0x2, s20;
	s20 =	smov.u32 s6;
	v14 =	vadd.s32 v0, v4;
	v11 =	vld [tilespmem:s16+$0xFFFFFF80];
	[tilespmem:v12+s30+$0x0] =	vst.idx.msk $0xffff, v9  }
0x1d7: {  	v9 =	vand.u32 $0x7D, v22;
	v12 =	vmov s11;
	[tilespmem:v13+s30+$0x0] =	vst.idx.msk $0xffff, v10;
	v10 =	vld [tilespmem:s18+$0x70];
	v13 =	vadd.s32 v3, v8;
	v8 =	vmovc v19  }
0x1d8: {  	v22 =	vadd.s32 v0, v9;
	v12 =	vand.u32 $0x7E, v12;
	v19 =	vld [tilespmem:s16+$0xFFFFFFC0];
	[tilespmem:v18+s30+$0x0] =	vst.idx.msk $0xffff, v17  }
0x1d9: {  	v24 =	vadd.s32 v0, v12;
	v23 =	vld [tilespmem:s16+$0x0];
	[tilespmem:v21+s30+$0x0] =	vst.idx.msk $0xffff, v20  }
0x1da: {  	v21 =	vadd.s32 v2, v5;
	[tilespmem:v16+s30+$0x0] =	vst.idx.msk $0xffff, v15;
	v20 =	vld [tilespmem:s18+$0x20]  }
0x1db: {  	[tilespmem:v14+s30+$0x0] =	vst.idx.msk $0xffff, v11;
	v11 =	vld [tilespmem:s16+$0x50];
	v14 =	vadd.s32 v1, v8  }
0x1dc: {  	v26 =	vadd.s32 v1, v4;
	v25 =	vld [tilespmem:s16+$0xFFFFFF90];
	[tilespmem:v13+s30+$0x0] =	vst.idx.msk $0xffff, v10  }
0x1dd: {  	[tilespmem:v22+s30+$0x0] =	vst.idx.msk $0xffff, v19;
	v19 =	vld [tilespmem:s18+$0xFFFFFFF0];
	v22 =	vadd.s32 v3, v7;
	v7 =	vmov v9  }
.Ltmp6:
0x1de: {  	v17 =	vld [tilespmem:s16+$0xFFFFFFD0];
	v18 =	vadd.s32 v1, v7;
	[tilespmem:v24+s30+$0x0] =	vst.idx.msk $0xffff, v23;
	(pc) =	sbr.rel @p1 .LBB2_15-.Ltmp6, $4  }
0x1df: {  	v16 =	vadd.s32 v1, v12;
	v15 =	vld [tilespmem:s16+$0x10];
	[tilespmem:v21+s30+$0x0] =	vst.idx.msk $0xffff, v20  }
0x1e0: {  	[tilespmem:v14+s30+$0x0] =	vst.idx.msk $0xffff, v11;
	v11 =	vld [tilespmem:s18+$0x30];
	v14 =	vadd.s32 v3, v5;
	v5 =	vmov v12  }
0x1e1: {  	v12 =	vadd.s32 v2, v8;
	[tilespmem:v26+s30+$0x0] =	vst.idx.msk $0xffff, v25;
	v9 =	vld [tilespmem:s16+$0x60]  }
0x1e2: {  	s6 =	sadd.s32 $0x4, s6;
	s11 =	sadd.s32 $0x3, s20;
	v13 =	vadd.s32 v2, v4;
	v10 =	vld [tilespmem:s16+$0xFFFFFFA0];
	[tilespmem:v22+s30+$0x0] =	vst.idx.msk $0xffff, v19  }
0x1e3: {  	_ =	sdelay $0x2  }
0x1e4: {  	v19 =	vmov s11  }
0x1e5: {  	s14 =	sadd.s32 $0x1, s20;
	[tilespmem:v18+s30+$0x0] =	vst.idx.msk $0xffff, v17;
	v30 =	vld [tilespmem:s18+$0xFFFFFFB0];
	v6 =	vadd.s32 v3, v6;
	s6 =	sadd.s32 $0x100, s16;
	v21 =	vmov s20;
	v31 =	vand.u32 $0x7F, v19  }
0x1e6: {  	v32 =	vmov s14;
	s14 =	sadd.s32 $0x2, s20;
	[tilespmem:v16+s30+$0x0] =	vst.idx.msk $0xffff, v15;
	v33 =	vld [tilespmem:s6+$0x40];
	v21 =	vand.u32 $0x7C, v21;
	v34 =	vadd.s32 v0, v31  }
0x1e7: {  	v22 =	vld [tilespmem:s6+$0xFFFFFF80];
	v19 =	vand.u32 $0x7D, v32;
	v20 =	vmov s14;
	[tilespmem:v14+s30+$0x0] =	vst.idx.msk $0xffff, v11;
	v39 =	vadd.s32 v0, v21  }
0x1e8: {  	v35 =	vld [tilespmem:s6+$0xFFFFFFC0];
	v36 =	vadd.s32 v0, v19;
	v20 =	vand.u32 $0x7E, v20;
	[tilespmem:v12+s30+$0x0] =	vst.idx.msk $0xffff, v9  }
0x1e9: {  	v37 =	vld [tilespmem:s6+$0x0];
	v38 =	vadd.s32 v0, v20;
	[tilespmem:v13+s30+$0x0] =	vst.idx.msk $0xffff, v10  }
0x1ea: {  	v41 =	vadd.s32 v2, v7;
	v40 =	vld [tilespmem:s16+$0xFFFFFFE0];
	[tilespmem:v6+s30+$0x0] =	vst.idx.msk $0xffff, v30  }
0x1eb: {  	v49 =	vadd.s32 v2, v5;
	v48 =	vld [tilespmem:s16+$0x20];
	[tilespmem:v34+s30+$0x0] =	vst.idx.msk $0xffff, v33  }
0x1ec: {  	v43 =	vadd.s32 v1, v31;
	[tilespmem:v39+s30+$0x0] =	vst.idx.msk $0xffff, v22;
	v15 =	vld [tilespmem:s6+$0x50]  }
0x1ed: {  	v47 =	vadd.s32 v1, v21;
	[tilespmem:v36+s30+$0x0] =	vst.idx.msk $0xffff, v35;
	v46 =	vld [tilespmem:s6+$0xFFFFFF90]  }
0x1ee: {  	v44 =	vadd.s32 v1, v19;
	v11 =	vld [tilespmem:s6+$0xFFFFFFD0];
	[tilespmem:v38+s30+$0x0] =	vst.idx.msk $0xffff, v37  }
0x1ef: {  	v45 =	vadd.s32 v1, v20;
	[tilespmem:v41+s30+$0x0] =	vst.idx.msk $0xffff, v40;
	v9 =	vld [tilespmem:s6+$0x10]  }
0x1f0: {  	v8 =	vadd.s32 v3, v8;
	v42 =	vld [tilespmem:s16+$0x70];
	[tilespmem:v49+s30+$0x0] =	vst.idx.msk $0xffff, v48  }
0x1f1: {  	v5 =	vadd.s32 v3, v5;
	v13 =	vld [tilespmem:s16+$0x30];
	[tilespmem:v43+s30+$0x0] =	vst.idx.msk $0xffff, v15  }
0x1f2: {  	v52 =	vadd.s32 v2, v31;
	[tilespmem:v47+s30+$0x0] =	vst.idx.msk $0xffff, v46;
	v15 =	vld [tilespmem:s6+$0x60]  }
0x1f3: {  	v57 =	vadd.s32 v2, v21;
	[tilespmem:v44+s30+$0x0] =	vst.idx.msk $0xffff, v11;
	v56 =	vld [tilespmem:s6+$0xFFFFFFA0]  }
0x1f4: {  	v53 =	vadd.s32 v2, v19;
	v11 =	vld [tilespmem:s6+$0xFFFFFFE0];
	[tilespmem:v45+s30+$0x0] =	vst.idx.msk $0xffff, v9  }
0x1f5: {  	v55 =	vadd.s32 v2, v20;
	[tilespmem:v8+s30+$0x0] =	vst.idx.msk $0xffff, v42;
	v54 =	vld [tilespmem:s6+$0x20]  }
0x1f6: {  	v4 =	vadd.s32 v3, v4;
	v58 =	vld [tilespmem:s16+$0xFFFFFFB0];
	[tilespmem:v5+s30+$0x0] =	vst.idx.msk $0xffff, v13  }
0x1f7: {  	v51 =	vadd.s32 v3, v7;
	v50 =	vld [tilespmem:s16+$0xFFFFFFF0];
	[tilespmem:v52+s30+$0x0] =	vst.idx.msk $0xffff, v15  }
0x1f8: {  	v60 =	vadd.s32 v3, v31;
	[tilespmem:v57+s30+$0x0] =	vst.idx.msk $0xffff, v56;
	v59 =	vld [tilespmem:s6+$0x70]  }
0x1f9: {  	v63 =	vadd.s32 v3, v21;
	[tilespmem:v53+s30+$0x0] =	vst.idx.msk $0xffff, v11;
	v5 =	vld [tilespmem:s6+$0xFFFFFFB0]  }
0x1fa: {  	v61 =	vadd.s32 v3, v19;
	v11 =	vld [tilespmem:s6+$0xFFFFFFF0];
	[tilespmem:v55+s30+$0x0] =	vst.idx.msk $0xffff, v54  }
0x1fb: {  	v62 =	vadd.s32 v3, v20;
	[tilespmem:v4+s30+$0x0] =	vst.idx.msk $0xffff, v58;
	v6 =	vld [tilespmem:s6+$0x30]  }
0x1fc: {  	s18 =	sadd.s32 s0, s9;
	[tilespmem:v51+s30+$0x0] =	vst.idx.msk $0xffff, v50  }
0x1fd: {  	s20 =	sshll.u32 s18, $0x7;
	[tilespmem:v60+s30+$0x0] =	vst.idx.msk $0xffff, v59  }
0x1fe: {  	s11 =	sand.u32 $0x3F80, s20;
	s6 =	sshll.u32 s18, $0xA;
	[tilespmem:v63+s30+$0x0] =	vst.idx.msk $0xffff, v5  }
0x1ff: {  	s11 =	sadd.s32 s2, s11;
	s6 =	sand.u32 $0xFFE0000, s6;
	[tilespmem:v61+s30+$0x0] =	vst.idx.msk $0xffff, v11  }
0x200: {  	s14 =	sadd.s32 s6, s11;
	s11 =	simm.s32 $0x17000;
	[tilespmem:v62+s30+$0x0] =	vst.idx.msk $0xffff, v6  }
0x201: {  	[hbm4b:s14+s3] =	stream.linear.scatter [tilespmem:s11], [sflag:$0x9], $0x80, $0x38;
	[tilespmem:$0x1B800] =	vst v63  }
0x202: {  	s16 =	simm.s32 $0x17090;
	s11 =	sadd.s32 $0x10, s14  }
0x203: {  	[hbm4b:s11+s3] =	stream.linear.scatter [tilespmem:s16], [sflag:$0x9], $0x80, $0x38;
	[tilespmem:$0x1B800] =	vst v63  }
0x204: {  	s18 =	simm.s32 $0x17120;
	s20 =	sadd.s32 $0x20, s14  }
0x205: {  	[hbm4b:s20+s3] =	stream.linear.scatter [tilespmem:s18], [sflag:$0x9], $0x80, $0x38;
	[tilespmem:$0x1B800] =	vst v63  }
0x206: {  	s11 =	simm.s32 $0x171B0;
	s16 =	sadd.s32 $0x30, s14  }
0x207: {  	[hbm4b:s16+s3] =	stream.linear.scatter [tilespmem:s11], [sflag:$0x9], $0x80, $0x38;
	[tilespmem:$0x1B800] =	vst v63  }
0x208: {  	s18 =	simm.s32 $0x17240;
	s20 =	sadd.s32 $0x40, s14  }
0x209: {  	[hbm4b:s20+s3] =	stream.linear.scatter [tilespmem:s18], [sflag:$0x9], $0x80, $0x38;
	[tilespmem:$0x1B800] =	vst v63  }
0x20a: {  	s6 =	simm.s32 $0x480;
	s11 =	simm.s32 $0x172D0;
	s16 =	sadd.s32 $0x50, s14  }
0x20b: {  	[hbm4b:s16+s3] =	stream.linear.scatter [tilespmem:s11], [sflag:$0x9], $0x80, $0x38;
	[tilespmem:$0x1B800] =	vst v63  }
0x20c: {  	s18 =	simm.s32 $0x17360;
	s20 =	sadd.s32 $0x60, s14;
	s11 =	simm.s32 $0x173F0  }
0x20d: {  	[hbm4b:s20+s3] =	stream.linear.scatter [tilespmem:s18], [sflag:$0x9], $0x80, $0x38;
	[tilespmem:$0x1B800] =	vst v63  }
0x20e: {  	s16 =	sadd.s32 $0x4000, s14;
	s18 =	simm.s32 $0x2400;
	s20 =	sadd.s32 $0x70, s14  }
.LBB2_17:
0x20f: {  	[hbm4b:s20+s3] =	stream.linear.scatter [tilespmem:s11], [sflag:$0x9], $0x80, $0x38;
	[tilespmem:$0x1B800] =	vst v63  }
0x210: {  	s11 =	smov.u32 s6;
	s6 =	smov.u32 s18  }
0x211: {  	s14 =	sadd.s32 $0x1200, s18;
	s6 =	sshra.s32 s6, $0x2;
	s20 =	sadd.s32 $0x17000, s11  }
0x212: {  	[hbm4b:s16+s3] =	stream.linear.scatter [tilespmem:s20], [sflag:$0x9], $0x80, $0x38;
	[tilespmem:$0x1B800] =	vst v63  }
0x213: {  	p1 =	sne.s32 s18, $0x7E00;
	s18 =	sadd.s32 $0x17090, s11;
	s20 =	sadd.s32 $0x10, s16  }
0x214: {  	[hbm4b:s20+s3] =	stream.linear.scatter [tilespmem:s18], [sflag:$0x9], $0x80, $0x38;
	[tilespmem:$0x1B800] =	vst v63  }
0x215: {  	s18 =	sadd.s32 $0x17120, s11;
	s20 =	sadd.s32 $0x20, s16  }
0x216: {  	[hbm4b:s20+s3] =	stream.linear.scatter [tilespmem:s18], [sflag:$0x9], $0x80, $0x38;
	[tilespmem:$0x1B800] =	vst v63  }
0x217: {  	s18 =	sadd.s32 $0x171B0, s11;
	s20 =	sadd.s32 $0x30, s16  }
0x218: {  	[hbm4b:s20+s3] =	stream.linear.scatter [tilespmem:s18], [sflag:$0x9], $0x80, $0x38;
	[tilespmem:$0x1B800] =	vst v63  }
0x219: {  	s18 =	sadd.s32 $0x17240, s11;
	s20 =	sadd.s32 $0x40, s16  }
0x21a: {  	[hbm4b:s20+s3] =	stream.linear.scatter [tilespmem:s18], [sflag:$0x9], $0x80, $0x38;
	[tilespmem:$0x1B800] =	vst v63  }
.Ltmp7:
0x21b: {  	s18 =	sadd.s32 $0x172D0, s11;
	s20 =	sadd.s32 $0x50, s16;
	(pc) =	sbr.rel @p1 .LBB2_17-.Ltmp7, $4  }
0x21c: {  	[hbm4b:s20+s3] =	stream.linear.scatter [tilespmem:s18], [sflag:$0x9], $0x80, $0x38;
	[tilespmem:$0x1B800] =	vst v63  }
0x21d: {  	s18 =	sadd.s32 $0x17360, s11;
	s20 =	sadd.s32 $0x60, s16;
	s11 =	sadd.s32 $0x173F0, s11  }
0x21e: {  	[hbm4b:s20+s3] =	stream.linear.scatter [tilespmem:s18], [sflag:$0x9], $0x80, $0x38;
	[tilespmem:$0x1B800] =	vst v63  }
0x21f: {  	s20 =	sadd.s32 $0x70, s16;
	s16 =	sadd.s32 $0x4000, s16;
	s18 =	smov.u32 s14  }
0x220: {  	[hbm4b:s20+s3] =	stream.linear.scatter [tilespmem:s11], [sflag:$0x9], $0x80, $0x38;
	[tilespmem:$0x1B800] =	vst v63  }
0x221: {  	s18 =	sadd.s32 $0x17000, s6  }
0x222: {  	[hbm4b:s16+s3] =	stream.linear.scatter [tilespmem:s18], [sflag:$0x9], $0x80, $0x38;
	[tilespmem:$0x1B800] =	vst v63  }
0x223: {  	s20 =	sadd.s32 $0x17090, s6;
	s14 =	sadd.s32 $0x10, s16  }
0x224: {  	[hbm4b:s14+s3] =	stream.linear.scatter [tilespmem:s20], [sflag:$0x9], $0x80, $0x38;
	[tilespmem:$0x1B800] =	vst v63  }
0x225: {  	s18 =	sadd.s32 $0x17120, s6;
	s20 =	sadd.s32 $0x20, s16  }
0x226: {  	[hbm4b:s20+s3] =	stream.linear.scatter [tilespmem:s18], [sflag:$0x9], $0x80, $0x38;
	[tilespmem:$0x1B800] =	vst v63  }
0x227: {  	s18 =	sadd.s32 $0x171B0, s6;
	s20 =	sadd.s32 $0x30, s16  }
0x228: {  	[hbm4b:s20+s3] =	stream.linear.scatter [tilespmem:s18], [sflag:$0x9], $0x80, $0x38;
	[tilespmem:$0x1B800] =	vst v63  }
0x229: {  	s18 =	sadd.s32 $0x17240, s6;
	s20 =	sadd.s32 $0x40, s16  }
0x22a: {  	[hbm4b:s20+s3] =	stream.linear.scatter [tilespmem:s18], [sflag:$0x9], $0x80, $0x38;
	[tilespmem:$0x1B800] =	vst v63  }
0x22b: {  	s14 =	sadd.s32 $0x70, s16;
	s18 =	sadd.s32 $0x172D0, s6;
	s20 =	sadd.s32 $0x50, s16  }
0x22c: {  	[hbm4b:s20+s3] =	stream.linear.scatter [tilespmem:s18], [sflag:$0x9], $0x80, $0x38;
	[tilespmem:$0x1B800] =	vst v63  }
0x22d: {  	s18 =	sadd.s32 $0x17360, s6;
	s20 =	sadd.s32 $0x60, s16;
	s16 =	smin.u32 s0, $0xBF  }
0x22e: {  	[hbm4b:s20+s3] =	stream.linear.scatter [tilespmem:s18], [sflag:$0x9], $0x80, $0x38;
	[tilespmem:$0x1B800] =	vst v63  }
0x22f: {  	s11 =	sadd.s32 $0x173F0, s6;
	s6 =	sshll.u32 s16, $0x7  }
0x230: {  	[hbm4b:s14+s3] =	stream.linear.scatter [tilespmem:s11], [sflag:$0x9], $0x80, $0x38;
	[tilespmem:$0x1B800] =	vst v63  }
0x231: {  	s6 =	sadd.s32 $0x400, s6  }
0x232: {  	[tilespmem:s19], [sflag:$0x4] =	stream.indirect.gather [hbm4b:s5+s13], $0x40, s6, s13, $0xb8;
	[tilespmem:$0x1B800] =	vst v63  }
0x233: {  	s6 =	simm.s32 @!p0 $0xA  }
0x234: {  	_ =	swait.ge @!p0 [sflag:s6], $0x2000  }
0x235: {  	[sflag:s6] =	ssyncset.done @!p0 $0x0  }
0x236: {  	[sflag:s6] =	ssyncadd.s32 @!p0 $0xFFFFE000  }
0x237: {  	s18 =	simm.s32 $0x3;
	_ =	swait.ge [sflag:s31], $0x2000  }
0x238: {  	s20 =	simm.s32 $0x0;
	v4 =	vmov s18;
	[sflag:s31] =	ssyncset.done $0x0  }
0x239: {  	s18 =	simm.s32 $0xE480;
	v5 =	vand.u32 $0x7F, v4;
	v4 =	vmov s20;
	s11 =	simm.s32 $0x1;
	[sflag:s31] =	ssyncadd.s32 $0xFFFFE000  }
0x23a: {  	v8 =	vadd.s32 v0, v5;
	v6 =	vand.u32 $0x7C, v4;
	v4 =	vmov s11;
	v7 =	vld [tilespmem:s18+$0x40]  }
0x23b: {  	v10 =	vadd.s32 v0, v6;
	v11 =	vand.u32 $0x7D, v4;
	v9 =	vld [tilespmem:s18+$0xFFFFFF80]  }
0x23c: {  	s14 =	simm.s32 $0x2;
	v12 =	vadd.s32 v0, v11;
	v4 =	vld [tilespmem:s18+$0xFFFFFFC0]  }
0x23d: {  	v13 =	vmov s14  }
0x23e: {  	v13 =	vand.u32 $0x7E, v13  }
0x23f: {  	v15 =	vadd.s32 v0, v13;
	v14 =	vld [tilespmem:s18+$0x0];
	[tilespmem:v8+s1+$0x0] =	vst.idx.msk $0xffff, v7  }
0x240: {  	v8 =	vadd.s32 v1, v5;
	[tilespmem:v10+s1+$0x0] =	vst.idx.msk $0xffff, v9;
	v7 =	vld [tilespmem:s18+$0x50]  }
0x241: {  	v10 =	vadd.s32 v1, v6;
	[tilespmem:v12+s1+$0x0] =	vst.idx.msk $0xffff, v4;
	v9 =	vld [tilespmem:s18+$0xFFFFFF90]  }
0x242: {  	v12 =	vadd.s32 v1, v11;
	v4 =	vld [tilespmem:s18+$0xFFFFFFD0];
	_ =	sdelay $0x1  }
0x243: {  	[tilespmem:v15+s1+$0x0] =	vst.idx.msk $0xffff, v14  }
0x244: {  	v16 =	vadd.s32 v1, v13;
	v15 =	vld [tilespmem:s18+$0x10];
	[tilespmem:v8+s1+$0x0] =	vst.idx.msk $0xffff, v7  }
0x245: {  	s16 =	simm.s32 $0x7;
	v14 =	vadd.s32 v2, v5;
	[tilespmem:v10+s1+$0x0] =	vst.idx.msk $0xffff, v9;
	v7 =	vld [tilespmem:s18+$0x60]  }
0x246: {  	v10 =	vadd.s32 v2, v6;
	v8 =	vmov s16;
	[tilespmem:v12+s1+$0x0] =	vst.idx.msk $0xffff, v4;
	v9 =	vld [tilespmem:s18+$0xFFFFFFA0]  }
0x247: {  	v17 =	vadd.s32 v2, v11;
	s16 =	simm.s32 $0xE580;
	v8 =	vand.u32 $0x7F, v8;
	v12 =	vld [tilespmem:s18+$0xFFFFFFE0]  }
0x248: {  	s20 =	simm.s32 $0x4;
	v18 =	vld [tilespmem:s16+$0x40];
	v19 =	vadd.s32 v0, v8  }
0x249: {  	s14 =	simm.s32 $0x5;
	v4 =	vmov s20;
	[tilespmem:v16+s1+$0x0] =	vst.idx.msk $0xffff, v15  }
0x24a: {  	v22 =	vmov s14;
	v4 =	vand.u32 $0x7C, v4;
	[tilespmem:v14+s1+$0x0] =	vst.idx.msk $0xffff, v7  }
0x24b: {  	s20 =	simm.s32 $0x6;
	v20 =	vld [tilespmem:s16+$0xFFFFFF80];
	v21 =	vadd.s32 v0, v4;
	v7 =	vand.u32 $0x7D, v22;
	[tilespmem:v10+s1+$0x0] =	vst.idx.msk $0xffff, v9  }
0x24c: {  	v14 =	vmov s20;
	v9 =	vld [tilespmem:s16+$0xFFFFFFC0];
	[tilespmem:v17+s1+$0x0] =	vst.idx.msk $0xffff, v12;
	v10 =	vadd.s32 v0, v7  }
0x24d: {  	v16 =	vadd.s32 v3, v5;
	v12 =	vld [tilespmem:s18+$0x20];
	v5 =	vand.u32 $0x7E, v14;
	[tilespmem:v19+s1+$0x0] =	vst.idx.msk $0xffff, v18;
	v18 =	vadd.s32 v2, v13  }
0x24e: {  	v14 =	vld [tilespmem:s16+$0x0];
	v63 =	vadd.s32 v0, v5  }
0x24f: {  	v15 =	vld [tilespmem:s18+$0x70]  }
0x250: {  	[tilespmem:v21+s1+$0x0] =	vst.idx.msk $0xffff, v20;
	v20 =	vadd.s32 v1, v8;
	v19 =	vld [tilespmem:s16+$0x50]  }
0x251: {  	v23 =	vadd.s32 v1, v4;
	v21 =	vld [tilespmem:s16+$0xFFFFFF90];
	[tilespmem:v10+s1+$0x0] =	vst.idx.msk $0xffff, v9  }
0x252: {  	v25 =	vadd.s32 v3, v11;
	v24 =	vld [tilespmem:s18+$0xFFFFFFF0];
	[tilespmem:v18+s1+$0x0] =	vst.idx.msk $0xffff, v12  }
0x253: {  	v18 =	vadd.s32 v1, v7;
	v17 =	vld [tilespmem:s16+$0xFFFFFFD0];
	[tilespmem:v63+s1+$0x0] =	vst.idx.msk $0xffff, v14  }
0x254: {  	[tilespmem:v16+s1+$0x0] =	vst.idx.msk $0xffff, v15;
	v16 =	vadd.s32 v1, v5;
	v15 =	vld [tilespmem:s16+$0x10]  }
0x255: {  	[tilespmem:v20+s1+$0x0] =	vst.idx.msk $0xffff, v19;
	v11 =	vld [tilespmem:s18+$0x30];
	v14 =	vadd.s32 v3, v13  }
0x256: {  	v12 =	vadd.s32 v2, v8;
	[tilespmem:v23+s1+$0x0] =	vst.idx.msk $0xffff, v21;
	v9 =	vld [tilespmem:s16+$0x60]  }
0x257: {  	s11 =	simm.s32 $0xB;
	s6 =	simm.s32 $0xC;
	s20 =	simm.s32 $0x8;
	[tilespmem:v25+s1+$0x0] =	vst.idx.msk $0xffff, v24;
	v13 =	vadd.s32 v2, v4;
	v10 =	vld [tilespmem:s16+$0xFFFFFFA0]  }
.LBB2_19:
0x258: {  	p0 =	slt.u32 s6, $0x7C;
	v19 =	vmov s11;
	[tilespmem:v18+s1+$0x0] =	vst.idx.msk $0xffff, v17;
	v17 =	vld [tilespmem:s18+$0xFFFFFFB0];
	v18 =	vadd.s32 v3, v6;
	v6 =	vmov v4;
	s18 =	smov.u32 s16  }
0x259: {  	v4 =	vmov s20;
	v21 =	vadd.s32 v2, v7;
	s16 =	sadd.s32 $0x100, s16;
	v19 =	vand.u32 $0x7F, v19;
	v20 =	vld [tilespmem:s18+$0xFFFFFFE0];
	[tilespmem:v16+s1+$0x0] =	vst.idx.msk $0xffff, v15  }
0x25a: {  	s11 =	sadd.s32 $0x1, s20;
	v4 =	vand.u32 $0x7C, v4;
	v15 =	vld [tilespmem:s16+$0x40];
	v16 =	vadd.s32 v0, v19;
	[tilespmem:v14+s1+$0x0] =	vst.idx.msk $0xffff, v11  }
0x25b: {  	v22 =	vmov s11;
	s11 =	sadd.s32 $0x2, s20;
	s20 =	smov.u32 s6;
	v14 =	vadd.s32 v0, v4;
	v11 =	vld [tilespmem:s16+$0xFFFFFF80];
	[tilespmem:v12+s1+$0x0] =	vst.idx.msk $0xffff, v9  }
0x25c: {  	v9 =	vand.u32 $0x7D, v22;
	v12 =	vmov s11;
	[tilespmem:v13+s1+$0x0] =	vst.idx.msk $0xffff, v10;
	v10 =	vld [tilespmem:s18+$0x70];
	v13 =	vadd.s32 v3, v8;
	v8 =	vmovc v19  }
0x25d: {  	v22 =	vadd.s32 v0, v9;
	v12 =	vand.u32 $0x7E, v12;
	v19 =	vld [tilespmem:s16+$0xFFFFFFC0];
	[tilespmem:v18+s1+$0x0] =	vst.idx.msk $0xffff, v17  }
0x25e: {  	v24 =	vadd.s32 v0, v12;
	v23 =	vld [tilespmem:s16+$0x0];
	[tilespmem:v21+s1+$0x0] =	vst.idx.msk $0xffff, v20  }
0x25f: {  	v21 =	vadd.s32 v2, v5;
	[tilespmem:v16+s1+$0x0] =	vst.idx.msk $0xffff, v15;
	v20 =	vld [tilespmem:s18+$0x20]  }
0x260: {  	[tilespmem:v14+s1+$0x0] =	vst.idx.msk $0xffff, v11;
	v11 =	vld [tilespmem:s16+$0x50];
	v14 =	vadd.s32 v1, v8  }
0x261: {  	v26 =	vadd.s32 v1, v4;
	v25 =	vld [tilespmem:s16+$0xFFFFFF90];
	[tilespmem:v13+s1+$0x0] =	vst.idx.msk $0xffff, v10  }
0x262: {  	[tilespmem:v22+s1+$0x0] =	vst.idx.msk $0xffff, v19;
	v19 =	vld [tilespmem:s18+$0xFFFFFFF0];
	v22 =	vadd.s32 v3, v7;
	v7 =	vmov v9  }
.Ltmp8:
0x263: {  	v17 =	vld [tilespmem:s16+$0xFFFFFFD0];
	v18 =	vadd.s32 v1, v7;
	[tilespmem:v24+s1+$0x0] =	vst.idx.msk $0xffff, v23;
	(pc) =	sbr.rel @p0 .LBB2_19-.Ltmp8, $4  }
0x264: {  	v16 =	vadd.s32 v1, v12;
	v15 =	vld [tilespmem:s16+$0x10];
	[tilespmem:v21+s1+$0x0] =	vst.idx.msk $0xffff, v20  }
0x265: {  	[tilespmem:v14+s1+$0x0] =	vst.idx.msk $0xffff, v11;
	v11 =	vld [tilespmem:s18+$0x30];
	v14 =	vadd.s32 v3, v5;
	v5 =	vmov v12  }
0x266: {  	v12 =	vadd.s32 v2, v8;
	[tilespmem:v26+s1+$0x0] =	vst.idx.msk $0xffff, v25;
	v9 =	vld [tilespmem:s16+$0x60]  }
0x267: {  	s6 =	sadd.s32 $0x4, s6;
	s11 =	sadd.s32 $0x3, s20;
	v13 =	vadd.s32 v2, v4;
	v10 =	vld [tilespmem:s16+$0xFFFFFFA0];
	[tilespmem:v22+s1+$0x0] =	vst.idx.msk $0xffff, v19  }
0x268: {  	_ =	sdelay $0x2  }
0x269: {  	v19 =	vmov s11  }
0x26a: {  	s14 =	sadd.s32 $0x1, s20;
	[tilespmem:v18+s1+$0x0] =	vst.idx.msk $0xffff, v17;
	v30 =	vld [tilespmem:s18+$0xFFFFFFB0];
	v6 =	vadd.s32 v3, v6;
	s6 =	sadd.s32 $0x100, s16;
	v21 =	vmov s20;
	v31 =	vand.u32 $0x7F, v19  }
0x26b: {  	v32 =	vmov s14;
	s14 =	sadd.s32 $0x2, s20;
	[tilespmem:v16+s1+$0x0] =	vst.idx.msk $0xffff, v15;
	v33 =	vld [tilespmem:s6+$0x40];
	v21 =	vand.u32 $0x7C, v21;
	v34 =	vadd.s32 v0, v31  }
0x26c: {  	v22 =	vld [tilespmem:s6+$0xFFFFFF80];
	v19 =	vand.u32 $0x7D, v32;
	v20 =	vmov s14;
	[tilespmem:v14+s1+$0x0] =	vst.idx.msk $0xffff, v11;
	v39 =	vadd.s32 v0, v21  }
0x26d: {  	v35 =	vld [tilespmem:s6+$0xFFFFFFC0];
	v36 =	vadd.s32 v0, v19;
	v20 =	vand.u32 $0x7E, v20;
	[tilespmem:v12+s1+$0x0] =	vst.idx.msk $0xffff, v9  }
0x26e: {  	v37 =	vld [tilespmem:s6+$0x0];
	v38 =	vadd.s32 v0, v20;
	[tilespmem:v13+s1+$0x0] =	vst.idx.msk $0xffff, v10  }
0x26f: {  	v41 =	vadd.s32 v2, v7;
	v40 =	vld [tilespmem:s16+$0xFFFFFFE0];
	[tilespmem:v6+s1+$0x0] =	vst.idx.msk $0xffff, v30  }
0x270: {  	v49 =	vadd.s32 v2, v5;
	v48 =	vld [tilespmem:s16+$0x20];
	[tilespmem:v34+s1+$0x0] =	vst.idx.msk $0xffff, v33  }
0x271: {  	v43 =	vadd.s32 v1, v31;
	[tilespmem:v39+s1+$0x0] =	vst.idx.msk $0xffff, v22;
	v15 =	vld [tilespmem:s6+$0x50]  }
0x272: {  	v47 =	vadd.s32 v1, v21;
	[tilespmem:v36+s1+$0x0] =	vst.idx.msk $0xffff, v35;
	v46 =	vld [tilespmem:s6+$0xFFFFFF90]  }
0x273: {  	v44 =	vadd.s32 v1, v19;
	v11 =	vld [tilespmem:s6+$0xFFFFFFD0];
	[tilespmem:v38+s1+$0x0] =	vst.idx.msk $0xffff, v37  }
0x274: {  	v45 =	vadd.s32 v1, v20;
	[tilespmem:v41+s1+$0x0] =	vst.idx.msk $0xffff, v40;
	v9 =	vld [tilespmem:s6+$0x10]  }
0x275: {  	v8 =	vadd.s32 v3, v8;
	v42 =	vld [tilespmem:s16+$0x70];
	[tilespmem:v49+s1+$0x0] =	vst.idx.msk $0xffff, v48  }
0x276: {  	v5 =	vadd.s32 v3, v5;
	v13 =	vld [tilespmem:s16+$0x30];
	[tilespmem:v43+s1+$0x0] =	vst.idx.msk $0xffff, v15  }
0x277: {  	v52 =	vadd.s32 v2, v31;
	[tilespmem:v47+s1+$0x0] =	vst.idx.msk $0xffff, v46;
	v15 =	vld [tilespmem:s6+$0x60]  }
0x278: {  	v57 =	vadd.s32 v2, v21;
	[tilespmem:v44+s1+$0x0] =	vst.idx.msk $0xffff, v11;
	v56 =	vld [tilespmem:s6+$0xFFFFFFA0]  }
0x279: {  	v53 =	vadd.s32 v2, v19;
	v11 =	vld [tilespmem:s6+$0xFFFFFFE0];
	[tilespmem:v45+s1+$0x0] =	vst.idx.msk $0xffff, v9  }
0x27a: {  	v55 =	vadd.s32 v2, v20;
	[tilespmem:v8+s1+$0x0] =	vst.idx.msk $0xffff, v42;
	v54 =	vld [tilespmem:s6+$0x20]  }
0x27b: {  	v4 =	vadd.s32 v3, v4;
	v58 =	vld [tilespmem:s16+$0xFFFFFFB0];
	[tilespmem:v5+s1+$0x0] =	vst.idx.msk $0xffff, v13  }
0x27c: {  	v51 =	vadd.s32 v3, v7;
	v50 =	vld [tilespmem:s16+$0xFFFFFFF0];
	[tilespmem:v52+s1+$0x0] =	vst.idx.msk $0xffff, v15  }
0x27d: {  	v60 =	vadd.s32 v3, v31;
	[tilespmem:v57+s1+$0x0] =	vst.idx.msk $0xffff, v56;
	v59 =	vld [tilespmem:s6+$0x70]  }
0x27e: {  	v63 =	vadd.s32 v3, v21;
	[tilespmem:v53+s1+$0x0] =	vst.idx.msk $0xffff, v11;
	v5 =	vld [tilespmem:s6+$0xFFFFFFB0]  }
0x27f: {  	v61 =	vadd.s32 v3, v19;
	v11 =	vld [tilespmem:s6+$0xFFFFFFF0];
	[tilespmem:v55+s1+$0x0] =	vst.idx.msk $0xffff, v54  }
0x280: {  	v62 =	vadd.s32 v3, v20;
	[tilespmem:v4+s1+$0x0] =	vst.idx.msk $0xffff, v58;
	v6 =	vld [tilespmem:s6+$0x30]  }
0x281: {  	s18 =	sadd.s32 s0, s10;
	[tilespmem:v51+s1+$0x0] =	vst.idx.msk $0xffff, v50  }
0x282: {  	s20 =	sshll.u32 s18, $0x7;
	[tilespmem:v60+s1+$0x0] =	vst.idx.msk $0xffff, v59  }
0x283: {  	s11 =	sand.u32 $0x3F80, s20;
	s6 =	sshll.u32 s18, $0xA;
	[tilespmem:v63+s1+$0x0] =	vst.idx.msk $0xffff, v5  }
0x284: {  	s11 =	sadd.s32 s2, s11;
	s6 =	sand.u32 $0xFFE0000, s6;
	[tilespmem:v61+s1+$0x0] =	vst.idx.msk $0xffff, v11  }
0x285: {  	s14 =	sadd.s32 s6, s11;
	s11 =	simm.s32 $0x19400;
	[tilespmem:v62+s1+$0x0] =	vst.idx.msk $0xffff, v6  }
0x286: {  	[hbm4b:s14+s3] =	stream.linear.scatter [tilespmem:s11], [sflag:$0xA], $0x80, $0x38;
	[tilespmem:$0x1B800] =	vst v63  }
0x287: {  	s16 =	simm.s32 $0x19490;
	s11 =	sadd.s32 $0x10, s14  }
0x288: {  	[hbm4b:s11+s3] =	stream.linear.scatter [tilespmem:s16], [sflag:$0xA], $0x80, $0x38;
	[tilespmem:$0x1B800] =	vst v63  }
0x289: {  	s18 =	simm.s32 $0x19520;
	s20 =	sadd.s32 $0x20, s14  }
0x28a: {  	[hbm4b:s20+s3] =	stream.linear.scatter [tilespmem:s18], [sflag:$0xA], $0x80, $0x38;
	[tilespmem:$0x1B800] =	vst v63  }
0x28b: {  	s11 =	simm.s32 $0x195B0;
	s16 =	sadd.s32 $0x30, s14  }
0x28c: {  	[hbm4b:s16+s3] =	stream.linear.scatter [tilespmem:s11], [sflag:$0xA], $0x80, $0x38;
	[tilespmem:$0x1B800] =	vst v63  }
0x28d: {  	s18 =	simm.s32 $0x19640;
	s20 =	sadd.s32 $0x40, s14  }
0x28e: {  	[hbm4b:s20+s3] =	stream.linear.scatter [tilespmem:s18], [sflag:$0xA], $0x80, $0x38;
	[tilespmem:$0x1B800] =	vst v63  }
0x28f: {  	s6 =	simm.s32 $0x480;
	s11 =	simm.s32 $0x196D0;
	s16 =	sadd.s32 $0x50, s14  }
0x290: {  	[hbm4b:s16+s3] =	stream.linear.scatter [tilespmem:s11], [sflag:$0xA], $0x80, $0x38;
	[tilespmem:$0x1B800] =	vst v63  }
0x291: {  	s18 =	simm.s32 $0x19760;
	s20 =	sadd.s32 $0x60, s14;
	s11 =	simm.s32 $0x197F0  }
0x292: {  	[hbm4b:s20+s3] =	stream.linear.scatter [tilespmem:s18], [sflag:$0xA], $0x80, $0x38;
	[tilespmem:$0x1B800] =	vst v63  }
0x293: {  	s16 =	sadd.s32 $0x4000, s14;
	s18 =	simm.s32 $0x2400;
	s20 =	sadd.s32 $0x70, s14  }
.LBB2_21:
0x294: {  	[hbm4b:s20+s3] =	stream.linear.scatter [tilespmem:s11], [sflag:$0xA], $0x80, $0x38;
	[tilespmem:$0x1B800] =	vst v63  }
0x295: {  	s11 =	smov.u32 s6;
	s6 =	smov.u32 s18  }
0x296: {  	s14 =	sadd.s32 $0x1200, s18;
	s6 =	sshra.s32 s6, $0x2;
	s20 =	sadd.s32 $0x19400, s11  }
0x297: {  	[hbm4b:s16+s3] =	stream.linear.scatter [tilespmem:s20], [sflag:$0xA], $0x80, $0x38;
	[tilespmem:$0x1B800] =	vst v63  }
0x298: {  	p0 =	sne.s32 s18, $0x7E00;
	s18 =	sadd.s32 $0x19490, s11;
	s20 =	sadd.s32 $0x10, s16  }
0x299: {  	[hbm4b:s20+s3] =	stream.linear.scatter [tilespmem:s18], [sflag:$0xA], $0x80, $0x38;
	[tilespmem:$0x1B800] =	vst v63  }
0x29a: {  	s18 =	sadd.s32 $0x19520, s11;
	s20 =	sadd.s32 $0x20, s16  }
0x29b: {  	[hbm4b:s20+s3] =	stream.linear.scatter [tilespmem:s18], [sflag:$0xA], $0x80, $0x38;
	[tilespmem:$0x1B800] =	vst v63  }
0x29c: {  	s18 =	sadd.s32 $0x195B0, s11;
	s20 =	sadd.s32 $0x30, s16  }
0x29d: {  	[hbm4b:s20+s3] =	stream.linear.scatter [tilespmem:s18], [sflag:$0xA], $0x80, $0x38;
	[tilespmem:$0x1B800] =	vst v63  }
0x29e: {  	s18 =	sadd.s32 $0x19640, s11;
	s20 =	sadd.s32 $0x40, s16  }
0x29f: {  	[hbm4b:s20+s3] =	stream.linear.scatter [tilespmem:s18], [sflag:$0xA], $0x80, $0x38;
	[tilespmem:$0x1B800] =	vst v63  }
.Ltmp9:
0x2a0: {  	s18 =	sadd.s32 $0x196D0, s11;
	s20 =	sadd.s32 $0x50, s16;
	(pc) =	sbr.rel @p0 .LBB2_21-.Ltmp9, $4  }
0x2a1: {  	[hbm4b:s20+s3] =	stream.linear.scatter [tilespmem:s18], [sflag:$0xA], $0x80, $0x38;
	[tilespmem:$0x1B800] =	vst v63  }
0x2a2: {  	s18 =	sadd.s32 $0x19760, s11;
	s20 =	sadd.s32 $0x60, s16;
	s11 =	sadd.s32 $0x197F0, s11  }
0x2a3: {  	[hbm4b:s20+s3] =	stream.linear.scatter [tilespmem:s18], [sflag:$0xA], $0x80, $0x38;
	[tilespmem:$0x1B800] =	vst v63  }
0x2a4: {  	s20 =	sadd.s32 $0x70, s16;
	s16 =	sadd.s32 $0x4000, s16;
	s18 =	smov.u32 s14  }
0x2a5: {  	[hbm4b:s20+s3] =	stream.linear.scatter [tilespmem:s11], [sflag:$0xA], $0x80, $0x38;
	[tilespmem:$0x1B800] =	vst v63  }
0x2a6: {  	s18 =	sadd.s32 $0x19400, s6  }
0x2a7: {  	[hbm4b:s16+s3] =	stream.linear.scatter [tilespmem:s18], [sflag:$0xA], $0x80, $0x38;
	[tilespmem:$0x1B800] =	vst v63  }
0x2a8: {  	s20 =	sadd.s32 $0x19490, s6;
	s14 =	sadd.s32 $0x10, s16  }
0x2a9: {  	[hbm4b:s14+s3] =	stream.linear.scatter [tilespmem:s20], [sflag:$0xA], $0x80, $0x38;
	[tilespmem:$0x1B800] =	vst v63  }
0x2aa: {  	s18 =	sadd.s32 $0x19520, s6;
	s20 =	sadd.s32 $0x20, s16  }
0x2ab: {  	[hbm4b:s20+s3] =	stream.linear.scatter [tilespmem:s18], [sflag:$0xA], $0x80, $0x38;
	[tilespmem:$0x1B800] =	vst v63  }
0x2ac: {  	s18 =	sadd.s32 $0x195B0, s6;
	s20 =	sadd.s32 $0x30, s16  }
0x2ad: {  	[hbm4b:s20+s3] =	stream.linear.scatter [tilespmem:s18], [sflag:$0xA], $0x80, $0x38;
	[tilespmem:$0x1B800] =	vst v63  }
0x2ae: {  	s18 =	sadd.s32 $0x19640, s6;
	s20 =	sadd.s32 $0x40, s16  }
0x2af: {  	[hbm4b:s20+s3] =	stream.linear.scatter [tilespmem:s18], [sflag:$0xA], $0x80, $0x38;
	[tilespmem:$0x1B800] =	vst v63  }
0x2b0: {  	s12 =	sadd.s32 $0x1, s12;
	s18 =	sadd.s32 $0x196D0, s6;
	s20 =	sadd.s32 $0x50, s16  }
0x2b1: {  	[hbm4b:s20+s3] =	stream.linear.scatter [tilespmem:s18], [sflag:$0xA], $0x80, $0x38;
	[tilespmem:$0x1B800] =	vst v63  }
0x2b2: {  	p0 =	sne.s32 s12, $0x28;
	s18 =	sadd.s32 $0x19760, s6;
	s20 =	sadd.s32 $0x60, s16  }
0x2b3: {  	[hbm4b:s20+s3] =	stream.linear.scatter [tilespmem:s18], [sflag:$0xA], $0x80, $0x38;
	[tilespmem:$0x1B800] =	vst v63  }
.Ltmp10:
0x2b4: {  	s0 =	smin.u32 s0, $0xBE;
	(pc) =	sbr.rel @p0 .LBB2_2-.Ltmp10, $4  }
0x2b5: {  	s0 =	sshll.u32 s0, $0x7;
	s18 =	sadd.s32 $0x197F0, s6;
	s20 =	sadd.s32 $0x70, s16  }
0x2b6: {  	[hbm4b:s20+s3] =	stream.linear.scatter [tilespmem:s18], [sflag:$0xA], $0x80, $0x38;
	[tilespmem:$0x1B800] =	vst v63  }
0x2b7: {  	s0 =	sadd.s32 $0x480, s0  }
0x2b8: {  	[tilespmem:s21], [sflag:$0x5] =	stream.indirect.gather [hbm4b:s5+s13], $0x40, s0, s13, $0xb8;
	[tilespmem:$0x1B800] =	vst v63  }
0x2b9: {  	_ =	swait.ge [sflag:s22], $0x2000  }
0x2ba: {  	[sflag:s22] =	ssyncset.done $0x0  }
0x2bb: {  	s0 =	simm.s32 $0x6;
	[sflag:s22] =	ssyncadd.s32 $0xFFFFE000  }
0x2bc: {  	_ =	swait.ge [sflag:s0], $0x2000  }
0x2bd: {  	[sflag:s0] =	ssyncset.done $0x0  }
0x2be: {  	[sflag:s0] =	ssyncadd.s32 $0xFFFFE000  }
0x2bf: {  	_ =	swait.ge [sflag:s24], $0x2000  }
0x2c0: {  	[sflag:s24] =	ssyncset.done $0x0  }
0x2c1: {  	s14 =	simm.s32 $0x7;
	[sflag:s24] =	ssyncadd.s32 $0xFFFFE000  }
0x2c2: {  	_ =	swait.ge [sflag:s14], $0x2000  }
0x2c3: {  	[sflag:s14] =	ssyncset.done $0x0  }
0x2c4: {  	[sflag:s14] =	ssyncadd.s32 $0xFFFFE000  }
0x2c5: {  	_ =	swait.ge [sflag:s26], $0x2000  }
0x2c6: {  	[sflag:s26] =	ssyncset.done $0x0  }
0x2c7: {  	s16 =	simm.s32 $0x8;
	[sflag:s26] =	ssyncadd.s32 $0xFFFFE000  }
0x2c8: {  	_ =	swait.ge [sflag:s16], $0x2000  }
0x2c9: {  	[sflag:s16] =	ssyncset.done $0x0  }
0x2ca: {  	[sflag:s16] =	ssyncadd.s32 $0xFFFFE000  }
0x2cb: {  	_ =	swait.ge [sflag:s29], $0x2000  }
0x2cc: {  	[sflag:s29] =	ssyncset.done $0x0  }
0x2cd: {  	s18 =	simm.s32 $0x9;
	[sflag:s29] =	ssyncadd.s32 $0xFFFFE000  }
0x2ce: {  	_ =	swait.ge [sflag:s18], $0x2000  }
0x2cf: {  	[sflag:s18] =	ssyncset.done $0x0  }
0x2d0: {  	[sflag:s18] =	ssyncadd.s32 $0xFFFFE000  }
0x2d1: {  	_ =	swait.ge [sflag:s31], $0x2000  }
0x2d2: {  	[sflag:s31] =	ssyncset.done $0x0  }
0x2d3: {  	s6 =	simm.s32 $0xA;
	[sflag:s31] =	ssyncadd.s32 $0xFFFFE000  }
0x2d4: {  	_ =	swait.ge [sflag:s6], $0x2000  }
0x2d5: {  	s11 =	rddreg [dreg:$0x5]  }
0x2d6: {  	s20 =	rddreg [dreg:$0x4];
	s11 =	sadd.s32 $0x1, s11  }
0x2d7: {  	p0 =	sne.s32 s11, s20  }
.Ltmp11:
0x2d8: {  	_ = 	snop;
	(pc) =	sbr.rel @p0 .LBB2_1-.Ltmp11, $3  }
0x2d9: {  	_ =	sdelay $0x1  }
0x2da: {  	[sflag:s6] =	ssyncset.done $0x0  }
0x2db: {  	[sflag:s6] =	ssyncadd.s32 $0xFFFFE000  }
0x2dc: {  	_ =	sfence.sel $0x180000  }
0x2dd: {  	[bflag:$0x0] =	sbarrier.arrive $0xFFFF  }
0x2de: {  	_ =	strace $0x90000047  }
0x2df: {  	s0 =	stileid.u32;
	[bflag:$0x2] =	sbarrier.arrive $0xFFFF  }
0x2e0: {  	p0 =	sne.s32 s0, $0x0;
	s0 =	rddreg [dreg:$0x2]  }
0x2e1: {  	s0 =	sadd.s32 @!p0 $0x100000, s0  }
0x2e2: {  	[sflag:s0] =	ssyncadd.tile.s32 @!p0 $0x1;
	_ =	shalt  }
.Lfunc_end2:
_tile_overlayer_lowered:
.L_overlay_start_2:
0x2e3: {  	(tag) =	ssettag $0x2  }
0x2e4: {  	s0 =	rddreg [dreg:$0x0];
	s2 =	stileid.u32  }
0x2e5: {  	s1 =	rddreg [dreg:$0x1];
	p0 =	sne.s32 s2, $0x0  }
0x2e6: {  	s3 =	rddreg [dreg:$0x2];
	[bflag:$0x3] =	sbarrier.arrive $0xFFFF;
	s2 =	simm.s32 @!p0 $0x1C0B  }
0x2e7: {  	[timem:s3], [sflag:s2] =	dma.local @!p0 [hbm:s0], s1  }
0x2e8: {  	s0 =	simm.s32 @!p0 $0xB  }
0x2e9: {  	_ =	swait.ge @!p0 [sflag:s0], s1  }
0x2ea: {  	s1 =	ssub.s32 @!p0 $0x0, s1;
	[sflag:s0] =	ssyncset.done @!p0 $0x0  }
0x2eb: {  	[sflag:s0] =	ssyncadd.s32 @!p0 s1  }
0x2ec: {  	[bflag:$0x3] =	sbarrier.arrive $0xFFFF  }
0x2ed: {  	_ =	shalt  }

</sc_bundles>
